<compile_context>
chip_gen: v7x
topology: tpu7x:2x2x1
jax: 0.10.2.dev20260603
libtpu: 0.0.44.dev20260713+nightly
codegen_flags: <defaults>
</compile_context>

<pallas_src>
import math
import functools

import jax
import jax.numpy as jnp
from jax import lax
from jax.experimental import pallas as pl
from jax.experimental.pallas import tpu as pltpu
from jax.experimental.pallas import tpu_sc as plsc

_NC = 2
_NS = 16
_NW = _NC * _NS
_L = 16


def _sc_lookup(coords_flat, row_embed, col_embed, *, grid_size, num_emb, dh):
  total = coords_flat.shape[0]
  points = total // 2
  ppw = points // _NW
  cpw = 2 * ppw
  chunk = 32
  nb = 4
  n_chunks = ppw // chunk
  mchunk = total // _NS
  nv = min(grid_size + 1, num_emb)
  nvs = (nv + 7) // 8 * 8
  nvp = 3 * _L
  rpt = (nv + _NS - 1) // _NS

  mesh = plsc.VectorSubcoreMesh(
      core_axis_name="c", subcore_axis_name="s",
      num_cores=_NC, num_subcores=_NS)

  @functools.partial(
      pl.kernel,
      out_type=(
          jax.ShapeDtypeStruct((points, 2 * dh), jnp.float32),
          jax.ShapeDtypeStruct((nv * nvs, 2 * dh), jnp.float32),
          jax.ShapeDtypeStruct((_NW * _L,), jnp.float32),
      ),
      mesh=mesh,
      compiler_params=pltpu.CompilerParams(needs_layout_passes=False),
      scratch_types=[
          pltpu.VMEM((mchunk,), jnp.float32),
          pltpu.VMEM((cpw,), jnp.float32),
          pltpu.VMEM((ppw,), jnp.int32),
          pltpu.VMEM((nvp,), jnp.int32),
          pltpu.VMEM((nvp,), jnp.int32),
          pltpu.VMEM((_L,), jnp.float32),
          pltpu.VMEM((_NS * _L,), jnp.float32),
      ] + [pltpu.VMEM((chunk, 2 * dh), jnp.float32)] * nb
        + [pltpu.SemaphoreType.DMA] * (2 * nb),
  )
  def body(coords_hbm, row_hbm, col_hbm, out_hbm, comb_hbm, pmax_hbm,
           mbuf, cbuf, cidx, ibr, ibc, pbuf, lbuf, *bufs_sems):
    kbufs = bufs_sems[:nb]
    gsems = bufs_sems[nb:2 * nb]
    wsems = bufs_sems[2 * nb:3 * nb]
    cid = lax.axis_index("c")
    sid = lax.axis_index("s")
    wid = sid * _NC + cid

    pltpu.sync_copy(coords_hbm.at[pl.ds(sid * mchunk, mchunk)], mbuf)

    def red(i, accs):
      a0, a1, a2, a3 = accs
      base = i * (4 * _L)
      a0 = jnp.maximum(a0, mbuf[pl.ds(base, _L)])
      a1 = jnp.maximum(a1, mbuf[pl.ds(base + _L, _L)])
      a2 = jnp.maximum(a2, mbuf[pl.ds(base + 2 * _L, _L)])
      a3 = jnp.maximum(a3, mbuf[pl.ds(base + 3 * _L, _L)])
      return (a0, a1, a2, a3)

    neg = jnp.full((_L,), -jnp.inf, dtype=jnp.float32)
    a0, a1, a2, a3 = lax.fori_loop(0, mchunk // (4 * _L), red,
                                   (neg, neg, neg, neg))
    pbuf[pl.ds(0, _L)] = jnp.maximum(jnp.maximum(a0, a1),
                                     jnp.maximum(a2, a3))
    pltpu.sync_copy(pbuf, pmax_hbm.at[pl.ds((cid * _NS + sid) * _L, _L)])

    pltpu.sync_copy(coords_hbm.at[pl.ds(wid * cpw, cpw)], cbuf)

    for i in range(nvp // _L):
      ibc[pl.ds(i * _L, _L)] = lax.iota(jnp.int32, _L) + i * _L

    lo = chunk
    hi = nvs - chunk
    for rr in range(rpt):
      r = sid * rpt + rr

      @pl.when(r < nv)
      def _():
        for i in range(nvp // _L):
          ibr[pl.ds(i * _L, _L)] = jnp.full((_L,), r, dtype=jnp.int32)
        cps = (
            pltpu.make_async_copy(
                row_hbm.at[ibr.at[pl.ds(0, lo)]],
                kbufs[0].at[:, pl.ds(0, dh)], gsems[0]),
            pltpu.make_async_copy(
                col_hbm.at[ibc.at[pl.ds(0, lo)]],
                kbufs[0].at[:, pl.ds(dh, dh)], gsems[0]),
            pltpu.make_async_copy(
                row_hbm.at[ibr.at[pl.ds(lo, hi)]],
                kbufs[1].at[pl.ds(0, hi), pl.ds(0, dh)], gsems[1]),
            pltpu.make_async_copy(
                col_hbm.at[ibc.at[pl.ds(lo, hi)]],
                kbufs[1].at[pl.ds(0, hi), pl.ds(dh, dh)], gsems[1]),
        )
        for cp in cps:
          cp.start()
        for cp in cps:
          cp.wait()
        pltpu.sync_copy(kbufs[0], comb_hbm.at[pl.ds(r * nvs, lo)])
        pltpu.sync_copy(kbufs[1].at[pl.ds(0, hi)],
                        comb_hbm.at[pl.ds(r * nvs + lo, hi)])

    plsc.subcore_barrier()

    pltpu.sync_copy(pmax_hbm.at[pl.ds(cid * _NS * _L, _NS * _L)], lbuf)
    acc = lbuf[pl.ds(0, _L)]
    for i in range(1, _NS):
      acc = jnp.maximum(acc, lbuf[pl.ds(i * _L, _L)])
    iota = lax.iota(jnp.int32, _L)
    for s in (1, 2, 4, 8):
      acc = jnp.maximum(acc, acc.at[iota ^ s].get(mode="promise_in_bounds"))
    max_coord = acc

    gs = jnp.float32(grid_size)

    def idx_group(g):
      base = g * (2 * _L)
      xi = base + 2 * iota
      x = plsc.load_gather(cbuf, [xi])
      y = plsc.load_gather(cbuf, [xi + 1])
      r = jnp.clip((y / max_coord * gs).astype(jnp.int32), 0, nv - 1)
      c = jnp.clip((x / max_coord * gs).astype(jnp.int32), 0, nv - 1)
      cidx[pl.ds(g * _L, _L)] = r * nvs + c

    def g_copies(k, b):
      p0 = k * chunk
      return (
          pltpu.make_async_copy(
              comb_hbm.at[cidx.at[pl.ds(p0, chunk)]], kbufs[b], gsems[b]),
      )

    def w_copies(k, b):
      o0 = wid * ppw + k * chunk
      return (
          pltpu.make_async_copy(
              kbufs[b], out_hbm.at[pl.ds(o0, chunk)], wsems[b]),
      )

    def issue(copies):
      for c in copies:
        c.start()

    def drain(copies):
      for c in copies:
        c.wait()

    gpc = chunk // _L

    def idx_chunk(k):
      for gg in range(gpc):
        idx_group(k * gpc + gg)

    for b in range(nb):
      idx_chunk(b)
      issue(g_copies(b, b))

    n_super = n_chunks // nb

    def pipe_step(jj, _):
      for b in range(nb):
        k = jj * nb + b

        @pl.when(jj < n_super - 1)
        def _():
          idx_chunk(k + nb)
        drain(g_copies(k, b))
        issue(w_copies(k, b))

        @pl.when(jj < n_super - 1)
        def _():
          drain(w_copies(k, b))
          issue(g_copies(k + nb, b))
      return 0

    lax.fori_loop(0, n_super, pipe_step, 0)
    for b in range(nb):
      drain(w_copies(n_chunks - nb + b, b))

  return body(coords_flat, row_embed, col_embed)


def kernel(patch_coords, row_embed, col_embed):
  b, n, _ = patch_coords.shape
  num_emb, dh = row_embed.shape
  grid_size = int(math.sqrt(n)) + 1
  points = b * n
  assert points % (_NW * 128) == 0

  coords_flat = jnp.reshape(patch_coords, (2 * points,))
  out, _unused_comb, _unused_pmax = _sc_lookup(
      coords_flat, row_embed, col_embed,
      grid_size=grid_size, num_emb=num_emb, dh=dh)
  return jnp.reshape(out, (b, n, 2 * dh))

# --- scband reference (transcript-rebuilt; emitter-appended) ---
"""Pipeline reference for scband-positional-encoding2-d-16527034155277 (READ-ONLY COPY).

The authoritative reference and input builder live on the scoring server;
editing this copy changes nothing except your own understanding.
"""

import jax, jax.numpy as jnp
import numpy as np
import math

D_MODEL = 768
MAX_PATCHES = 10000
NUM_EMB = int(math.sqrt(MAX_PATCHES)) + 1  # 101
B, N = 64, 1024

def setup_inputs(seed: int = 0) -> dict:
    key = jax.random.key(seed)
    k1, k2, k3 = jax.random.split(key, 3)
    patch_coords = jax.random.uniform(k1, (B, N, 2), dtype=jnp.float32)
    row_embed = jax.random.normal(k2, (NUM_EMB, D_MODEL // 2), dtype=jnp.float32)
    col_embed = jax.random.normal(k3, (NUM_EMB, D_MODEL // 2), dtype=jnp.float32)
    return {"patch_coords": patch_coords, "row_embed": row_embed, "col_embed": col_embed}

def reference(patch_coords, row_embed, col_embed):
    batch_size, num_patches, _ = patch_coords.shape
    max_coord = jnp.max(patch_coords)
    grid_size = int(math.sqrt(num_patches)) + 1  # static python int, matches torch
    row_indices = (patch_coords[:, :, 1] / max_coord * grid_size).astype(jnp.int32)
    col_indices = (patch_coords[:, :, 0] / max_coord * grid_size).astype(jnp.int32)
    row_indices = jnp.clip(row_indices, 0, row_embed.shape[0] - 1)
    col_indices = jnp.clip(col_indices, 0, col_embed.shape[0] - 1)
    row_embeds = jnp.take(row_embed, row_indices, axis=0)
    col_embeds = jnp.take(col_embed, col_indices, axis=0)
    pos_embeds = jnp.concatenate([row_embeds, col_embeds], axis=-1)
    return pos_embeds

if __name__ == "__main__":
    import jax
    _d = setup_inputs()
    print(jax.jit(kernel)(*tuple(_d.values())))

</pallas_src>

<mosaic_0001>
#map = affine_map<(d0, d1) -> (0)>
#map1 = affine_map<(d0, d1) -> (0, 0)>
module attributes {stable_mosaic.version = 14 : i64} {
  func.func @body(%arg0: i32, %arg1: i32, %arg2: memref<131072xf32, #tpu.memory_space<hbm>>, %arg3: memref<101x384xf32, #tpu.memory_space<hbm>>, %arg4: memref<101x384xf32, #tpu.memory_space<hbm>>, %arg5: memref<65536x768xf32, #tpu.memory_space<hbm>>, %arg6: memref<1360x768xf32, #tpu.memory_space<hbm>>, %arg7: memref<512xf32, #tpu.memory_space<hbm>>, %arg8: memref<8192xf32, #tpu.memory_space<vmem>>, %arg9: memref<4096xf32, #tpu.memory_space<vmem>>, %arg10: memref<2048xi32, #tpu.memory_space<vmem>>, %arg11: memref<48xi32, #tpu.memory_space<vmem>>, %arg12: memref<48xi32, #tpu.memory_space<vmem>>, %arg13: memref<16xf32, #tpu.memory_space<vmem>>, %arg14: memref<256xf32, #tpu.memory_space<vmem>>, %arg15: memref<32x768xf32, #tpu.memory_space<vmem>>, %arg16: memref<32x768xf32, #tpu.memory_space<vmem>>, %arg17: memref<32x768xf32, #tpu.memory_space<vmem>>, %arg18: memref<32x768xf32, #tpu.memory_space<vmem>>, %arg19: memref<!tpu.dma_semaphore, #tpu.memory_space<semaphore_mem>>, %arg20: memref<!tpu.dma_semaphore, #tpu.memory_space<semaphore_mem>>, %arg21: memref<!tpu.dma_semaphore, #tpu.memory_space<semaphore_mem>>, %arg22: memref<!tpu.dma_semaphore, #tpu.memory_space<semaphore_mem>>, %arg23: memref<!tpu.dma_semaphore, #tpu.memory_space<semaphore_mem>>, %arg24: memref<!tpu.dma_semaphore, #tpu.memory_space<semaphore_mem>>, %arg25: memref<!tpu.dma_semaphore, #tpu.memory_space<semaphore_mem>>, %arg26: memref<!tpu.dma_semaphore, #tpu.memory_space<semaphore_mem>>) attributes {dimension_semantics = [#tpu.dimension_semantics<core_parallel>, #tpu.dimension_semantics<subcore_parallel>], iteration_bounds = array<i64: 2, 16>, scalar_prefetch = 0 : i64, scratch_operands = 19 : i64, tpu.core_type = #tpu.core_type<sc_vector_subcore>, window_params = [{transform_indices = #map}, {transform_indices = #map1}, {transform_indices = #map1}, {transform_indices = #map1}, {transform_indices = #map1}, {transform_indices = #map}]} {
    %mul3A = arith.constant 2 : i32
    %mul3A_0 = arith.muli %arg1, %mul3A : i32
    %add3A = arith.addi %mul3A_0, %arg0 : i32
    %mul3A_1 = arith.constant 8192 : i32
    %mul3A_2 = arith.muli %arg1, %mul3A_1 : i32
    "tpu.region"() ({
      %run_scoped3A = tpu.sem_alloc : memref<!tpu.dma_semaphore, #tpu.memory_space<semaphore_mem>>
      %dma_start3A_531 = tpu.memref_slice %arg2[%mul3A_2] : memref<131072xf32, #tpu.memory_space<hbm>> -> memref<8192xf32, #tpu.memory_space<hbm>>
      %dma_start3A_532 = tpu.memref_slice %arg2[%mul3A_2] : memref<131072xf32, #tpu.memory_space<hbm>> -> memref<8192xf32, #tpu.memory_space<hbm>>
      tpu.enqueue_dma source(%dma_start3A_532 : memref<8192xf32, #tpu.memory_space<hbm>>) target(%arg8 : memref<8192xf32, #tpu.memory_space<vmem>>) target_semaphore(%run_scoped3A : memref<!tpu.dma_semaphore, #tpu.memory_space<semaphore_mem>>)
      %dma_wait3A_533 = tpu.memref_slice %arg2[%mul3A_2] : memref<131072xf32, #tpu.memory_space<hbm>> -> memref<8192xf32, #tpu.memory_space<hbm>>
      %dma_wait3A_534 = tpu.memref_slice %arg2[%mul3A_2] : memref<131072xf32, #tpu.memory_space<hbm>> -> memref<8192xf32, #tpu.memory_space<hbm>>
      tpu.wait_dma2 semaphore(%run_scoped3A : memref<!tpu.dma_semaphore, #tpu.memory_space<semaphore_mem>>) src(%dma_wait3A_534 : memref<8192xf32, #tpu.memory_space<hbm>>) dst(%arg8 : memref<8192xf32, #tpu.memory_space<vmem>>)
      tpu.yield
    }) : () -> ()
    %broadcast_in_dim3A = arith.constant 0xFF800000 : f32
    %broadcast_in_dim3A_3 = vector.broadcast %broadcast_in_dim3A : f32 to vector<16xf32>
    %scan3A = arith.constant 0 : i32
    %scan3A_4 = arith.constant 128 : i32
    %scan3A_5 = arith.addi %scan3A, %scan3A_4 : i32
    %scan3A_6 = arith.constant 1 : i32
    %scan3A_7:4 = scf.for %scan3A_531 = %scan3A to %scan3A_5 step %scan3A_6 iter_args(%scan3A_532 = %broadcast_in_dim3A_3, %scan3A_533 = %broadcast_in_dim3A_3, %scan3A_534 = %broadcast_in_dim3A_3, %scan3A_535 = %broadcast_in_dim3A_3) -> (vector<16xf32>, vector<16xf32>, vector<16xf32>, vector<16xf32>)  : i32 {
      %mul3A_536 = arith.constant 64 : i32
      %mul3A_537 = arith.muli %scan3A_531, %mul3A_536 : i32
      %get3A_538 = arith.index_cast %mul3A_537 : i32 to index
      %get3A_539 = tpu.vector_load %arg8[%get3A_538] {strides = array<i32>} : memref<8192xf32, #tpu.memory_space<vmem>>, vector<16xf32>,
      %max3A_540 = arith.maximumf %scan3A_532, %get3A_539 : vector<16xf32>
      %add3A_541 = arith.constant 16 : i32
      %add3A_542 = arith.addi %mul3A_537, %add3A_541 : i32
      %get3A_543 = arith.index_cast %add3A_542 : i32 to index
      %get3A_544 = tpu.vector_load %arg8[%get3A_543] {strides = array<i32>} : memref<8192xf32, #tpu.memory_space<vmem>>, vector<16xf32>,
      %max3A_545 = arith.maximumf %scan3A_533, %get3A_544 : vector<16xf32>
      %add3A_546 = arith.constant 32 : i32
      %add3A_547 = arith.addi %mul3A_537, %add3A_546 : i32
      %get3A_548 = arith.index_cast %add3A_547 : i32 to index
      %get3A_549 = tpu.vector_load %arg8[%get3A_548] {strides = array<i32>} : memref<8192xf32, #tpu.memory_space<vmem>>, vector<16xf32>,
      %max3A_550 = arith.maximumf %scan3A_534, %get3A_549 : vector<16xf32>
      %add3A_551 = arith.constant 48 : i32
      %add3A_552 = arith.addi %mul3A_537, %add3A_551 : i32
      %get3A_553 = arith.index_cast %add3A_552 : i32 to index
      %get3A_554 = tpu.vector_load %arg8[%get3A_553] {strides = array<i32>} : memref<8192xf32, #tpu.memory_space<vmem>>, vector<16xf32>,
      %max3A_555 = arith.maximumf %scan3A_535, %get3A_554 : vector<16xf32>
      scf.yield %max3A_540, %max3A_545, %max3A_550, %max3A_555 : vector<16xf32>, vector<16xf32>, vector<16xf32>, vector<16xf32>
    }
    %scan3A_8 = arith.constant 128 : i32
    %max3A = arith.maximumf %scan3A_7#0, %scan3A_7#1 : vector<16xf32>
    %max3A_9 = arith.maximumf %scan3A_7#2, %scan3A_7#3 : vector<16xf32>
    %max3A_10 = arith.maximumf %max3A, %max3A_9 : vector<16xf32>
    %swap3A = arith.constant 0 : index
    %swap3A_11 = tpu.vector_load %arg13[%swap3A] {strides = array<i32>} : memref<16xf32, #tpu.memory_space<vmem>>, vector<16xf32>,
    tpu.vector_store %arg13[%swap3A], %max3A_10 {strides = array<i32>} : memref<16xf32, #tpu.memory_space<vmem>>, vector<16xf32>,
    %mul3A_12 = arith.constant 16 : i32
    %mul3A_13 = arith.muli %arg0, %mul3A_12 : i32
    %add3A_14 = arith.addi %mul3A_13, %arg1 : i32
    %mul3A_15 = arith.constant 16 : i32
    %mul3A_16 = arith.muli %add3A_14, %mul3A_15 : i32
    "tpu.region"() ({
      %run_scoped3A = tpu.sem_alloc : memref<!tpu.dma_semaphore, #tpu.memory_space<semaphore_mem>>
      %dma_start3A_531 = tpu.memref_slice %arg7[%mul3A_16] : memref<512xf32, #tpu.memory_space<hbm>> -> memref<16xf32, #tpu.memory_space<hbm>>
      %dma_start3A_532 = tpu.memref_slice %arg7[%mul3A_16] : memref<512xf32, #tpu.memory_space<hbm>> -> memref<16xf32, #tpu.memory_space<hbm>>
      tpu.enqueue_dma source(%arg13 : memref<16xf32, #tpu.memory_space<vmem>>) target(%dma_start3A_532 : memref<16xf32, #tpu.memory_space<hbm>>) target_semaphore(%run_scoped3A : memref<!tpu.dma_semaphore, #tpu.memory_space<semaphore_mem>>)
      %dma_wait3A_533 = tpu.memref_slice %arg7[%mul3A_16] : memref<512xf32, #tpu.memory_space<hbm>> -> memref<16xf32, #tpu.memory_space<hbm>>
      %dma_wait3A_534 = tpu.memref_slice %arg7[%mul3A_16] : memref<512xf32, #tpu.memory_space<hbm>> -> memref<16xf32, #tpu.memory_space<hbm>>
      tpu.wait_dma2 semaphore(%run_scoped3A : memref<!tpu.dma_semaphore, #tpu.memory_space<semaphore_mem>>) src(%arg13 : memref<16xf32, #tpu.memory_space<vmem>>) dst(%dma_wait3A_534 : memref<16xf32, #tpu.memory_space<hbm>>)
      tpu.yield
    }) : () -> ()
    %mul3A_17 = arith.constant 4096 : i32
    %mul3A_18 = arith.muli %add3A, %mul3A_17 : i32
    "tpu.region"() ({
      %run_scoped3A = tpu.sem_alloc : memref<!tpu.dma_semaphore, #tpu.memory_space<semaphore_mem>>
      %dma_start3A_531 = tpu.memref_slice %arg2[%mul3A_18] : memref<131072xf32, #tpu.memory_space<hbm>> -> memref<4096xf32, #tpu.memory_space<hbm>>
      %dma_start3A_532 = tpu.memref_slice %arg2[%mul3A_18] : memref<131072xf32, #tpu.memory_space<hbm>> -> memref<4096xf32, #tpu.memory_space<hbm>>
      tpu.enqueue_dma source(%dma_start3A_532 : memref<4096xf32, #tpu.memory_space<hbm>>) target(%arg9 : memref<4096xf32, #tpu.memory_space<vmem>>) target_semaphore(%run_scoped3A : memref<!tpu.dma_semaphore, #tpu.memory_space<semaphore_mem>>)
      %dma_wait3A_533 = tpu.memref_slice %arg2[%mul3A_18] : memref<131072xf32, #tpu.memory_space<hbm>> -> memref<4096xf32, #tpu.memory_space<hbm>>
      %dma_wait3A_534 = tpu.memref_slice %arg2[%mul3A_18] : memref<131072xf32, #tpu.memory_space<hbm>> -> memref<4096xf32, #tpu.memory_space<hbm>>
      tpu.wait_dma2 semaphore(%run_scoped3A : memref<!tpu.dma_semaphore, #tpu.memory_space<semaphore_mem>>) src(%dma_wait3A_534 : memref<4096xf32, #tpu.memory_space<hbm>>) dst(%arg9 : memref<4096xf32, #tpu.memory_space<vmem>>)
      tpu.yield
    }) : () -> ()
    %iota3A = tpu.iota {dimensions = array<i32: 0>} : vector<16xi32>
    %add3A_19 = arith.constant 0 : i32
    %add3A_20 = vector.broadcast %add3A_19 : i32 to vector<16xi32>
    %add3A_21 = arith.addi %iota3A, %add3A_20 : vector<16xi32>
    %swap3A_22 = arith.constant 0 : index
    %swap3A_23 = tpu.vector_load %arg12[%swap3A_22] {strides = array<i32>} : memref<48xi32, #tpu.memory_space<vmem>>, vector<16xi32>,
    tpu.vector_store %arg12[%swap3A_22], %add3A_21 {strides = array<i32>} : memref<48xi32, #tpu.memory_space<vmem>>, vector<16xi32>,
    %iota3A_24 = tpu.iota {dimensions = array<i32: 0>} : vector<16xi32>
    %add3A_25 = arith.constant 16 : i32
    %add3A_26 = vector.broadcast %add3A_25 : i32 to vector<16xi32>
    %add3A_27 = arith.addi %iota3A_24, %add3A_26 : vector<16xi32>
    %swap3A_28 = arith.constant 16 : index
    %swap3A_29 = tpu.vector_load %arg12[%swap3A_28] {strides = array<i32>} : memref<48xi32, #tpu.memory_space<vmem>>, vector<16xi32>,
    tpu.vector_store %arg12[%swap3A_28], %add3A_27 {strides = array<i32>} : memref<48xi32, #tpu.memory_space<vmem>>, vector<16xi32>,
    %iota3A_30 = tpu.iota {dimensions = array<i32: 0>} : vector<16xi32>
    %add3A_31 = arith.constant 32 : i32
    %add3A_32 = vector.broadcast %add3A_31 : i32 to vector<16xi32>
    %add3A_33 = arith.addi %iota3A_30, %add3A_32 : vector<16xi32>
    %swap3A_34 = arith.constant 32 : index
    %swap3A_35 = tpu.vector_load %arg12[%swap3A_34] {strides = array<i32>} : memref<48xi32, #tpu.memory_space<vmem>>, vector<16xi32>,
    tpu.vector_store %arg12[%swap3A_34], %add3A_33 {strides = array<i32>} : memref<48xi32, #tpu.memory_space<vmem>>, vector<16xi32>,
    %mul3A_36 = arith.constant 3 : i32
    %mul3A_37 = arith.muli %arg1, %mul3A_36 : i32
    %add3A_38 = arith.constant 0 : i32
    %add3A_39 = arith.addi %mul3A_37, %add3A_38 : i32
    %lt3A = arith.constant 34 : i32
    %lt3A_40 = arith.cmpi slt, %add3A_39, %lt3A : i32
    %convert_element_type3A = arith.extui %lt3A_40 : i1 to i32
    %cond3A = arith.constant 0 : i32
    %cond3A_41 = arith.cmpi ne, %convert_element_type3A, %cond3A : i32
    scf.if %cond3A_41 {
      %broadcast_in_dim3A_531 = vector.broadcast %add3A_39 : i32 to vector<16xi32>
      %swap3A_532 = arith.constant 0 : index
      %swap3A_533 = tpu.vector_load %arg11[%swap3A_532] {strides = array<i32>} : memref<48xi32, #tpu.memory_space<vmem>>, vector<16xi32>,
      tpu.vector_store %arg11[%swap3A_532], %broadcast_in_dim3A_531 {strides = array<i32>} : memref<48xi32, #tpu.memory_space<vmem>>, vector<16xi32>,
      %broadcast_in_dim3A_534 = vector.broadcast %add3A_39 : i32 to vector<16xi32>
      %swap3A_535 = arith.constant 16 : index
      %swap3A_536 = tpu.vector_load %arg11[%swap3A_535] {strides = array<i32>} : memref<48xi32, #tpu.memory_space<vmem>>, vector<16xi32>,
      tpu.vector_store %arg11[%swap3A_535], %broadcast_in_dim3A_534 {strides = array<i32>} : memref<48xi32, #tpu.memory_space<vmem>>, vector<16xi32>,
      %broadcast_in_dim3A_537 = vector.broadcast %add3A_39 : i32 to vector<16xi32>
      %swap3A_538 = arith.constant 32 : index
      %swap3A_539 = tpu.vector_load %arg11[%swap3A_538] {strides = array<i32>} : memref<48xi32, #tpu.memory_space<vmem>>, vector<16xi32>,
      tpu.vector_store %arg11[%swap3A_538], %broadcast_in_dim3A_537 {strides = array<i32>} : memref<48xi32, #tpu.memory_space<vmem>>, vector<16xi32>,
      %dma_start3A_540 = arith.constant 0 : i32
      %dma_start3A_541 = arith.constant 0 : i32
      %dma_start3A_542 = tpu.memref_slice %arg15[%dma_start3A_540, %dma_start3A_541] : memref<32x768xf32, #tpu.memory_space<vmem>> -> memref<32x384xf32, #tpu.memory_space<vmem>>
      %dma_start3A_543 = arith.constant 0 : i32
      %dma_start3A_544 = tpu.memref_slice %arg11[%dma_start3A_543] : memref<48xi32, #tpu.memory_space<vmem>> -> memref<32xi32, #tpu.memory_space<vmem>>
      %dma_start3A_545 = arith.constant 0 : i32
      %dma_start3A_546 = arith.constant 0 : i32
      %dma_start3A_547 = tpu.memref_slice %arg3[%dma_start3A_545, %dma_start3A_546] : memref<101x384xf32, #tpu.memory_space<hbm>> -> memref<101x384xf32, #tpu.memory_space<hbm>>
      tpu.enqueue_indirect_dma source(%dma_start3A_547 : memref<101x384xf32, #tpu.memory_space<hbm>>) target(%dma_start3A_542 : memref<32x384xf32, #tpu.memory_space<vmem>>) offsets(%dma_start3A_544 : memref<32xi32, #tpu.memory_space<vmem>>) semaphore(%arg19 : memref<!tpu.dma_semaphore, #tpu.memory_space<semaphore_mem>>)
      %dma_start3A_548 = arith.constant 0 : i32
      %dma_start3A_549 = arith.constant 384 : i32
      %dma_start3A_550 = tpu.memref_slice %arg15[%dma_start3A_548, %dma_start3A_549] : memref<32x768xf32, #tpu.memory_space<vmem>> -> memref<32x384xf32, #tpu.memory_space<vmem>>
      %dma_start3A_551 = arith.constant 0 : i32
      %dma_start3A_552 = tpu.memref_slice %arg12[%dma_start3A_551] : memref<48xi32, #tpu.memory_space<vmem>> -> memref<32xi32, #tpu.memory_space<vmem>>
      %dma_start3A_553 = arith.constant 0 : i32
      %dma_start3A_554 = arith.constant 0 : i32
      %dma_start3A_555 = tpu.memref_slice %arg4[%dma_start3A_553, %dma_start3A_554] : memref<101x384xf32, #tpu.memory_space<hbm>> -> memref<101x384xf32, #tpu.memory_space<hbm>>
      tpu.enqueue_indirect_dma source(%dma_start3A_555 : memref<101x384xf32, #tpu.memory_space<hbm>>) target(%dma_start3A_550 : memref<32x384xf32, #tpu.memory_space<vmem>>) offsets(%dma_start3A_552 : memref<32xi32, #tpu.memory_space<vmem>>) semaphore(%arg19 : memref<!tpu.dma_semaphore, #tpu.memory_space<semaphore_mem>>)
      %dma_start3A_556 = arith.constant 0 : i32
      %dma_start3A_557 = arith.constant 0 : i32
      %dma_start3A_558 = tpu.memref_slice %arg16[%dma_start3A_556, %dma_start3A_557] : memref<32x768xf32, #tpu.memory_space<vmem>> -> memref<8x384xf32, #tpu.memory_space<vmem>>
      %dma_start3A_559 = arith.constant 32 : i32
      %dma_start3A_560 = tpu.memref_slice %arg11[%dma_start3A_559] : memref<48xi32, #tpu.memory_space<vmem>> -> memref<8xi32, #tpu.memory_space<vmem>>
      %dma_start3A_561 = arith.constant 0 : i32
      %dma_start3A_562 = arith.constant 0 : i32
      %dma_start3A_563 = tpu.memref_slice %arg3[%dma_start3A_561, %dma_start3A_562] : memref<101x384xf32, #tpu.memory_space<hbm>> -> memref<101x384xf32, #tpu.memory_space<hbm>>
      tpu.enqueue_indirect_dma source(%dma_start3A_563 : memref<101x384xf32, #tpu.memory_space<hbm>>) target(%dma_start3A_558 : memref<8x384xf32, #tpu.memory_space<vmem>>) offsets(%dma_start3A_560 : memref<8xi32, #tpu.memory_space<vmem>>) semaphore(%arg20 : memref<!tpu.dma_semaphore, #tpu.memory_space<semaphore_mem>>)
      %dma_start3A_564 = arith.constant 0 : i32
      %dma_start3A_565 = arith.constant 384 : i32
      %dma_start3A_566 = tpu.memref_slice %arg16[%dma_start3A_564, %dma_start3A_565] : memref<32x768xf32, #tpu.memory_space<vmem>> -> memref<8x384xf32, #tpu.memory_space<vmem>>
      %dma_start3A_567 = arith.constant 32 : i32
      %dma_start3A_568 = tpu.memref_slice %arg12[%dma_start3A_567] : memref<48xi32, #tpu.memory_space<vmem>> -> memref<8xi32, #tpu.memory_space<vmem>>
      %dma_start3A_569 = arith.constant 0 : i32
      %dma_start3A_570 = arith.constant 0 : i32
      %dma_start3A_571 = tpu.memref_slice %arg4[%dma_start3A_569, %dma_start3A_570] : memref<101x384xf32, #tpu.memory_space<hbm>> -> memref<101x384xf32, #tpu.memory_space<hbm>>
      tpu.enqueue_indirect_dma source(%dma_start3A_571 : memref<101x384xf32, #tpu.memory_space<hbm>>) target(%dma_start3A_566 : memref<8x384xf32, #tpu.memory_space<vmem>>) offsets(%dma_start3A_568 : memref<8xi32, #tpu.memory_space<vmem>>) semaphore(%arg20 : memref<!tpu.dma_semaphore, #tpu.memory_space<semaphore_mem>>)
      %dma_wait3A_572 = arith.constant 0 : i32
      %dma_wait3A_573 = arith.constant 0 : i32
      %dma_wait3A_574 = tpu.memref_slice %arg15[%dma_wait3A_572, %dma_wait3A_573] : memref<32x768xf32, #tpu.memory_space<vmem>> -> memref<32x384xf32, #tpu.memory_space<vmem>>
      %dma_wait3A_575 = arith.constant 0 : i32
      %dma_wait3A_576 = tpu.memref_slice %arg11[%dma_wait3A_575] : memref<48xi32, #tpu.memory_space<vmem>> -> memref<32xi32, #tpu.memory_space<vmem>>
      %dma_wait3A_577 = arith.constant 0 : i32
      %dma_wait3A_578 = arith.constant 0 : i32
      %dma_wait3A_579 = tpu.memref_slice %arg3[%dma_wait3A_577, %dma_wait3A_578] : memref<101x384xf32, #tpu.memory_space<hbm>> -> memref<101x384xf32, #tpu.memory_space<hbm>>
      tpu.wait_indirect_dma semaphore(%arg19 : memref<!tpu.dma_semaphore, #tpu.memory_space<semaphore_mem>>) src(%dma_wait3A_579 : memref<101x384xf32, #tpu.memory_space<hbm>>) dst(%dma_wait3A_574 : memref<32x384xf32, #tpu.memory_space<vmem>>)
      %dma_wait3A_580 = arith.constant 0 : i32
      %dma_wait3A_581 = arith.constant 384 : i32
      %dma_wait3A_582 = tpu.memref_slice %arg15[%dma_wait3A_580, %dma_wait3A_581] : memref<32x768xf32, #tpu.memory_space<vmem>> -> memref<32x384xf32, #tpu.memory_space<vmem>>
      %dma_wait3A_583 = arith.constant 0 : i32
      %dma_wait3A_584 = tpu.memref_slice %arg12[%dma_wait3A_583] : memref<48xi32, #tpu.memory_space<vmem>> -> memref<32xi32, #tpu.memory_space<vmem>>
      %dma_wait3A_585 = arith.constant 0 : i32
      %dma_wait3A_586 = arith.constant 0 : i32
      %dma_wait3A_587 = tpu.memref_slice %arg4[%dma_wait3A_585, %dma_wait3A_586] : memref<101x384xf32, #tpu.memory_space<hbm>> -> memref<101x384xf32, #tpu.memory_space<hbm>>
      tpu.wait_indirect_dma semaphore(%arg19 : memref<!tpu.dma_semaphore, #tpu.memory_space<semaphore_mem>>) src(%dma_wait3A_587 : memref<101x384xf32, #tpu.memory_space<hbm>>) dst(%dma_wait3A_582 : memref<32x384xf32, #tpu.memory_space<vmem>>)
      %dma_wait3A_588 = arith.constant 0 : i32
      %dma_wait3A_589 = arith.constant 0 : i32
      %dma_wait3A_590 = tpu.memref_slice %arg16[%dma_wait3A_588, %dma_wait3A_589] : memref<32x768xf32, #tpu.memory_space<vmem>> -> memref<8x384xf32, #tpu.memory_space<vmem>>
      %dma_wait3A_591 = arith.constant 32 : i32
      %dma_wait3A_592 = tpu.memref_slice %arg11[%dma_wait3A_591] : memref<48xi32, #tpu.memory_space<vmem>> -> memref<8xi32, #tpu.memory_space<vmem>>
      %dma_wait3A_593 = arith.constant 0 : i32
      %dma_wait3A_594 = arith.constant 0 : i32
      %dma_wait3A_595 = tpu.memref_slice %arg3[%dma_wait3A_593, %dma_wait3A_594] : memref<101x384xf32, #tpu.memory_space<hbm>> -> memref<101x384xf32, #tpu.memory_space<hbm>>
      tpu.wait_indirect_dma semaphore(%arg20 : memref<!tpu.dma_semaphore, #tpu.memory_space<semaphore_mem>>) src(%dma_wait3A_595 : memref<101x384xf32, #tpu.memory_space<hbm>>) dst(%dma_wait3A_590 : memref<8x384xf32, #tpu.memory_space<vmem>>)
      %dma_wait3A_596 = arith.constant 0 : i32
      %dma_wait3A_597 = arith.constant 384 : i32
      %dma_wait3A_598 = tpu.memref_slice %arg16[%dma_wait3A_596, %dma_wait3A_597] : memref<32x768xf32, #tpu.memory_space<vmem>> -> memref<8x384xf32, #tpu.memory_space<vmem>>
      %dma_wait3A_599 = arith.constant 32 : i32
      %dma_wait3A_600 = tpu.memref_slice %arg12[%dma_wait3A_599] : memref<48xi32, #tpu.memory_space<vmem>> -> memref<8xi32, #tpu.memory_space<vmem>>
      %dma_wait3A_601 = arith.constant 0 : i32
      %dma_wait3A_602 = arith.constant 0 : i32
      %dma_wait3A_603 = tpu.memref_slice %arg4[%dma_wait3A_601, %dma_wait3A_602] : memref<101x384xf32, #tpu.memory_space<hbm>> -> memref<101x384xf32, #tpu.memory_space<hbm>>
      tpu.wait_indirect_dma semaphore(%arg20 : memref<!tpu.dma_semaphore, #tpu.memory_space<semaphore_mem>>) src(%dma_wait3A_603 : memref<101x384xf32, #tpu.memory_space<hbm>>) dst(%dma_wait3A_598 : memref<8x384xf32, #tpu.memory_space<vmem>>)
      %mul3A_604 = arith.constant 40 : i32
      %mul3A_605 = arith.muli %add3A_39, %mul3A_604 : i32
      "tpu.region"() ({
        %run_scoped3A = tpu.sem_alloc : memref<!tpu.dma_semaphore, #tpu.memory_space<semaphore_mem>>
        %dma_start3A_610 = arith.constant 0 : i32
        %dma_start3A_611 = tpu.memref_slice %arg6[%mul3A_605, %dma_start3A_610] : memref<1360x768xf32, #tpu.memory_space<hbm>> -> memref<32x768xf32, #tpu.memory_space<hbm>>
        %dma_start3A_612 = arith.constant 0 : i32
        %dma_start3A_613 = tpu.memref_slice %arg6[%mul3A_605, %dma_start3A_612] : memref<1360x768xf32, #tpu.memory_space<hbm>> -> memref<32x768xf32, #tpu.memory_space<hbm>>
        tpu.enqueue_dma source(%arg15 : memref<32x768xf32, #tpu.memory_space<vmem>>) target(%dma_start3A_613 : memref<32x768xf32, #tpu.memory_space<hbm>>) target_semaphore(%run_scoped3A : memref<!tpu.dma_semaphore, #tpu.memory_space<semaphore_mem>>)
        %dma_wait3A_614 = arith.constant 0 : i32
        %dma_wait3A_615 = tpu.memref_slice %arg6[%mul3A_605, %dma_wait3A_614] : memref<1360x768xf32, #tpu.memory_space<hbm>> -> memref<32x768xf32, #tpu.memory_space<hbm>>
        %dma_wait3A_616 = arith.constant 0 : i32
        %dma_wait3A_617 = tpu.memref_slice %arg6[%mul3A_605, %dma_wait3A_616] : memref<1360x768xf32, #tpu.memory_space<hbm>> -> memref<32x768xf32, #tpu.memory_space<hbm>>
        tpu.wait_dma2 semaphore(%run_scoped3A : memref<!tpu.dma_semaphore, #tpu.memory_space<semaphore_mem>>) src(%arg15 : memref<32x768xf32, #tpu.memory_space<vmem>>) dst(%dma_wait3A_617 : memref<32x768xf32, #tpu.memory_space<hbm>>)
        tpu.yield
      }) : () -> ()
      %mul3A_606 = arith.constant 40 : i32
      %mul3A_607 = arith.muli %add3A_39, %mul3A_606 : i32
      %add3A_608 = arith.constant 32 : i32
      %add3A_609 = arith.addi %mul3A_607, %add3A_608 : i32
      "tpu.region"() ({
        %run_scoped3A = tpu.sem_alloc : memref<!tpu.dma_semaphore, #tpu.memory_space<semaphore_mem>>
        %dma_start3A_610 = arith.constant 0 : i32
        %dma_start3A_611 = arith.constant 0 : i32
        %dma_start3A_612 = tpu.memref_slice %arg16[%dma_start3A_610, %dma_start3A_611] : memref<32x768xf32, #tpu.memory_space<vmem>> -> memref<8x768xf32, #tpu.memory_space<vmem>>
        %dma_start3A_613 = arith.constant 0 : i32
        %dma_start3A_614 = tpu.memref_slice %arg6[%add3A_609, %dma_start3A_613] : memref<1360x768xf32, #tpu.memory_space<hbm>> -> memref<8x768xf32, #tpu.memory_space<hbm>>
        %dma_start3A_615 = arith.constant 0 : i32
        %dma_start3A_616 = tpu.memref_slice %arg6[%add3A_609, %dma_start3A_615] : memref<1360x768xf32, #tpu.memory_space<hbm>> -> memref<8x768xf32, #tpu.memory_space<hbm>>
        %dma_start3A_617 = arith.constant 0 : i32
        %dma_start3A_618 = arith.constant 0 : i32
        %dma_start3A_619 = tpu.memref_slice %arg16[%dma_start3A_617, %dma_start3A_618] : memref<32x768xf32, #tpu.memory_space<vmem>> -> memref<8x768xf32, #tpu.memory_space<vmem>>
        tpu.enqueue_dma source(%dma_start3A_619 : memref<8x768xf32, #tpu.memory_space<vmem>>) target(%dma_start3A_616 : memref<8x768xf32, #tpu.memory_space<hbm>>) target_semaphore(%run_scoped3A : memref<!tpu.dma_semaphore, #tpu.memory_space<semaphore_mem>>)
        %dma_wait3A_620 = arith.constant 0 : i32
        %dma_wait3A_621 = arith.constant 0 : i32
        %dma_wait3A_622 = tpu.memref_slice %arg16[%dma_wait3A_620, %dma_wait3A_621] : memref<32x768xf32, #tpu.memory_space<vmem>> -> memref<8x768xf32, #tpu.memory_space<vmem>>
        %dma_wait3A_623 = arith.constant 0 : i32
        %dma_wait3A_624 = tpu.memref_slice %arg6[%add3A_609, %dma_wait3A_623] : memref<1360x768xf32, #tpu.memory_space<hbm>> -> memref<8x768xf32, #tpu.memory_space<hbm>>
        %dma_wait3A_625 = arith.constant 0 : i32
        %dma_wait3A_626 = tpu.memref_slice %arg6[%add3A_609, %dma_wait3A_625] : memref<1360x768xf32, #tpu.memory_space<hbm>> -> memref<8x768xf32, #tpu.memory_space<hbm>>
        %dma_wait3A_627 = arith.constant 0 : i32
        %dma_wait3A_628 = arith.constant 0 : i32
        %dma_wait3A_629 = tpu.memref_slice %arg16[%dma_wait3A_627, %dma_wait3A_628] : memref<32x768xf32, #tpu.memory_space<vmem>> -> memref<8x768xf32, #tpu.memory_space<vmem>>
        tpu.wait_dma2 semaphore(%run_scoped3A : memref<!tpu.dma_semaphore, #tpu.memory_space<semaphore_mem>>) src(%dma_wait3A_629 : memref<8x768xf32, #tpu.memory_space<vmem>>) dst(%dma_wait3A_626 : memref<8x768xf32, #tpu.memory_space<hbm>>)
        tpu.yield
      }) : () -> ()
    } else {
    }
    %mul3A_42 = arith.constant 3 : i32
    %mul3A_43 = arith.muli %arg1, %mul3A_42 : i32
    %add3A_44 = arith.constant 1 : i32
    %add3A_45 = arith.addi %mul3A_43, %add3A_44 : i32
    %lt3A_46 = arith.constant 34 : i32
    %lt3A_47 = arith.cmpi slt, %add3A_45, %lt3A_46 : i32
    %convert_element_type3A_48 = arith.extui %lt3A_47 : i1 to i32
    %cond3A_49 = arith.constant 0 : i32
    %cond3A_50 = arith.cmpi ne, %convert_element_type3A_48, %cond3A_49 : i32
    scf.if %cond3A_50 {
      %broadcast_in_dim3A_531 = vector.broadcast %add3A_45 : i32 to vector<16xi32>
      %swap3A_532 = arith.constant 0 : index
      %swap3A_533 = tpu.vector_load %arg11[%swap3A_532] {strides = array<i32>} : memref<48xi32, #tpu.memory_space<vmem>>, vector<16xi32>,
      tpu.vector_store %arg11[%swap3A_532], %broadcast_in_dim3A_531 {strides = array<i32>} : memref<48xi32, #tpu.memory_space<vmem>>, vector<16xi32>,
      %broadcast_in_dim3A_534 = vector.broadcast %add3A_45 : i32 to vector<16xi32>
      %swap3A_535 = arith.constant 16 : index
      %swap3A_536 = tpu.vector_load %arg11[%swap3A_535] {strides = array<i32>} : memref<48xi32, #tpu.memory_space<vmem>>, vector<16xi32>,
      tpu.vector_store %arg11[%swap3A_535], %broadcast_in_dim3A_534 {strides = array<i32>} : memref<48xi32, #tpu.memory_space<vmem>>, vector<16xi32>,
      %broadcast_in_dim3A_537 = vector.broadcast %add3A_45 : i32 to vector<16xi32>
      %swap3A_538 = arith.constant 32 : index
      %swap3A_539 = tpu.vector_load %arg11[%swap3A_538] {strides = array<i32>} : memref<48xi32, #tpu.memory_space<vmem>>, vector<16xi32>,
      tpu.vector_store %arg11[%swap3A_538], %broadcast_in_dim3A_537 {strides = array<i32>} : memref<48xi32, #tpu.memory_space<vmem>>, vector<16xi32>,
      %dma_start3A_540 = arith.constant 0 : i32
      %dma_start3A_541 = arith.constant 0 : i32
      %dma_start3A_542 = tpu.memref_slice %arg15[%dma_start3A_540, %dma_start3A_541] : memref<32x768xf32, #tpu.memory_space<vmem>> -> memref<32x384xf32, #tpu.memory_space<vmem>>
      %dma_start3A_543 = arith.constant 0 : i32
      %dma_start3A_544 = tpu.memref_slice %arg11[%dma_start3A_543] : memref<48xi32, #tpu.memory_space<vmem>> -> memref<32xi32, #tpu.memory_space<vmem>>
      %dma_start3A_545 = arith.constant 0 : i32
      %dma_start3A_546 = arith.constant 0 : i32
      %dma_start3A_547 = tpu.memref_slice %arg3[%dma_start3A_545, %dma_start3A_546] : memref<101x384xf32, #tpu.memory_space<hbm>> -> memref<101x384xf32, #tpu.memory_space<hbm>>
      tpu.enqueue_indirect_dma source(%dma_start3A_547 : memref<101x384xf32, #tpu.memory_space<hbm>>) target(%dma_start3A_542 : memref<32x384xf32, #tpu.memory_space<vmem>>) offsets(%dma_start3A_544 : memref<32xi32, #tpu.memory_space<vmem>>) semaphore(%arg19 : memref<!tpu.dma_semaphore, #tpu.memory_space<semaphore_mem>>)
      %dma_start3A_548 = arith.constant 0 : i32
      %dma_start3A_549 = arith.constant 384 : i32
      %dma_start3A_550 = tpu.memref_slice %arg15[%dma_start3A_548, %dma_start3A_549] : memref<32x768xf32, #tpu.memory_space<vmem>> -> memref<32x384xf32, #tpu.memory_space<vmem>>
      %dma_start3A_551 = arith.constant 0 : i32
      %dma_start3A_552 = tpu.memref_slice %arg12[%dma_start3A_551] : memref<48xi32, #tpu.memory_space<vmem>> -> memref<32xi32, #tpu.memory_space<vmem>>
      %dma_start3A_553 = arith.constant 0 : i32
      %dma_start3A_554 = arith.constant 0 : i32
      %dma_start3A_555 = tpu.memref_slice %arg4[%dma_start3A_553, %dma_start3A_554] : memref<101x384xf32, #tpu.memory_space<hbm>> -> memref<101x384xf32, #tpu.memory_space<hbm>>
      tpu.enqueue_indirect_dma source(%dma_start3A_555 : memref<101x384xf32, #tpu.memory_space<hbm>>) target(%dma_start3A_550 : memref<32x384xf32, #tpu.memory_space<vmem>>) offsets(%dma_start3A_552 : memref<32xi32, #tpu.memory_space<vmem>>) semaphore(%arg19 : memref<!tpu.dma_semaphore, #tpu.memory_space<semaphore_mem>>)
      %dma_start3A_556 = arith.constant 0 : i32
      %dma_start3A_557 = arith.constant 0 : i32
      %dma_start3A_558 = tpu.memref_slice %arg16[%dma_start3A_556, %dma_start3A_557] : memref<32x768xf32, #tpu.memory_space<vmem>> -> memref<8x384xf32, #tpu.memory_space<vmem>>
      %dma_start3A_559 = arith.constant 32 : i32
      %dma_start3A_560 = tpu.memref_slice %arg11[%dma_start3A_559] : memref<48xi32, #tpu.memory_space<vmem>> -> memref<8xi32, #tpu.memory_space<vmem>>
      %dma_start3A_561 = arith.constant 0 : i32
      %dma_start3A_562 = arith.constant 0 : i32
      %dma_start3A_563 = tpu.memref_slice %arg3[%dma_start3A_561, %dma_start3A_562] : memref<101x384xf32, #tpu.memory_space<hbm>> -> memref<101x384xf32, #tpu.memory_space<hbm>>
      tpu.enqueue_indirect_dma source(%dma_start3A_563 : memref<101x384xf32, #tpu.memory_space<hbm>>) target(%dma_start3A_558 : memref<8x384xf32, #tpu.memory_space<vmem>>) offsets(%dma_start3A_560 : memref<8xi32, #tpu.memory_space<vmem>>) semaphore(%arg20 : memref<!tpu.dma_semaphore, #tpu.memory_space<semaphore_mem>>)
      %dma_start3A_564 = arith.constant 0 : i32
      %dma_start3A_565 = arith.constant 384 : i32
      %dma_start3A_566 = tpu.memref_slice %arg16[%dma_start3A_564, %dma_start3A_565] : memref<32x768xf32, #tpu.memory_space<vmem>> -> memref<8x384xf32, #tpu.memory_space<vmem>>
      %dma_start3A_567 = arith.constant 32 : i32
      %dma_start3A_568 = tpu.memref_slice %arg12[%dma_start3A_567] : memref<48xi32, #tpu.memory_space<vmem>> -> memref<8xi32, #tpu.memory_space<vmem>>
      %dma_start3A_569 = arith.constant 0 : i32
      %dma_start3A_570 = arith.constant 0 : i32
      %dma_start3A_571 = tpu.memref_slice %arg4[%dma_start3A_569, %dma_start3A_570] : memref<101x384xf32, #tpu.memory_space<hbm>> -> memref<101x384xf32, #tpu.memory_space<hbm>>
      tpu.enqueue_indirect_dma source(%dma_start3A_571 : memref<101x384xf32, #tpu.memory_space<hbm>>) target(%dma_start3A_566 : memref<8x384xf32, #tpu.memory_space<vmem>>) offsets(%dma_start3A_568 : memref<8xi32, #tpu.memory_space<vmem>>) semaphore(%arg20 : memref<!tpu.dma_semaphore, #tpu.memory_space<semaphore_mem>>)
      %dma_wait3A_572 = arith.constant 0 : i32
      %dma_wait3A_573 = arith.constant 0 : i32
      %dma_wait3A_574 = tpu.memref_slice %arg15[%dma_wait3A_572, %dma_wait3A_573] : memref<32x768xf32, #tpu.memory_space<vmem>> -> memref<32x384xf32, #tpu.memory_space<vmem>>
      %dma_wait3A_575 = arith.constant 0 : i32
      %dma_wait3A_576 = tpu.memref_slice %arg11[%dma_wait3A_575] : memref<48xi32, #tpu.memory_space<vmem>> -> memref<32xi32, #tpu.memory_space<vmem>>
      %dma_wait3A_577 = arith.constant 0 : i32
      %dma_wait3A_578 = arith.constant 0 : i32
      %dma_wait3A_579 = tpu.memref_slice %arg3[%dma_wait3A_577, %dma_wait3A_578] : memref<101x384xf32, #tpu.memory_space<hbm>> -> memref<101x384xf32, #tpu.memory_space<hbm>>
      tpu.wait_indirect_dma semaphore(%arg19 : memref<!tpu.dma_semaphore, #tpu.memory_space<semaphore_mem>>) src(%dma_wait3A_579 : memref<101x384xf32, #tpu.memory_space<hbm>>) dst(%dma_wait3A_574 : memref<32x384xf32, #tpu.memory_space<vmem>>)
      %dma_wait3A_580 = arith.constant 0 : i32
      %dma_wait3A_581 = arith.constant 384 : i32
      %dma_wait3A_582 = tpu.memref_slice %arg15[%dma_wait3A_580, %dma_wait3A_581] : memref<32x768xf32, #tpu.memory_space<vmem>> -> memref<32x384xf32, #tpu.memory_space<vmem>>
      %dma_wait3A_583 = arith.constant 0 : i32
      %dma_wait3A_584 = tpu.memref_slice %arg12[%dma_wait3A_583] : memref<48xi32, #tpu.memory_space<vmem>> -> memref<32xi32, #tpu.memory_space<vmem>>
      %dma_wait3A_585 = arith.constant 0 : i32
      %dma_wait3A_586 = arith.constant 0 : i32
      %dma_wait3A_587 = tpu.memref_slice %arg4[%dma_wait3A_585, %dma_wait3A_586] : memref<101x384xf32, #tpu.memory_space<hbm>> -> memref<101x384xf32, #tpu.memory_space<hbm>>
      tpu.wait_indirect_dma semaphore(%arg19 : memref<!tpu.dma_semaphore, #tpu.memory_space<semaphore_mem>>) src(%dma_wait3A_587 : memref<101x384xf32, #tpu.memory_space<hbm>>) dst(%dma_wait3A_582 : memref<32x384xf32, #tpu.memory_space<vmem>>)
      %dma_wait3A_588 = arith.constant 0 : i32
      %dma_wait3A_589 = arith.constant 0 : i32
      %dma_wait3A_590 = tpu.memref_slice %arg16[%dma_wait3A_588, %dma_wait3A_589] : memref<32x768xf32, #tpu.memory_space<vmem>> -> memref<8x384xf32, #tpu.memory_space<vmem>>
      %dma_wait3A_591 = arith.constant 32 : i32
      %dma_wait3A_592 = tpu.memref_slice %arg11[%dma_wait3A_591] : memref<48xi32, #tpu.memory_space<vmem>> -> memref<8xi32, #tpu.memory_space<vmem>>
      %dma_wait3A_593 = arith.constant 0 : i32
      %dma_wait3A_594 = arith.constant 0 : i32
      %dma_wait3A_595 = tpu.memref_slice %arg3[%dma_wait3A_593, %dma_wait3A_594] : memref<101x384xf32, #tpu.memory_space<hbm>> -> memref<101x384xf32, #tpu.memory_space<hbm>>
      tpu.wait_indirect_dma semaphore(%arg20 : memref<!tpu.dma_semaphore, #tpu.memory_space<semaphore_mem>>) src(%dma_wait3A_595 : memref<101x384xf32, #tpu.memory_space<hbm>>) dst(%dma_wait3A_590 : memref<8x384xf32, #tpu.memory_space<vmem>>)
      %dma_wait3A_596 = arith.constant 0 : i32
      %dma_wait3A_597 = arith.constant 384 : i32
      %dma_wait3A_598 = tpu.memref_slice %arg16[%dma_wait3A_596, %dma_wait3A_597] : memref<32x768xf32, #tpu.memory_space<vmem>> -> memref<8x384xf32, #tpu.memory_space<vmem>>
      %dma_wait3A_599 = arith.constant 32 : i32
      %dma_wait3A_600 = tpu.memref_slice %arg12[%dma_wait3A_599] : memref<48xi32, #tpu.memory_space<vmem>> -> memref<8xi32, #tpu.memory_space<vmem>>
      %dma_wait3A_601 = arith.constant 0 : i32
      %dma_wait3A_602 = arith.constant 0 : i32
      %dma_wait3A_603 = tpu.memref_slice %arg4[%dma_wait3A_601, %dma_wait3A_602] : memref<101x384xf32, #tpu.memory_space<hbm>> -> memref<101x384xf32, #tpu.memory_space<hbm>>
      tpu.wait_indirect_dma semaphore(%arg20 : memref<!tpu.dma_semaphore, #tpu.memory_space<semaphore_mem>>) src(%dma_wait3A_603 : memref<101x384xf32, #tpu.memory_space<hbm>>) dst(%dma_wait3A_598 : memref<8x384xf32, #tpu.memory_space<vmem>>)
      %mul3A_604 = arith.constant 40 : i32
      %mul3A_605 = arith.muli %add3A_45, %mul3A_604 : i32
      "tpu.region"() ({
        %run_scoped3A = tpu.sem_alloc : memref<!tpu.dma_semaphore, #tpu.memory_space<semaphore_mem>>
        %dma_start3A_610 = arith.constant 0 : i32
        %dma_start3A_611 = tpu.memref_slice %arg6[%mul3A_605, %dma_start3A_610] : memref<1360x768xf32, #tpu.memory_space<hbm>> -> memref<32x768xf32, #tpu.memory_space<hbm>>
        %dma_start3A_612 = arith.constant 0 : i32
        %dma_start3A_613 = tpu.memref_slice %arg6[%mul3A_605, %dma_start3A_612] : memref<1360x768xf32, #tpu.memory_space<hbm>> -> memref<32x768xf32, #tpu.memory_space<hbm>>
        tpu.enqueue_dma source(%arg15 : memref<32x768xf32, #tpu.memory_space<vmem>>) target(%dma_start3A_613 : memref<32x768xf32, #tpu.memory_space<hbm>>) target_semaphore(%run_scoped3A : memref<!tpu.dma_semaphore, #tpu.memory_space<semaphore_mem>>)
        %dma_wait3A_614 = arith.constant 0 : i32
        %dma_wait3A_615 = tpu.memref_slice %arg6[%mul3A_605, %dma_wait3A_614] : memref<1360x768xf32, #tpu.memory_space<hbm>> -> memref<32x768xf32, #tpu.memory_space<hbm>>
        %dma_wait3A_616 = arith.constant 0 : i32
        %dma_wait3A_617 = tpu.memref_slice %arg6[%mul3A_605, %dma_wait3A_616] : memref<1360x768xf32, #tpu.memory_space<hbm>> -> memref<32x768xf32, #tpu.memory_space<hbm>>
        tpu.wait_dma2 semaphore(%run_scoped3A : memref<!tpu.dma_semaphore, #tpu.memory_space<semaphore_mem>>) src(%arg15 : memref<32x768xf32, #tpu.memory_space<vmem>>) dst(%dma_wait3A_617 : memref<32x768xf32, #tpu.memory_space<hbm>>)
        tpu.yield
      }) : () -> ()
      %mul3A_606 = arith.constant 40 : i32
      %mul3A_607 = arith.muli %add3A_45, %mul3A_606 : i32
      %add3A_608 = arith.constant 32 : i32
      %add3A_609 = arith.addi %mul3A_607, %add3A_608 : i32
      "tpu.region"() ({
        %run_scoped3A = tpu.sem_alloc : memref<!tpu.dma_semaphore, #tpu.memory_space<semaphore_mem>>
        %dma_start3A_610 = arith.constant 0 : i32
        %dma_start3A_611 = arith.constant 0 : i32
        %dma_start3A_612 = tpu.memref_slice %arg16[%dma_start3A_610, %dma_start3A_611] : memref<32x768xf32, #tpu.memory_space<vmem>> -> memref<8x768xf32, #tpu.memory_space<vmem>>
        %dma_start3A_613 = arith.constant 0 : i32
        %dma_start3A_614 = tpu.memref_slice %arg6[%add3A_609, %dma_start3A_613] : memref<1360x768xf32, #tpu.memory_space<hbm>> -> memref<8x768xf32, #tpu.memory_space<hbm>>
        %dma_start3A_615 = arith.constant 0 : i32
        %dma_start3A_616 = tpu.memref_slice %arg6[%add3A_609, %dma_start3A_615] : memref<1360x768xf32, #tpu.memory_space<hbm>> -> memref<8x768xf32, #tpu.memory_space<hbm>>
        %dma_start3A_617 = arith.constant 0 : i32
        %dma_start3A_618 = arith.constant 0 : i32
        %dma_start3A_619 = tpu.memref_slice %arg16[%dma_start3A_617, %dma_start3A_618] : memref<32x768xf32, #tpu.memory_space<vmem>> -> memref<8x768xf32, #tpu.memory_space<vmem>>
        tpu.enqueue_dma source(%dma_start3A_619 : memref<8x768xf32, #tpu.memory_space<vmem>>) target(%dma_start3A_616 : memref<8x768xf32, #tpu.memory_space<hbm>>) target_semaphore(%run_scoped3A : memref<!tpu.dma_semaphore, #tpu.memory_space<semaphore_mem>>)
        %dma_wait3A_620 = arith.constant 0 : i32
        %dma_wait3A_621 = arith.constant 0 : i32
        %dma_wait3A_622 = tpu.memref_slice %arg16[%dma_wait3A_620, %dma_wait3A_621] : memref<32x768xf32, #tpu.memory_space<vmem>> -> memref<8x768xf32, #tpu.memory_space<vmem>>
        %dma_wait3A_623 = arith.constant 0 : i32
        %dma_wait3A_624 = tpu.memref_slice %arg6[%add3A_609, %dma_wait3A_623] : memref<1360x768xf32, #tpu.memory_space<hbm>> -> memref<8x768xf32, #tpu.memory_space<hbm>>
        %dma_wait3A_625 = arith.constant 0 : i32
        %dma_wait3A_626 = tpu.memref_slice %arg6[%add3A_609, %dma_wait3A_625] : memref<1360x768xf32, #tpu.memory_space<hbm>> -> memref<8x768xf32, #tpu.memory_space<hbm>>
        %dma_wait3A_627 = arith.constant 0 : i32
        %dma_wait3A_628 = arith.constant 0 : i32
        %dma_wait3A_629 = tpu.memref_slice %arg16[%dma_wait3A_627, %dma_wait3A_628] : memref<32x768xf32, #tpu.memory_space<vmem>> -> memref<8x768xf32, #tpu.memory_space<vmem>>
        tpu.wait_dma2 semaphore(%run_scoped3A : memref<!tpu.dma_semaphore, #tpu.memory_space<semaphore_mem>>) src(%dma_wait3A_629 : memref<8x768xf32, #tpu.memory_space<vmem>>) dst(%dma_wait3A_626 : memref<8x768xf32, #tpu.memory_space<hbm>>)
        tpu.yield
      }) : () -> ()
    } else {
    }
    %mul3A_51 = arith.constant 3 : i32
    %mul3A_52 = arith.muli %arg1, %mul3A_51 : i32
    %add3A_53 = arith.constant 2 : i32
    %add3A_54 = arith.addi %mul3A_52, %add3A_53 : i32
    %lt3A_55 = arith.constant 34 : i32
    %lt3A_56 = arith.cmpi slt, %add3A_54, %lt3A_55 : i32
    %convert_element_type3A_57 = arith.extui %lt3A_56 : i1 to i32
    %cond3A_58 = arith.constant 0 : i32
    %cond3A_59 = arith.cmpi ne, %convert_element_type3A_57, %cond3A_58 : i32
    scf.if %cond3A_59 {
      %broadcast_in_dim3A_531 = vector.broadcast %add3A_54 : i32 to vector<16xi32>
      %swap3A_532 = arith.constant 0 : index
      %swap3A_533 = tpu.vector_load %arg11[%swap3A_532] {strides = array<i32>} : memref<48xi32, #tpu.memory_space<vmem>>, vector<16xi32>,
      tpu.vector_store %arg11[%swap3A_532], %broadcast_in_dim3A_531 {strides = array<i32>} : memref<48xi32, #tpu.memory_space<vmem>>, vector<16xi32>,
      %broadcast_in_dim3A_534 = vector.broadcast %add3A_54 : i32 to vector<16xi32>
      %swap3A_535 = arith.constant 16 : index
      %swap3A_536 = tpu.vector_load %arg11[%swap3A_535] {strides = array<i32>} : memref<48xi32, #tpu.memory_space<vmem>>, vector<16xi32>,
      tpu.vector_store %arg11[%swap3A_535], %broadcast_in_dim3A_534 {strides = array<i32>} : memref<48xi32, #tpu.memory_space<vmem>>, vector<16xi32>,
      %broadcast_in_dim3A_537 = vector.broadcast %add3A_54 : i32 to vector<16xi32>
      %swap3A_538 = arith.constant 32 : index
      %swap3A_539 = tpu.vector_load %arg11[%swap3A_538] {strides = array<i32>} : memref<48xi32, #tpu.memory_space<vmem>>, vector<16xi32>,
      tpu.vector_store %arg11[%swap3A_538], %broadcast_in_dim3A_537 {strides = array<i32>} : memref<48xi32, #tpu.memory_space<vmem>>, vector<16xi32>,
      %dma_start3A_540 = arith.constant 0 : i32
      %dma_start3A_541 = arith.constant 0 : i32
      %dma_start3A_542 = tpu.memref_slice %arg15[%dma_start3A_540, %dma_start3A_541] : memref<32x768xf32, #tpu.memory_space<vmem>> -> memref<32x384xf32, #tpu.memory_space<vmem>>
      %dma_start3A_543 = arith.constant 0 : i32
      %dma_start3A_544 = tpu.memref_slice %arg11[%dma_start3A_543] : memref<48xi32, #tpu.memory_space<vmem>> -> memref<32xi32, #tpu.memory_space<vmem>>
      %dma_start3A_545 = arith.constant 0 : i32
      %dma_start3A_546 = arith.constant 0 : i32
      %dma_start3A_547 = tpu.memref_slice %arg3[%dma_start3A_545, %dma_start3A_546] : memref<101x384xf32, #tpu.memory_space<hbm>> -> memref<101x384xf32, #tpu.memory_space<hbm>>
      tpu.enqueue_indirect_dma source(%dma_start3A_547 : memref<101x384xf32, #tpu.memory_space<hbm>>) target(%dma_start3A_542 : memref<32x384xf32, #tpu.memory_space<vmem>>) offsets(%dma_start3A_544 : memref<32xi32, #tpu.memory_space<vmem>>) semaphore(%arg19 : memref<!tpu.dma_semaphore, #tpu.memory_space<semaphore_mem>>)
      %dma_start3A_548 = arith.constant 0 : i32
      %dma_start3A_549 = arith.constant 384 : i32
      %dma_start3A_550 = tpu.memref_slice %arg15[%dma_start3A_548, %dma_start3A_549] : memref<32x768xf32, #tpu.memory_space<vmem>> -> memref<32x384xf32, #tpu.memory_space<vmem>>
      %dma_start3A_551 = arith.constant 0 : i32
      %dma_start3A_552 = tpu.memref_slice %arg12[%dma_start3A_551] : memref<48xi32, #tpu.memory_space<vmem>> -> memref<32xi32, #tpu.memory_space<vmem>>
      %dma_start3A_553 = arith.constant 0 : i32
      %dma_start3A_554 = arith.constant 0 : i32
      %dma_start3A_555 = tpu.memref_slice %arg4[%dma_start3A_553, %dma_start3A_554] : memref<101x384xf32, #tpu.memory_space<hbm>> -> memref<101x384xf32, #tpu.memory_space<hbm>>
      tpu.enqueue_indirect_dma source(%dma_start3A_555 : memref<101x384xf32, #tpu.memory_space<hbm>>) target(%dma_start3A_550 : memref<32x384xf32, #tpu.memory_space<vmem>>) offsets(%dma_start3A_552 : memref<32xi32, #tpu.memory_space<vmem>>) semaphore(%arg19 : memref<!tpu.dma_semaphore, #tpu.memory_space<semaphore_mem>>)
      %dma_start3A_556 = arith.constant 0 : i32
      %dma_start3A_557 = arith.constant 0 : i32
      %dma_start3A_558 = tpu.memref_slice %arg16[%dma_start3A_556, %dma_start3A_557] : memref<32x768xf32, #tpu.memory_space<vmem>> -> memref<8x384xf32, #tpu.memory_space<vmem>>
      %dma_start3A_559 = arith.constant 32 : i32
      %dma_start3A_560 = tpu.memref_slice %arg11[%dma_start3A_559] : memref<48xi32, #tpu.memory_space<vmem>> -> memref<8xi32, #tpu.memory_space<vmem>>
      %dma_start3A_561 = arith.constant 0 : i32
      %dma_start3A_562 = arith.constant 0 : i32
      %dma_start3A_563 = tpu.memref_slice %arg3[%dma_start3A_561, %dma_start3A_562] : memref<101x384xf32, #tpu.memory_space<hbm>> -> memref<101x384xf32, #tpu.memory_space<hbm>>
      tpu.enqueue_indirect_dma source(%dma_start3A_563 : memref<101x384xf32, #tpu.memory_space<hbm>>) target(%dma_start3A_558 : memref<8x384xf32, #tpu.memory_space<vmem>>) offsets(%dma_start3A_560 : memref<8xi32, #tpu.memory_space<vmem>>) semaphore(%arg20 : memref<!tpu.dma_semaphore, #tpu.memory_space<semaphore_mem>>)
      %dma_start3A_564 = arith.constant 0 : i32
      %dma_start3A_565 = arith.constant 384 : i32
      %dma_start3A_566 = tpu.memref_slice %arg16[%dma_start3A_564, %dma_start3A_565] : memref<32x768xf32, #tpu.memory_space<vmem>> -> memref<8x384xf32, #tpu.memory_space<vmem>>
      %dma_start3A_567 = arith.constant 32 : i32
      %dma_start3A_568 = tpu.memref_slice %arg12[%dma_start3A_567] : memref<48xi32, #tpu.memory_space<vmem>> -> memref<8xi32, #tpu.memory_space<vmem>>
      %dma_start3A_569 = arith.constant 0 : i32
      %dma_start3A_570 = arith.constant 0 : i32
      %dma_start3A_571 = tpu.memref_slice %arg4[%dma_start3A_569, %dma_start3A_570] : memref<101x384xf32, #tpu.memory_space<hbm>> -> memref<101x384xf32, #tpu.memory_space<hbm>>
      tpu.enqueue_indirect_dma source(%dma_start3A_571 : memref<101x384xf32, #tpu.memory_space<hbm>>) target(%dma_start3A_566 : memref<8x384xf32, #tpu.memory_space<vmem>>) offsets(%dma_start3A_568 : memref<8xi32, #tpu.memory_space<vmem>>) semaphore(%arg20 : memref<!tpu.dma_semaphore, #tpu.memory_space<semaphore_mem>>)
      %dma_wait3A_572 = arith.constant 0 : i32
      %dma_wait3A_573 = arith.constant 0 : i32
      %dma_wait3A_574 = tpu.memref_slice %arg15[%dma_wait3A_572, %dma_wait3A_573] : memref<32x768xf32, #tpu.memory_space<vmem>> -> memref<32x384xf32, #tpu.memory_space<vmem>>
      %dma_wait3A_575 = arith.constant 0 : i32
      %dma_wait3A_576 = tpu.memref_slice %arg11[%dma_wait3A_575] : memref<48xi32, #tpu.memory_space<vmem>> -> memref<32xi32, #tpu.memory_space<vmem>>
      %dma_wait3A_577 = arith.constant 0 : i32
      %dma_wait3A_578 = arith.constant 0 : i32
      %dma_wait3A_579 = tpu.memref_slice %arg3[%dma_wait3A_577, %dma_wait3A_578] : memref<101x384xf32, #tpu.memory_space<hbm>> -> memref<101x384xf32, #tpu.memory_space<hbm>>
      tpu.wait_indirect_dma semaphore(%arg19 : memref<!tpu.dma_semaphore, #tpu.memory_space<semaphore_mem>>) src(%dma_wait3A_579 : memref<101x384xf32, #tpu.memory_space<hbm>>) dst(%dma_wait3A_574 : memref<32x384xf32, #tpu.memory_space<vmem>>)
      %dma_wait3A_580 = arith.constant 0 : i32
      %dma_wait3A_581 = arith.constant 384 : i32
      %dma_wait3A_582 = tpu.memref_slice %arg15[%dma_wait3A_580, %dma_wait3A_581] : memref<32x768xf32, #tpu.memory_space<vmem>> -> memref<32x384xf32, #tpu.memory_space<vmem>>
      %dma_wait3A_583 = arith.constant 0 : i32
      %dma_wait3A_584 = tpu.memref_slice %arg12[%dma_wait3A_583] : memref<48xi32, #tpu.memory_space<vmem>> -> memref<32xi32, #tpu.memory_space<vmem>>
      %dma_wait3A_585 = arith.constant 0 : i32
      %dma_wait3A_586 = arith.constant 0 : i32
      %dma_wait3A_587 = tpu.memref_slice %arg4[%dma_wait3A_585, %dma_wait3A_586] : memref<101x384xf32, #tpu.memory_space<hbm>> -> memref<101x384xf32, #tpu.memory_space<hbm>>
      tpu.wait_indirect_dma semaphore(%arg19 : memref<!tpu.dma_semaphore, #tpu.memory_space<semaphore_mem>>) src(%dma_wait3A_587 : memref<101x384xf32, #tpu.memory_space<hbm>>) dst(%dma_wait3A_582 : memref<32x384xf32, #tpu.memory_space<vmem>>)
      %dma_wait3A_588 = arith.constant 0 : i32
      %dma_wait3A_589 = arith.constant 0 : i32
      %dma_wait3A_590 = tpu.memref_slice %arg16[%dma_wait3A_588, %dma_wait3A_589] : memref<32x768xf32, #tpu.memory_space<vmem>> -> memref<8x384xf32, #tpu.memory_space<vmem>>
      %dma_wait3A_591 = arith.constant 32 : i32
      %dma_wait3A_592 = tpu.memref_slice %arg11[%dma_wait3A_591] : memref<48xi32, #tpu.memory_space<vmem>> -> memref<8xi32, #tpu.memory_space<vmem>>
      %dma_wait3A_593 = arith.constant 0 : i32
      %dma_wait3A_594 = arith.constant 0 : i32
      %dma_wait3A_595 = tpu.memref_slice %arg3[%dma_wait3A_593, %dma_wait3A_594] : memref<101x384xf32, #tpu.memory_space<hbm>> -> memref<101x384xf32, #tpu.memory_space<hbm>>
      tpu.wait_indirect_dma semaphore(%arg20 : memref<!tpu.dma_semaphore, #tpu.memory_space<semaphore_mem>>) src(%dma_wait3A_595 : memref<101x384xf32, #tpu.memory_space<hbm>>) dst(%dma_wait3A_590 : memref<8x384xf32, #tpu.memory_space<vmem>>)
      %dma_wait3A_596 = arith.constant 0 : i32
      %dma_wait3A_597 = arith.constant 384 : i32
      %dma_wait3A_598 = tpu.memref_slice %arg16[%dma_wait3A_596, %dma_wait3A_597] : memref<32x768xf32, #tpu.memory_space<vmem>> -> memref<8x384xf32, #tpu.memory_space<vmem>>
      %dma_wait3A_599 = arith.constant 32 : i32
      %dma_wait3A_600 = tpu.memref_slice %arg12[%dma_wait3A_599] : memref<48xi32, #tpu.memory_space<vmem>> -> memref<8xi32, #tpu.memory_space<vmem>>
      %dma_wait3A_601 = arith.constant 0 : i32
      %dma_wait3A_602 = arith.constant 0 : i32
      %dma_wait3A_603 = tpu.memref_slice %arg4[%dma_wait3A_601, %dma_wait3A_602] : memref<101x384xf32, #tpu.memory_space<hbm>> -> memref<101x384xf32, #tpu.memory_space<hbm>>
      tpu.wait_indirect_dma semaphore(%arg20 : memref<!tpu.dma_semaphore, #tpu.memory_space<semaphore_mem>>) src(%dma_wait3A_603 : memref<101x384xf32, #tpu.memory_space<hbm>>) dst(%dma_wait3A_598 : memref<8x384xf32, #tpu.memory_space<vmem>>)
      %mul3A_604 = arith.constant 40 : i32
      %mul3A_605 = arith.muli %add3A_54, %mul3A_604 : i32
      "tpu.region"() ({
        %run_scoped3A = tpu.sem_alloc : memref<!tpu.dma_semaphore, #tpu.memory_space<semaphore_mem>>
        %dma_start3A_610 = arith.constant 0 : i32
        %dma_start3A_611 = tpu.memref_slice %arg6[%mul3A_605, %dma_start3A_610] : memref<1360x768xf32, #tpu.memory_space<hbm>> -> memref<32x768xf32, #tpu.memory_space<hbm>>
        %dma_start3A_612 = arith.constant 0 : i32
        %dma_start3A_613 = tpu.memref_slice %arg6[%mul3A_605, %dma_start3A_612] : memref<1360x768xf32, #tpu.memory_space<hbm>> -> memref<32x768xf32, #tpu.memory_space<hbm>>
        tpu.enqueue_dma source(%arg15 : memref<32x768xf32, #tpu.memory_space<vmem>>) target(%dma_start3A_613 : memref<32x768xf32, #tpu.memory_space<hbm>>) target_semaphore(%run_scoped3A : memref<!tpu.dma_semaphore, #tpu.memory_space<semaphore_mem>>)
        %dma_wait3A_614 = arith.constant 0 : i32
        %dma_wait3A_615 = tpu.memref_slice %arg6[%mul3A_605, %dma_wait3A_614] : memref<1360x768xf32, #tpu.memory_space<hbm>> -> memref<32x768xf32, #tpu.memory_space<hbm>>
        %dma_wait3A_616 = arith.constant 0 : i32
        %dma_wait3A_617 = tpu.memref_slice %arg6[%mul3A_605, %dma_wait3A_616] : memref<1360x768xf32, #tpu.memory_space<hbm>> -> memref<32x768xf32, #tpu.memory_space<hbm>>
        tpu.wait_dma2 semaphore(%run_scoped3A : memref<!tpu.dma_semaphore, #tpu.memory_space<semaphore_mem>>) src(%arg15 : memref<32x768xf32, #tpu.memory_space<vmem>>) dst(%dma_wait3A_617 : memref<32x768xf32, #tpu.memory_space<hbm>>)
        tpu.yield
      }) : () -> ()
      %mul3A_606 = arith.constant 40 : i32
      %mul3A_607 = arith.muli %add3A_54, %mul3A_606 : i32
      %add3A_608 = arith.constant 32 : i32
      %add3A_609 = arith.addi %mul3A_607, %add3A_608 : i32
      "tpu.region"() ({
        %run_scoped3A = tpu.sem_alloc : memref<!tpu.dma_semaphore, #tpu.memory_space<semaphore_mem>>
        %dma_start3A_610 = arith.constant 0 : i32
        %dma_start3A_611 = arith.constant 0 : i32
        %dma_start3A_612 = tpu.memref_slice %arg16[%dma_start3A_610, %dma_start3A_611] : memref<32x768xf32, #tpu.memory_space<vmem>> -> memref<8x768xf32, #tpu.memory_space<vmem>>
        %dma_start3A_613 = arith.constant 0 : i32
        %dma_start3A_614 = tpu.memref_slice %arg6[%add3A_609, %dma_start3A_613] : memref<1360x768xf32, #tpu.memory_space<hbm>> -> memref<8x768xf32, #tpu.memory_space<hbm>>
        %dma_start3A_615 = arith.constant 0 : i32
        %dma_start3A_616 = tpu.memref_slice %arg6[%add3A_609, %dma_start3A_615] : memref<1360x768xf32, #tpu.memory_space<hbm>> -> memref<8x768xf32, #tpu.memory_space<hbm>>
        %dma_start3A_617 = arith.constant 0 : i32
        %dma_start3A_618 = arith.constant 0 : i32
        %dma_start3A_619 = tpu.memref_slice %arg16[%dma_start3A_617, %dma_start3A_618] : memref<32x768xf32, #tpu.memory_space<vmem>> -> memref<8x768xf32, #tpu.memory_space<vmem>>
        tpu.enqueue_dma source(%dma_start3A_619 : memref<8x768xf32, #tpu.memory_space<vmem>>) target(%dma_start3A_616 : memref<8x768xf32, #tpu.memory_space<hbm>>) target_semaphore(%run_scoped3A : memref<!tpu.dma_semaphore, #tpu.memory_space<semaphore_mem>>)
        %dma_wait3A_620 = arith.constant 0 : i32
        %dma_wait3A_621 = arith.constant 0 : i32
        %dma_wait3A_622 = tpu.memref_slice %arg16[%dma_wait3A_620, %dma_wait3A_621] : memref<32x768xf32, #tpu.memory_space<vmem>> -> memref<8x768xf32, #tpu.memory_space<vmem>>
        %dma_wait3A_623 = arith.constant 0 : i32
        %dma_wait3A_624 = tpu.memref_slice %arg6[%add3A_609, %dma_wait3A_623] : memref<1360x768xf32, #tpu.memory_space<hbm>> -> memref<8x768xf32, #tpu.memory_space<hbm>>
        %dma_wait3A_625 = arith.constant 0 : i32
        %dma_wait3A_626 = tpu.memref_slice %arg6[%add3A_609, %dma_wait3A_625] : memref<1360x768xf32, #tpu.memory_space<hbm>> -> memref<8x768xf32, #tpu.memory_space<hbm>>
        %dma_wait3A_627 = arith.constant 0 : i32
        %dma_wait3A_628 = arith.constant 0 : i32
        %dma_wait3A_629 = tpu.memref_slice %arg16[%dma_wait3A_627, %dma_wait3A_628] : memref<32x768xf32, #tpu.memory_space<vmem>> -> memref<8x768xf32, #tpu.memory_space<vmem>>
        tpu.wait_dma2 semaphore(%run_scoped3A : memref<!tpu.dma_semaphore, #tpu.memory_space<semaphore_mem>>) src(%dma_wait3A_629 : memref<8x768xf32, #tpu.memory_space<vmem>>) dst(%dma_wait3A_626 : memref<8x768xf32, #tpu.memory_space<hbm>>)
        tpu.yield
      }) : () -> ()
    } else {
    }
    %barrier3A = arith.constant 0 : index
    tpu.barrier barrier_id(%barrier3A)
    %mul3A_60 = arith.constant 16 : i32
    %mul3A_61 = arith.muli %arg0, %mul3A_60 : i32
    %mul3A_62 = arith.constant 16 : i32
    %mul3A_63 = arith.muli %mul3A_61, %mul3A_62 : i32
    "tpu.region"() ({
      %run_scoped3A = tpu.sem_alloc : memref<!tpu.dma_semaphore, #tpu.memory_space<semaphore_mem>>
      %dma_start3A_531 = tpu.memref_slice %arg7[%mul3A_63] : memref<512xf32, #tpu.memory_space<hbm>> -> memref<256xf32, #tpu.memory_space<hbm>>
      %dma_start3A_532 = tpu.memref_slice %arg7[%mul3A_63] : memref<512xf32, #tpu.memory_space<hbm>> -> memref<256xf32, #tpu.memory_space<hbm>>
      tpu.enqueue_dma source(%dma_start3A_532 : memref<256xf32, #tpu.memory_space<hbm>>) target(%arg14 : memref<256xf32, #tpu.memory_space<vmem>>) target_semaphore(%run_scoped3A : memref<!tpu.dma_semaphore, #tpu.memory_space<semaphore_mem>>)
      %dma_wait3A_533 = tpu.memref_slice %arg7[%mul3A_63] : memref<512xf32, #tpu.memory_space<hbm>> -> memref<256xf32, #tpu.memory_space<hbm>>
      %dma_wait3A_534 = tpu.memref_slice %arg7[%mul3A_63] : memref<512xf32, #tpu.memory_space<hbm>> -> memref<256xf32, #tpu.memory_space<hbm>>
      tpu.wait_dma2 semaphore(%run_scoped3A : memref<!tpu.dma_semaphore, #tpu.memory_space<semaphore_mem>>) src(%dma_wait3A_534 : memref<256xf32, #tpu.memory_space<hbm>>) dst(%arg14 : memref<256xf32, #tpu.memory_space<vmem>>)
      tpu.yield
    }) : () -> ()
    %get3A = arith.constant 0 : index
    %get3A_64 = tpu.vector_load %arg14[%get3A] {strides = array<i32>} : memref<256xf32, #tpu.memory_space<vmem>>, vector<16xf32>,
    %get3A_65 = arith.constant 16 : index
    %get3A_66 = tpu.vector_load %arg14[%get3A_65] {strides = array<i32>} : memref<256xf32, #tpu.memory_space<vmem>>, vector<16xf32>,
    %max3A_67 = arith.maximumf %get3A_64, %get3A_66 : vector<16xf32>
    %get3A_68 = arith.constant 32 : index
    %get3A_69 = tpu.vector_load %arg14[%get3A_68] {strides = array<i32>} : memref<256xf32, #tpu.memory_space<vmem>>, vector<16xf32>,
    %max3A_70 = arith.maximumf %max3A_67, %get3A_69 : vector<16xf32>
    %get3A_71 = arith.constant 48 : index
    %get3A_72 = tpu.vector_load %arg14[%get3A_71] {strides = array<i32>} : memref<256xf32, #tpu.memory_space<vmem>>, vector<16xf32>,
    %max3A_73 = arith.maximumf %max3A_70, %get3A_72 : vector<16xf32>
    %get3A_74 = arith.constant 64 : index
    %get3A_75 = tpu.vector_load %arg14[%get3A_74] {strides = array<i32>} : memref<256xf32, #tpu.memory_space<vmem>>, vector<16xf32>,
    %max3A_76 = arith.maximumf %max3A_73, %get3A_75 : vector<16xf32>
    %get3A_77 = arith.constant 80 : index
    %get3A_78 = tpu.vector_load %arg14[%get3A_77] {strides = array<i32>} : memref<256xf32, #tpu.memory_space<vmem>>, vector<16xf32>,
    %max3A_79 = arith.maximumf %max3A_76, %get3A_78 : vector<16xf32>
    %get3A_80 = arith.constant 96 : index
    %get3A_81 = tpu.vector_load %arg14[%get3A_80] {strides = array<i32>} : memref<256xf32, #tpu.memory_space<vmem>>, vector<16xf32>,
    %max3A_82 = arith.maximumf %max3A_79, %get3A_81 : vector<16xf32>
    %get3A_83 = arith.constant 112 : index
    %get3A_84 = tpu.vector_load %arg14[%get3A_83] {strides = array<i32>} : memref<256xf32, #tpu.memory_space<vmem>>, vector<16xf32>,
    %max3A_85 = arith.maximumf %max3A_82, %get3A_84 : vector<16xf32>
    %get3A_86 = arith.constant 128 : index
    %get3A_87 = tpu.vector_load %arg14[%get3A_86] {strides = array<i32>} : memref<256xf32, #tpu.memory_space<vmem>>, vector<16xf32>,
    %max3A_88 = arith.maximumf %max3A_85, %get3A_87 : vector<16xf32>
    %get3A_89 = arith.constant 144 : index
    %get3A_90 = tpu.vector_load %arg14[%get3A_89] {strides = array<i32>} : memref<256xf32, #tpu.memory_space<vmem>>, vector<16xf32>,
    %max3A_91 = arith.maximumf %max3A_88, %get3A_90 : vector<16xf32>
    %get3A_92 = arith.constant 160 : index
    %get3A_93 = tpu.vector_load %arg14[%get3A_92] {strides = array<i32>} : memref<256xf32, #tpu.memory_space<vmem>>, vector<16xf32>,
    %max3A_94 = arith.maximumf %max3A_91, %get3A_93 : vector<16xf32>
    %get3A_95 = arith.constant 176 : index
    %get3A_96 = tpu.vector_load %arg14[%get3A_95] {strides = array<i32>} : memref<256xf32, #tpu.memory_space<vmem>>, vector<16xf32>,
    %max3A_97 = arith.maximumf %max3A_94, %get3A_96 : vector<16xf32>
    %get3A_98 = arith.constant 192 : index
    %get3A_99 = tpu.vector_load %arg14[%get3A_98] {strides = array<i32>} : memref<256xf32, #tpu.memory_space<vmem>>, vector<16xf32>,
    %max3A_100 = arith.maximumf %max3A_97, %get3A_99 : vector<16xf32>
    %get3A_101 = arith.constant 208 : index
    %get3A_102 = tpu.vector_load %arg14[%get3A_101] {strides = array<i32>} : memref<256xf32, #tpu.memory_space<vmem>>, vector<16xf32>,
    %max3A_103 = arith.maximumf %max3A_100, %get3A_102 : vector<16xf32>
    %get3A_104 = arith.constant 224 : index
    %get3A_105 = tpu.vector_load %arg14[%get3A_104] {strides = array<i32>} : memref<256xf32, #tpu.memory_space<vmem>>, vector<16xf32>,
    %max3A_106 = arith.maximumf %max3A_103, %get3A_105 : vector<16xf32>
    %get3A_107 = arith.constant 240 : index
    %get3A_108 = tpu.vector_load %arg14[%get3A_107] {strides = array<i32>} : memref<256xf32, #tpu.memory_space<vmem>>, vector<16xf32>,
    %max3A_109 = arith.maximumf %max3A_106, %get3A_108 : vector<16xf32>
    %iota3A_110 = tpu.iota {dimensions = array<i32: 0>} : vector<16xi32>
    %xor3A = arith.constant 1 : i32
    %xor3A_111 = vector.broadcast %xor3A : i32 to vector<16xi32>
    %xor3A_112 = arith.xori %iota3A_110, %xor3A_111 : vector<16xi32>
    %lt3A_113 = arith.constant 0 : i32
    %lt3A_114 = vector.broadcast %lt3A_113 : i32 to vector<16xi32>
    %lt3A_115 = arith.cmpi slt, %xor3A_112, %lt3A_114 : vector<16xi32>
    %add3A_116 = arith.constant 16 : i32
    %add3A_117 = vector.broadcast %add3A_116 : i32 to vector<16xi32>
    %add3A_118 = arith.addi %xor3A_112, %add3A_117 : vector<16xi32>
    %select_n3A = arith.select %lt3A_115, %add3A_118, %xor3A_112 : vector<16xi1>, vector<16xi32>
    %broadcast_in_dim3A_119 = vector.shape_cast %select_n3A : vector<16xi32> to vector<16x1xi32>
    %gather3A = vector.shape_cast %broadcast_in_dim3A_119 : vector<16x1xi32> to vector<16xi32>
    %gather3A_120 = tpu.dynamic_gather %max3A_109[%gather3A] in [0] : vector<16xf32>, vector<16xi32> -> vector<16xf32>
    %max3A_121 = arith.maximumf %max3A_109, %gather3A_120 : vector<16xf32>
    %xor3A_122 = arith.constant 2 : i32
    %xor3A_123 = vector.broadcast %xor3A_122 : i32 to vector<16xi32>
    %xor3A_124 = arith.xori %iota3A_110, %xor3A_123 : vector<16xi32>
    %lt3A_125 = arith.constant 0 : i32
    %lt3A_126 = vector.broadcast %lt3A_125 : i32 to vector<16xi32>
    %lt3A_127 = arith.cmpi slt, %xor3A_124, %lt3A_126 : vector<16xi32>
    %add3A_128 = arith.constant 16 : i32
    %add3A_129 = vector.broadcast %add3A_128 : i32 to vector<16xi32>
    %add3A_130 = arith.addi %xor3A_124, %add3A_129 : vector<16xi32>
    %select_n3A_131 = arith.select %lt3A_127, %add3A_130, %xor3A_124 : vector<16xi1>, vector<16xi32>
    %broadcast_in_dim3A_132 = vector.shape_cast %select_n3A_131 : vector<16xi32> to vector<16x1xi32>
    %gather3A_133 = vector.shape_cast %broadcast_in_dim3A_132 : vector<16x1xi32> to vector<16xi32>
    %gather3A_134 = tpu.dynamic_gather %max3A_121[%gather3A_133] in [0] : vector<16xf32>, vector<16xi32> -> vector<16xf32>
    %max3A_135 = arith.maximumf %max3A_121, %gather3A_134 : vector<16xf32>
    %xor3A_136 = arith.constant 4 : i32
    %xor3A_137 = vector.broadcast %xor3A_136 : i32 to vector<16xi32>
    %xor3A_138 = arith.xori %iota3A_110, %xor3A_137 : vector<16xi32>
    %lt3A_139 = arith.constant 0 : i32
    %lt3A_140 = vector.broadcast %lt3A_139 : i32 to vector<16xi32>
    %lt3A_141 = arith.cmpi slt, %xor3A_138, %lt3A_140 : vector<16xi32>
    %add3A_142 = arith.constant 16 : i32
    %add3A_143 = vector.broadcast %add3A_142 : i32 to vector<16xi32>
    %add3A_144 = arith.addi %xor3A_138, %add3A_143 : vector<16xi32>
    %select_n3A_145 = arith.select %lt3A_141, %add3A_144, %xor3A_138 : vector<16xi1>, vector<16xi32>
    %broadcast_in_dim3A_146 = vector.shape_cast %select_n3A_145 : vector<16xi32> to vector<16x1xi32>
    %gather3A_147 = vector.shape_cast %broadcast_in_dim3A_146 : vector<16x1xi32> to vector<16xi32>
    %gather3A_148 = tpu.dynamic_gather %max3A_135[%gather3A_147] in [0] : vector<16xf32>, vector<16xi32> -> vector<16xf32>
    %max3A_149 = arith.maximumf %max3A_135, %gather3A_148 : vector<16xf32>
    %xor3A_150 = arith.constant 8 : i32
    %xor3A_151 = vector.broadcast %xor3A_150 : i32 to vector<16xi32>
    %xor3A_152 = arith.xori %iota3A_110, %xor3A_151 : vector<16xi32>
    %lt3A_153 = arith.constant 0 : i32
    %lt3A_154 = vector.broadcast %lt3A_153 : i32 to vector<16xi32>
    %lt3A_155 = arith.cmpi slt, %xor3A_152, %lt3A_154 : vector<16xi32>
    %add3A_156 = arith.constant 16 : i32
    %add3A_157 = vector.broadcast %add3A_156 : i32 to vector<16xi32>
    %add3A_158 = arith.addi %xor3A_152, %add3A_157 : vector<16xi32>
    %select_n3A_159 = arith.select %lt3A_155, %add3A_158, %xor3A_152 : vector<16xi1>, vector<16xi32>
    %broadcast_in_dim3A_160 = vector.shape_cast %select_n3A_159 : vector<16xi32> to vector<16x1xi32>
    %gather3A_161 = vector.shape_cast %broadcast_in_dim3A_160 : vector<16x1xi32> to vector<16xi32>
    %gather3A_162 = tpu.dynamic_gather %max3A_149[%gather3A_161] in [0] : vector<16xf32>, vector<16xi32> -> vector<16xf32>
    %max3A_163 = arith.maximumf %max3A_149, %gather3A_162 : vector<16xf32>
    %mul3A_164 = arith.constant 2 : i32
    %mul3A_165 = vector.broadcast %mul3A_164 : i32 to vector<16xi32>
    %mul3A_166 = arith.muli %mul3A_165, %iota3A_110 : vector<16xi32>
    %add3A_167 = arith.constant 0 : i32
    %add3A_168 = vector.broadcast %add3A_167 : i32 to vector<16xi32>
    %add3A_169 = arith.addi %add3A_168, %mul3A_166 : vector<16xi32>
    %gather3A_170 = tpu.vector_load_idx %arg9[%add3A_169] : memref<4096xf32, #tpu.memory_space<vmem>>[vector<16xi32>], vector<16xf32>,
    %add3A_171 = arith.constant 1 : i32
    %add3A_172 = vector.broadcast %add3A_171 : i32 to vector<16xi32>
    %add3A_173 = arith.addi %add3A_169, %add3A_172 : vector<16xi32>
    %gather3A_174 = tpu.vector_load_idx %arg9[%add3A_173] : memref<4096xf32, #tpu.memory_space<vmem>>[vector<16xi32>], vector<16xf32>,
    %div3A = arith.divf %gather3A_174, %max3A_163 : vector<16xf32>
    %mul3A_175 = arith.constant 3.300000e+01 : f32
    %mul3A_176 = vector.broadcast %mul3A_175 : f32 to vector<16xf32>
    %mul3A_177 = arith.mulf %div3A, %mul3A_176 : vector<16xf32>
    %convert_element_type3A_178 = arith.fptosi %mul3A_177 : vector<16xf32> to vector<16xi32>
    %jit3A = arith.constant 0 : i32
    %jit3A_179 = arith.constant 33 : i32
    %max3A_180 = vector.broadcast %jit3A : i32 to vector<16xi32>
    %max3A_181 = arith.maxsi %max3A_180, %convert_element_type3A_178 : vector<16xi32>
    %min3A = vector.broadcast %jit3A_179 : i32 to vector<16xi32>
    %min3A_182 = arith.minsi %min3A, %max3A_181 : vector<16xi32>
    %div3A_183 = arith.divf %gather3A_170, %max3A_163 : vector<16xf32>
    %mul3A_184 = arith.constant 3.300000e+01 : f32
    %mul3A_185 = vector.broadcast %mul3A_184 : f32 to vector<16xf32>
    %mul3A_186 = arith.mulf %div3A_183, %mul3A_185 : vector<16xf32>
    %convert_element_type3A_187 = arith.fptosi %mul3A_186 : vector<16xf32> to vector<16xi32>
    %jit3A_188 = arith.constant 0 : i32
    %jit3A_189 = arith.constant 33 : i32
    %max3A_190 = vector.broadcast %jit3A_188 : i32 to vector<16xi32>
    %max3A_191 = arith.maxsi %max3A_190, %convert_element_type3A_187 : vector<16xi32>
    %min3A_192 = vector.broadcast %jit3A_189 : i32 to vector<16xi32>
    %min3A_193 = arith.minsi %min3A_192, %max3A_191 : vector<16xi32>
    %mul3A_194 = arith.constant 40 : i32
    %mul3A_195 = vector.broadcast %mul3A_194 : i32 to vector<16xi32>
    %mul3A_196 = arith.muli %min3A_182, %mul3A_195 : vector<16xi32>
    %add3A_197 = arith.addi %mul3A_196, %min3A_193 : vector<16xi32>
    %swap3A_198 = arith.constant 0 : index
    %swap3A_199 = tpu.vector_load %arg10[%swap3A_198] {strides = array<i32>} : memref<2048xi32, #tpu.memory_space<vmem>>, vector<16xi32>,
    tpu.vector_store %arg10[%swap3A_198], %add3A_197 {strides = array<i32>} : memref<2048xi32, #tpu.memory_space<vmem>>, vector<16xi32>,
    %mul3A_200 = arith.constant 2 : i32
    %mul3A_201 = vector.broadcast %mul3A_200 : i32 to vector<16xi32>
    %mul3A_202 = arith.muli %mul3A_201, %iota3A_110 : vector<16xi32>
    %add3A_203 = arith.constant 32 : i32
    %add3A_204 = vector.broadcast %add3A_203 : i32 to vector<16xi32>
    %add3A_205 = arith.addi %add3A_204, %mul3A_202 : vector<16xi32>
    %gather3A_206 = tpu.vector_load_idx %arg9[%add3A_205] : memref<4096xf32, #tpu.memory_space<vmem>>[vector<16xi32>], vector<16xf32>,
    %add3A_207 = arith.constant 1 : i32
    %add3A_208 = vector.broadcast %add3A_207 : i32 to vector<16xi32>
    %add3A_209 = arith.addi %add3A_205, %add3A_208 : vector<16xi32>
    %gather3A_210 = tpu.vector_load_idx %arg9[%add3A_209] : memref<4096xf32, #tpu.memory_space<vmem>>[vector<16xi32>], vector<16xf32>,
    %div3A_211 = arith.divf %gather3A_210, %max3A_163 : vector<16xf32>
    %mul3A_212 = arith.constant 3.300000e+01 : f32
    %mul3A_213 = vector.broadcast %mul3A_212 : f32 to vector<16xf32>
    %mul3A_214 = arith.mulf %div3A_211, %mul3A_213 : vector<16xf32>
    %convert_element_type3A_215 = arith.fptosi %mul3A_214 : vector<16xf32> to vector<16xi32>
    %jit3A_216 = arith.constant 0 : i32
    %jit3A_217 = arith.constant 33 : i32
    %max3A_218 = vector.broadcast %jit3A_216 : i32 to vector<16xi32>
    %max3A_219 = arith.maxsi %max3A_218, %convert_element_type3A_215 : vector<16xi32>
    %min3A_220 = vector.broadcast %jit3A_217 : i32 to vector<16xi32>
    %min3A_221 = arith.minsi %min3A_220, %max3A_219 : vector<16xi32>
    %div3A_222 = arith.divf %gather3A_206, %max3A_163 : vector<16xf32>
    %mul3A_223 = arith.constant 3.300000e+01 : f32
    %mul3A_224 = vector.broadcast %mul3A_223 : f32 to vector<16xf32>
    %mul3A_225 = arith.mulf %div3A_222, %mul3A_224 : vector<16xf32>
    %convert_element_type3A_226 = arith.fptosi %mul3A_225 : vector<16xf32> to vector<16xi32>
    %jit3A_227 = arith.constant 0 : i32
    %jit3A_228 = arith.constant 33 : i32
    %max3A_229 = vector.broadcast %jit3A_227 : i32 to vector<16xi32>
    %max3A_230 = arith.maxsi %max3A_229, %convert_element_type3A_226 : vector<16xi32>
    %min3A_231 = vector.broadcast %jit3A_228 : i32 to vector<16xi32>
    %min3A_232 = arith.minsi %min3A_231, %max3A_230 : vector<16xi32>
    %mul3A_233 = arith.constant 40 : i32
    %mul3A_234 = vector.broadcast %mul3A_233 : i32 to vector<16xi32>
    %mul3A_235 = arith.muli %min3A_221, %mul3A_234 : vector<16xi32>
    %add3A_236 = arith.addi %mul3A_235, %min3A_232 : vector<16xi32>
    %swap3A_237 = arith.constant 16 : index
    %swap3A_238 = tpu.vector_load %arg10[%swap3A_237] {strides = array<i32>} : memref<2048xi32, #tpu.memory_space<vmem>>, vector<16xi32>,
    tpu.vector_store %arg10[%swap3A_237], %add3A_236 {strides = array<i32>} : memref<2048xi32, #tpu.memory_space<vmem>>, vector<16xi32>,
    %dma_start3A = arith.constant 0 : i32
    %dma_start3A_239 = tpu.memref_slice %arg10[%dma_start3A] : memref<2048xi32, #tpu.memory_space<vmem>> -> memref<32xi32, #tpu.memory_space<vmem>>
    %dma_start3A_240 = arith.constant 0 : i32
    %dma_start3A_241 = arith.constant 0 : i32
    %dma_start3A_242 = tpu.memref_slice %arg6[%dma_start3A_240, %dma_start3A_241] : memref<1360x768xf32, #tpu.memory_space<hbm>> -> memref<1360x768xf32, #tpu.memory_space<hbm>>
    tpu.enqueue_indirect_dma source(%dma_start3A_242 : memref<1360x768xf32, #tpu.memory_space<hbm>>) target(%arg15 : memref<32x768xf32, #tpu.memory_space<vmem>>) offsets(%dma_start3A_239 : memref<32xi32, #tpu.memory_space<vmem>>) semaphore(%arg19 : memref<!tpu.dma_semaphore, #tpu.memory_space<semaphore_mem>>)
    %mul3A_243 = arith.constant 2 : i32
    %mul3A_244 = vector.broadcast %mul3A_243 : i32 to vector<16xi32>
    %mul3A_245 = arith.muli %mul3A_244, %iota3A_110 : vector<16xi32>
    %add3A_246 = arith.constant 64 : i32
    %add3A_247 = vector.broadcast %add3A_246 : i32 to vector<16xi32>
    %add3A_248 = arith.addi %add3A_247, %mul3A_245 : vector<16xi32>
    %gather3A_249 = tpu.vector_load_idx %arg9[%add3A_248] : memref<4096xf32, #tpu.memory_space<vmem>>[vector<16xi32>], vector<16xf32>,
    %add3A_250 = arith.constant 1 : i32
    %add3A_251 = vector.broadcast %add3A_250 : i32 to vector<16xi32>
    %add3A_252 = arith.addi %add3A_248, %add3A_251 : vector<16xi32>
    %gather3A_253 = tpu.vector_load_idx %arg9[%add3A_252] : memref<4096xf32, #tpu.memory_space<vmem>>[vector<16xi32>], vector<16xf32>,
    %div3A_254 = arith.divf %gather3A_253, %max3A_163 : vector<16xf32>
    %mul3A_255 = arith.constant 3.300000e+01 : f32
    %mul3A_256 = vector.broadcast %mul3A_255 : f32 to vector<16xf32>
    %mul3A_257 = arith.mulf %div3A_254, %mul3A_256 : vector<16xf32>
    %convert_element_type3A_258 = arith.fptosi %mul3A_257 : vector<16xf32> to vector<16xi32>
    %jit3A_259 = arith.constant 0 : i32
    %jit3A_260 = arith.constant 33 : i32
    %max3A_261 = vector.broadcast %jit3A_259 : i32 to vector<16xi32>
    %max3A_262 = arith.maxsi %max3A_261, %convert_element_type3A_258 : vector<16xi32>
    %min3A_263 = vector.broadcast %jit3A_260 : i32 to vector<16xi32>
    %min3A_264 = arith.minsi %min3A_263, %max3A_262 : vector<16xi32>
    %div3A_265 = arith.divf %gather3A_249, %max3A_163 : vector<16xf32>
    %mul3A_266 = arith.constant 3.300000e+01 : f32
    %mul3A_267 = vector.broadcast %mul3A_266 : f32 to vector<16xf32>
    %mul3A_268 = arith.mulf %div3A_265, %mul3A_267 : vector<16xf32>
    %convert_element_type3A_269 = arith.fptosi %mul3A_268 : vector<16xf32> to vector<16xi32>
    %jit3A_270 = arith.constant 0 : i32
    %jit3A_271 = arith.constant 33 : i32
    %max3A_272 = vector.broadcast %jit3A_270 : i32 to vector<16xi32>
    %max3A_273 = arith.maxsi %max3A_272, %convert_element_type3A_269 : vector<16xi32>
    %min3A_274 = vector.broadcast %jit3A_271 : i32 to vector<16xi32>
    %min3A_275 = arith.minsi %min3A_274, %max3A_273 : vector<16xi32>
    %mul3A_276 = arith.constant 40 : i32
    %mul3A_277 = vector.broadcast %mul3A_276 : i32 to vector<16xi32>
    %mul3A_278 = arith.muli %min3A_264, %mul3A_277 : vector<16xi32>
    %add3A_279 = arith.addi %mul3A_278, %min3A_275 : vector<16xi32>
    %swap3A_280 = arith.constant 32 : index
    %swap3A_281 = tpu.vector_load %arg10[%swap3A_280] {strides = array<i32>} : memref<2048xi32, #tpu.memory_space<vmem>>, vector<16xi32>,
    tpu.vector_store %arg10[%swap3A_280], %add3A_279 {strides = array<i32>} : memref<2048xi32, #tpu.memory_space<vmem>>, vector<16xi32>,
    %mul3A_282 = arith.constant 2 : i32
    %mul3A_283 = vector.broadcast %mul3A_282 : i32 to vector<16xi32>
    %mul3A_284 = arith.muli %mul3A_283, %iota3A_110 : vector<16xi32>
    %add3A_285 = arith.constant 96 : i32
    %add3A_286 = vector.broadcast %add3A_285 : i32 to vector<16xi32>
    %add3A_287 = arith.addi %add3A_286, %mul3A_284 : vector<16xi32>
    %gather3A_288 = tpu.vector_load_idx %arg9[%add3A_287] : memref<4096xf32, #tpu.memory_space<vmem>>[vector<16xi32>], vector<16xf32>,
    %add3A_289 = arith.constant 1 : i32
    %add3A_290 = vector.broadcast %add3A_289 : i32 to vector<16xi32>
    %add3A_291 = arith.addi %add3A_287, %add3A_290 : vector<16xi32>
    %gather3A_292 = tpu.vector_load_idx %arg9[%add3A_291] : memref<4096xf32, #tpu.memory_space<vmem>>[vector<16xi32>], vector<16xf32>,
    %div3A_293 = arith.divf %gather3A_292, %max3A_163 : vector<16xf32>
    %mul3A_294 = arith.constant 3.300000e+01 : f32
    %mul3A_295 = vector.broadcast %mul3A_294 : f32 to vector<16xf32>
    %mul3A_296 = arith.mulf %div3A_293, %mul3A_295 : vector<16xf32>
    %convert_element_type3A_297 = arith.fptosi %mul3A_296 : vector<16xf32> to vector<16xi32>
    %jit3A_298 = arith.constant 0 : i32
    %jit3A_299 = arith.constant 33 : i32
    %max3A_300 = vector.broadcast %jit3A_298 : i32 to vector<16xi32>
    %max3A_301 = arith.maxsi %max3A_300, %convert_element_type3A_297 : vector<16xi32>
    %min3A_302 = vector.broadcast %jit3A_299 : i32 to vector<16xi32>
    %min3A_303 = arith.minsi %min3A_302, %max3A_301 : vector<16xi32>
    %div3A_304 = arith.divf %gather3A_288, %max3A_163 : vector<16xf32>
    %mul3A_305 = arith.constant 3.300000e+01 : f32
    %mul3A_306 = vector.broadcast %mul3A_305 : f32 to vector<16xf32>
    %mul3A_307 = arith.mulf %div3A_304, %mul3A_306 : vector<16xf32>
    %convert_element_type3A_308 = arith.fptosi %mul3A_307 : vector<16xf32> to vector<16xi32>
    %jit3A_309 = arith.constant 0 : i32
    %jit3A_310 = arith.constant 33 : i32
    %max3A_311 = vector.broadcast %jit3A_309 : i32 to vector<16xi32>
    %max3A_312 = arith.maxsi %max3A_311, %convert_element_type3A_308 : vector<16xi32>
    %min3A_313 = vector.broadcast %jit3A_310 : i32 to vector<16xi32>
    %min3A_314 = arith.minsi %min3A_313, %max3A_312 : vector<16xi32>
    %mul3A_315 = arith.constant 40 : i32
    %mul3A_316 = vector.broadcast %mul3A_315 : i32 to vector<16xi32>
    %mul3A_317 = arith.muli %min3A_303, %mul3A_316 : vector<16xi32>
    %add3A_318 = arith.addi %mul3A_317, %min3A_314 : vector<16xi32>
    %swap3A_319 = arith.constant 48 : index
    %swap3A_320 = tpu.vector_load %arg10[%swap3A_319] {strides = array<i32>} : memref<2048xi32, #tpu.memory_space<vmem>>, vector<16xi32>,
    tpu.vector_store %arg10[%swap3A_319], %add3A_318 {strides = array<i32>} : memref<2048xi32, #tpu.memory_space<vmem>>, vector<16xi32>,
    %dma_start3A_321 = arith.constant 32 : i32
    %dma_start3A_322 = tpu.memref_slice %arg10[%dma_start3A_321] : memref<2048xi32, #tpu.memory_space<vmem>> -> memref<32xi32, #tpu.memory_space<vmem>>
    %dma_start3A_323 = arith.constant 0 : i32
    %dma_start3A_324 = arith.constant 0 : i32
    %dma_start3A_325 = tpu.memref_slice %arg6[%dma_start3A_323, %dma_start3A_324] : memref<1360x768xf32, #tpu.memory_space<hbm>> -> memref<1360x768xf32, #tpu.memory_space<hbm>>
    tpu.enqueue_indirect_dma source(%dma_start3A_325 : memref<1360x768xf32, #tpu.memory_space<hbm>>) target(%arg16 : memref<32x768xf32, #tpu.memory_space<vmem>>) offsets(%dma_start3A_322 : memref<32xi32, #tpu.memory_space<vmem>>) semaphore(%arg20 : memref<!tpu.dma_semaphore, #tpu.memory_space<semaphore_mem>>)
    %mul3A_326 = arith.constant 2 : i32
    %mul3A_327 = vector.broadcast %mul3A_326 : i32 to vector<16xi32>
    %mul3A_328 = arith.muli %mul3A_327, %iota3A_110 : vector<16xi32>
    %add3A_329 = arith.constant 128 : i32
    %add3A_330 = vector.broadcast %add3A_329 : i32 to vector<16xi32>
    %add3A_331 = arith.addi %add3A_330, %mul3A_328 : vector<16xi32>
    %gather3A_332 = tpu.vector_load_idx %arg9[%add3A_331] : memref<4096xf32, #tpu.memory_space<vmem>>[vector<16xi32>], vector<16xf32>,
    %add3A_333 = arith.constant 1 : i32
    %add3A_334 = vector.broadcast %add3A_333 : i32 to vector<16xi32>
    %add3A_335 = arith.addi %add3A_331, %add3A_334 : vector<16xi32>
    %gather3A_336 = tpu.vector_load_idx %arg9[%add3A_335] : memref<4096xf32, #tpu.memory_space<vmem>>[vector<16xi32>], vector<16xf32>,
    %div3A_337 = arith.divf %gather3A_336, %max3A_163 : vector<16xf32>
    %mul3A_338 = arith.constant 3.300000e+01 : f32
    %mul3A_339 = vector.broadcast %mul3A_338 : f32 to vector<16xf32>
    %mul3A_340 = arith.mulf %div3A_337, %mul3A_339 : vector<16xf32>
    %convert_element_type3A_341 = arith.fptosi %mul3A_340 : vector<16xf32> to vector<16xi32>
    %jit3A_342 = arith.constant 0 : i32
    %jit3A_343 = arith.constant 33 : i32
    %max3A_344 = vector.broadcast %jit3A_342 : i32 to vector<16xi32>
    %max3A_345 = arith.maxsi %max3A_344, %convert_element_type3A_341 : vector<16xi32>
    %min3A_346 = vector.broadcast %jit3A_343 : i32 to vector<16xi32>
    %min3A_347 = arith.minsi %min3A_346, %max3A_345 : vector<16xi32>
    %div3A_348 = arith.divf %gather3A_332, %max3A_163 : vector<16xf32>
    %mul3A_349 = arith.constant 3.300000e+01 : f32
    %mul3A_350 = vector.broadcast %mul3A_349 : f32 to vector<16xf32>
    %mul3A_351 = arith.mulf %div3A_348, %mul3A_350 : vector<16xf32>
    %convert_element_type3A_352 = arith.fptosi %mul3A_351 : vector<16xf32> to vector<16xi32>
    %jit3A_353 = arith.constant 0 : i32
    %jit3A_354 = arith.constant 33 : i32
    %max3A_355 = vector.broadcast %jit3A_353 : i32 to vector<16xi32>
    %max3A_356 = arith.maxsi %max3A_355, %convert_element_type3A_352 : vector<16xi32>
    %min3A_357 = vector.broadcast %jit3A_354 : i32 to vector<16xi32>
    %min3A_358 = arith.minsi %min3A_357, %max3A_356 : vector<16xi32>
    %mul3A_359 = arith.constant 40 : i32
    %mul3A_360 = vector.broadcast %mul3A_359 : i32 to vector<16xi32>
    %mul3A_361 = arith.muli %min3A_347, %mul3A_360 : vector<16xi32>
    %add3A_362 = arith.addi %mul3A_361, %min3A_358 : vector<16xi32>
    %swap3A_363 = arith.constant 64 : index
    %swap3A_364 = tpu.vector_load %arg10[%swap3A_363] {strides = array<i32>} : memref<2048xi32, #tpu.memory_space<vmem>>, vector<16xi32>,
    tpu.vector_store %arg10[%swap3A_363], %add3A_362 {strides = array<i32>} : memref<2048xi32, #tpu.memory_space<vmem>>, vector<16xi32>,
    %mul3A_365 = arith.constant 2 : i32
    %mul3A_366 = vector.broadcast %mul3A_365 : i32 to vector<16xi32>
    %mul3A_367 = arith.muli %mul3A_366, %iota3A_110 : vector<16xi32>
    %add3A_368 = arith.constant 160 : i32
    %add3A_369 = vector.broadcast %add3A_368 : i32 to vector<16xi32>
    %add3A_370 = arith.addi %add3A_369, %mul3A_367 : vector<16xi32>
    %gather3A_371 = tpu.vector_load_idx %arg9[%add3A_370] : memref<4096xf32, #tpu.memory_space<vmem>>[vector<16xi32>], vector<16xf32>,
    %add3A_372 = arith.constant 1 : i32
    %add3A_373 = vector.broadcast %add3A_372 : i32 to vector<16xi32>
    %add3A_374 = arith.addi %add3A_370, %add3A_373 : vector<16xi32>
    %gather3A_375 = tpu.vector_load_idx %arg9[%add3A_374] : memref<4096xf32, #tpu.memory_space<vmem>>[vector<16xi32>], vector<16xf32>,
    %div3A_376 = arith.divf %gather3A_375, %max3A_163 : vector<16xf32>
    %mul3A_377 = arith.constant 3.300000e+01 : f32
    %mul3A_378 = vector.broadcast %mul3A_377 : f32 to vector<16xf32>
    %mul3A_379 = arith.mulf %div3A_376, %mul3A_378 : vector<16xf32>
    %convert_element_type3A_380 = arith.fptosi %mul3A_379 : vector<16xf32> to vector<16xi32>
    %jit3A_381 = arith.constant 0 : i32
    %jit3A_382 = arith.constant 33 : i32
    %max3A_383 = vector.broadcast %jit3A_381 : i32 to vector<16xi32>
    %max3A_384 = arith.maxsi %max3A_383, %convert_element_type3A_380 : vector<16xi32>
    %min3A_385 = vector.broadcast %jit3A_382 : i32 to vector<16xi32>
    %min3A_386 = arith.minsi %min3A_385, %max3A_384 : vector<16xi32>
    %div3A_387 = arith.divf %gather3A_371, %max3A_163 : vector<16xf32>
    %mul3A_388 = arith.constant 3.300000e+01 : f32
    %mul3A_389 = vector.broadcast %mul3A_388 : f32 to vector<16xf32>
    %mul3A_390 = arith.mulf %div3A_387, %mul3A_389 : vector<16xf32>
    %convert_element_type3A_391 = arith.fptosi %mul3A_390 : vector<16xf32> to vector<16xi32>
    %jit3A_392 = arith.constant 0 : i32
    %jit3A_393 = arith.constant 33 : i32
    %max3A_394 = vector.broadcast %jit3A_392 : i32 to vector<16xi32>
    %max3A_395 = arith.maxsi %max3A_394, %convert_element_type3A_391 : vector<16xi32>
    %min3A_396 = vector.broadcast %jit3A_393 : i32 to vector<16xi32>
    %min3A_397 = arith.minsi %min3A_396, %max3A_395 : vector<16xi32>
    %mul3A_398 = arith.constant 40 : i32
    %mul3A_399 = vector.broadcast %mul3A_398 : i32 to vector<16xi32>
    %mul3A_400 = arith.muli %min3A_386, %mul3A_399 : vector<16xi32>
    %add3A_401 = arith.addi %mul3A_400, %min3A_397 : vector<16xi32>
    %swap3A_402 = arith.constant 80 : index
    %swap3A_403 = tpu.vector_load %arg10[%swap3A_402] {strides = array<i32>} : memref<2048xi32, #tpu.memory_space<vmem>>, vector<16xi32>,
    tpu.vector_store %arg10[%swap3A_402], %add3A_401 {strides = array<i32>} : memref<2048xi32, #tpu.memory_space<vmem>>, vector<16xi32>,
    %dma_start3A_404 = arith.constant 64 : i32
    %dma_start3A_405 = tpu.memref_slice %arg10[%dma_start3A_404] : memref<2048xi32, #tpu.memory_space<vmem>> -> memref<32xi32, #tpu.memory_space<vmem>>
    %dma_start3A_406 = arith.constant 0 : i32
    %dma_start3A_407 = arith.constant 0 : i32
    %dma_start3A_408 = tpu.memref_slice %arg6[%dma_start3A_406, %dma_start3A_407] : memref<1360x768xf32, #tpu.memory_space<hbm>> -> memref<1360x768xf32, #tpu.memory_space<hbm>>
    tpu.enqueue_indirect_dma source(%dma_start3A_408 : memref<1360x768xf32, #tpu.memory_space<hbm>>) target(%arg17 : memref<32x768xf32, #tpu.memory_space<vmem>>) offsets(%dma_start3A_405 : memref<32xi32, #tpu.memory_space<vmem>>) semaphore(%arg21 : memref<!tpu.dma_semaphore, #tpu.memory_space<semaphore_mem>>)
    %mul3A_409 = arith.constant 2 : i32
    %mul3A_410 = vector.broadcast %mul3A_409 : i32 to vector<16xi32>
    %mul3A_411 = arith.muli %mul3A_410, %iota3A_110 : vector<16xi32>
    %add3A_412 = arith.constant 192 : i32
    %add3A_413 = vector.broadcast %add3A_412 : i32 to vector<16xi32>
    %add3A_414 = arith.addi %add3A_413, %mul3A_411 : vector<16xi32>
    %gather3A_415 = tpu.vector_load_idx %arg9[%add3A_414] : memref<4096xf32, #tpu.memory_space<vmem>>[vector<16xi32>], vector<16xf32>,
    %add3A_416 = arith.constant 1 : i32
    %add3A_417 = vector.broadcast %add3A_416 : i32 to vector<16xi32>
    %add3A_418 = arith.addi %add3A_414, %add3A_417 : vector<16xi32>
    %gather3A_419 = tpu.vector_load_idx %arg9[%add3A_418] : memref<4096xf32, #tpu.memory_space<vmem>>[vector<16xi32>], vector<16xf32>,
    %div3A_420 = arith.divf %gather3A_419, %max3A_163 : vector<16xf32>
    %mul3A_421 = arith.constant 3.300000e+01 : f32
    %mul3A_422 = vector.broadcast %mul3A_421 : f32 to vector<16xf32>
    %mul3A_423 = arith.mulf %div3A_420, %mul3A_422 : vector<16xf32>
    %convert_element_type3A_424 = arith.fptosi %mul3A_423 : vector<16xf32> to vector<16xi32>
    %jit3A_425 = arith.constant 0 : i32
    %jit3A_426 = arith.constant 33 : i32
    %max3A_427 = vector.broadcast %jit3A_425 : i32 to vector<16xi32>
    %max3A_428 = arith.maxsi %max3A_427, %convert_element_type3A_424 : vector<16xi32>
    %min3A_429 = vector.broadcast %jit3A_426 : i32 to vector<16xi32>
    %min3A_430 = arith.minsi %min3A_429, %max3A_428 : vector<16xi32>
    %div3A_431 = arith.divf %gather3A_415, %max3A_163 : vector<16xf32>
    %mul3A_432 = arith.constant 3.300000e+01 : f32
    %mul3A_433 = vector.broadcast %mul3A_432 : f32 to vector<16xf32>
    %mul3A_434 = arith.mulf %div3A_431, %mul3A_433 : vector<16xf32>
    %convert_element_type3A_435 = arith.fptosi %mul3A_434 : vector<16xf32> to vector<16xi32>
    %jit3A_436 = arith.constant 0 : i32
    %jit3A_437 = arith.constant 33 : i32
    %max3A_438 = vector.broadcast %jit3A_436 : i32 to vector<16xi32>
    %max3A_439 = arith.maxsi %max3A_438, %convert_element_type3A_435 : vector<16xi32>
    %min3A_440 = vector.broadcast %jit3A_437 : i32 to vector<16xi32>
    %min3A_441 = arith.minsi %min3A_440, %max3A_439 : vector<16xi32>
    %mul3A_442 = arith.constant 40 : i32
    %mul3A_443 = vector.broadcast %mul3A_442 : i32 to vector<16xi32>
    %mul3A_444 = arith.muli %min3A_430, %mul3A_443 : vector<16xi32>
    %add3A_445 = arith.addi %mul3A_444, %min3A_441 : vector<16xi32>
    %swap3A_446 = arith.constant 96 : index
    %swap3A_447 = tpu.vector_load %arg10[%swap3A_446] {strides = array<i32>} : memref<2048xi32, #tpu.memory_space<vmem>>, vector<16xi32>,
    tpu.vector_store %arg10[%swap3A_446], %add3A_445 {strides = array<i32>} : memref<2048xi32, #tpu.memory_space<vmem>>, vector<16xi32>,
    %mul3A_448 = arith.constant 2 : i32
    %mul3A_449 = vector.broadcast %mul3A_448 : i32 to vector<16xi32>
    %mul3A_450 = arith.muli %mul3A_449, %iota3A_110 : vector<16xi32>
    %add3A_451 = arith.constant 224 : i32
    %add3A_452 = vector.broadcast %add3A_451 : i32 to vector<16xi32>
    %add3A_453 = arith.addi %add3A_452, %mul3A_450 : vector<16xi32>
    %gather3A_454 = tpu.vector_load_idx %arg9[%add3A_453] : memref<4096xf32, #tpu.memory_space<vmem>>[vector<16xi32>], vector<16xf32>,
    %add3A_455 = arith.constant 1 : i32
    %add3A_456 = vector.broadcast %add3A_455 : i32 to vector<16xi32>
    %add3A_457 = arith.addi %add3A_453, %add3A_456 : vector<16xi32>
    %gather3A_458 = tpu.vector_load_idx %arg9[%add3A_457] : memref<4096xf32, #tpu.memory_space<vmem>>[vector<16xi32>], vector<16xf32>,
    %div3A_459 = arith.divf %gather3A_458, %max3A_163 : vector<16xf32>
    %mul3A_460 = arith.constant 3.300000e+01 : f32
    %mul3A_461 = vector.broadcast %mul3A_460 : f32 to vector<16xf32>
    %mul3A_462 = arith.mulf %div3A_459, %mul3A_461 : vector<16xf32>
    %convert_element_type3A_463 = arith.fptosi %mul3A_462 : vector<16xf32> to vector<16xi32>
    %jit3A_464 = arith.constant 0 : i32
    %jit3A_465 = arith.constant 33 : i32
    %max3A_466 = vector.broadcast %jit3A_464 : i32 to vector<16xi32>
    %max3A_467 = arith.maxsi %max3A_466, %convert_element_type3A_463 : vector<16xi32>
    %min3A_468 = vector.broadcast %jit3A_465 : i32 to vector<16xi32>
    %min3A_469 = arith.minsi %min3A_468, %max3A_467 : vector<16xi32>
    %div3A_470 = arith.divf %gather3A_454, %max3A_163 : vector<16xf32>
    %mul3A_471 = arith.constant 3.300000e+01 : f32
    %mul3A_472 = vector.broadcast %mul3A_471 : f32 to vector<16xf32>
    %mul3A_473 = arith.mulf %div3A_470, %mul3A_472 : vector<16xf32>
    %convert_element_type3A_474 = arith.fptosi %mul3A_473 : vector<16xf32> to vector<16xi32>
    %jit3A_475 = arith.constant 0 : i32
    %jit3A_476 = arith.constant 33 : i32
    %max3A_477 = vector.broadcast %jit3A_475 : i32 to vector<16xi32>
    %max3A_478 = arith.maxsi %max3A_477, %convert_element_type3A_474 : vector<16xi32>
    %min3A_479 = vector.broadcast %jit3A_476 : i32 to vector<16xi32>
    %min3A_480 = arith.minsi %min3A_479, %max3A_478 : vector<16xi32>
    %mul3A_481 = arith.constant 40 : i32
    %mul3A_482 = vector.broadcast %mul3A_481 : i32 to vector<16xi32>
    %mul3A_483 = arith.muli %min3A_469, %mul3A_482 : vector<16xi32>
    %add3A_484 = arith.addi %mul3A_483, %min3A_480 : vector<16xi32>
    %swap3A_485 = arith.constant 112 : index
    %swap3A_486 = tpu.vector_load %arg10[%swap3A_485] {strides = array<i32>} : memref<2048xi32, #tpu.memory_space<vmem>>, vector<16xi32>,
    tpu.vector_store %arg10[%swap3A_485], %add3A_484 {strides = array<i32>} : memref<2048xi32, #tpu.memory_space<vmem>>, vector<16xi32>,
    %dma_start3A_487 = arith.constant 96 : i32
    %dma_start3A_488 = tpu.memref_slice %arg10[%dma_start3A_487] : memref<2048xi32, #tpu.memory_space<vmem>> -> memref<32xi32, #tpu.memory_space<vmem>>
    %dma_start3A_489 = arith.constant 0 : i32
    %dma_start3A_490 = arith.constant 0 : i32
    %dma_start3A_491 = tpu.memref_slice %arg6[%dma_start3A_489, %dma_start3A_490] : memref<1360x768xf32, #tpu.memory_space<hbm>> -> memref<1360x768xf32, #tpu.memory_space<hbm>>
    tpu.enqueue_indirect_dma source(%dma_start3A_491 : memref<1360x768xf32, #tpu.memory_space<hbm>>) target(%arg18 : memref<32x768xf32, #tpu.memory_space<vmem>>) offsets(%dma_start3A_488 : memref<32xi32, #tpu.memory_space<vmem>>) semaphore(%arg22 : memref<!tpu.dma_semaphore, #tpu.memory_space<semaphore_mem>>)
    %scan3A_492 = arith.constant 3.300000e+01 : f32
    %scan3A_493 = arith.constant 0 : i32
    %scan3A_494 = arith.constant 0 : i32
    %scan3A_495 = arith.constant 16 : i32
    %scan3A_496 = arith.addi %scan3A_494, %scan3A_495 : i32
    %scan3A_497 = arith.constant 1 : i32
    %scan3A_498 = scf.for %scan3A_531 = %scan3A_494 to %scan3A_496 step %scan3A_497 iter_args(%scan3A_532 = %scan3A_493) -> (i32)  : i32 {
      %mul3A_533 = arith.constant 4 : i32
      %mul3A_534 = arith.muli %scan3A_531, %mul3A_533 : i32
      %add3A_535 = arith.constant 0 : i32
      %add3A_536 = arith.addi %mul3A_534, %add3A_535 : i32
      %lt3A_537 = arith.constant 15 : i32
      %lt3A_538 = arith.cmpi slt, %scan3A_531, %lt3A_537 : i32
      %convert_element_type3A_539 = arith.extui %lt3A_538 : i1 to i32
      %cond3A_540 = arith.constant 0 : i32
      %cond3A_541 = arith.cmpi ne, %convert_element_type3A_539, %cond3A_540 : i32
      scf.if %cond3A_541 {
        %add3A_650 = arith.constant 4 : i32
        %add3A_651 = arith.addi %add3A_536, %add3A_650 : i32
        %mul3A_652 = arith.constant 2 : i32
        %mul3A_653 = arith.muli %add3A_651, %mul3A_652 : i32
        %add3A_654 = arith.constant 0 : i32
        %add3A_655 = arith.addi %mul3A_653, %add3A_654 : i32
        %mul3A_656 = arith.constant 32 : i32
        %mul3A_657 = arith.muli %add3A_655, %mul3A_656 : i32
        %mul3A_658 = arith.constant 2 : i32
        %mul3A_659 = vector.broadcast %mul3A_658 : i32 to vector<16xi32>
        %mul3A_660 = arith.muli %mul3A_659, %iota3A_110 : vector<16xi32>
        %add3A_661 = vector.broadcast %mul3A_657 : i32 to vector<16xi32>
        %add3A_662 = arith.addi %add3A_661, %mul3A_660 : vector<16xi32>
        %gather3A_663 = tpu.vector_load_idx %arg9[%add3A_662] : memref<4096xf32, #tpu.memory_space<vmem>>[vector<16xi32>], vector<16xf32>,
        %add3A_664 = arith.constant 1 : i32
        %add3A_665 = vector.broadcast %add3A_664 : i32 to vector<16xi32>
        %add3A_666 = arith.addi %add3A_662, %add3A_665 : vector<16xi32>
        %gather3A_667 = tpu.vector_load_idx %arg9[%add3A_666] : memref<4096xf32, #tpu.memory_space<vmem>>[vector<16xi32>], vector<16xf32>,
        %div3A_668 = arith.divf %gather3A_667, %max3A_163 : vector<16xf32>
        %mul3A_669 = vector.broadcast %scan3A_492 : f32 to vector<16xf32>
        %mul3A_670 = arith.mulf %div3A_668, %mul3A_669 : vector<16xf32>
        %convert_element_type3A_671 = arith.fptosi %mul3A_670 : vector<16xf32> to vector<16xi32>
        %jit3A_672 = arith.constant 0 : i32
        %jit3A_673 = arith.constant 33 : i32
        %max3A_674 = vector.broadcast %jit3A_672 : i32 to vector<16xi32>
        %max3A_675 = arith.maxsi %max3A_674, %convert_element_type3A_671 : vector<16xi32>
        %min3A_676 = vector.broadcast %jit3A_673 : i32 to vector<16xi32>
        %min3A_677 = arith.minsi %min3A_676, %max3A_675 : vector<16xi32>
        %div3A_678 = arith.divf %gather3A_663, %max3A_163 : vector<16xf32>
        %mul3A_679 = vector.broadcast %scan3A_492 : f32 to vector<16xf32>
        %mul3A_680 = arith.mulf %div3A_678, %mul3A_679 : vector<16xf32>
        %convert_element_type3A_681 = arith.fptosi %mul3A_680 : vector<16xf32> to vector<16xi32>
        %jit3A_682 = arith.constant 0 : i32
        %jit3A_683 = arith.constant 33 : i32
        %max3A_684 = vector.broadcast %jit3A_682 : i32 to vector<16xi32>
        %max3A_685 = arith.maxsi %max3A_684, %convert_element_type3A_681 : vector<16xi32>
        %min3A_686 = vector.broadcast %jit3A_683 : i32 to vector<16xi32>
        %min3A_687 = arith.minsi %min3A_686, %max3A_685 : vector<16xi32>
        %mul3A_688 = arith.constant 40 : i32
        %mul3A_689 = vector.broadcast %mul3A_688 : i32 to vector<16xi32>
        %mul3A_690 = arith.muli %min3A_677, %mul3A_689 : vector<16xi32>
        %add3A_691 = arith.addi %mul3A_690, %min3A_687 : vector<16xi32>
        %mul3A_692 = arith.constant 16 : i32
        %mul3A_693 = arith.muli %add3A_655, %mul3A_692 : i32
        %swap3A_694 = arith.index_cast %mul3A_693 : i32 to index
        %swap3A_695 = tpu.vector_load %arg10[%swap3A_694] {strides = array<i32>} : memref<2048xi32, #tpu.memory_space<vmem>>, vector<16xi32>,
        tpu.vector_store %arg10[%swap3A_694], %add3A_691 {strides = array<i32>} : memref<2048xi32, #tpu.memory_space<vmem>>, vector<16xi32>,
        %mul3A_696 = arith.constant 2 : i32
        %mul3A_697 = arith.muli %add3A_651, %mul3A_696 : i32
        %add3A_698 = arith.constant 1 : i32
        %add3A_699 = arith.addi %mul3A_697, %add3A_698 : i32
        %mul3A_700 = arith.constant 32 : i32
        %mul3A_701 = arith.muli %add3A_699, %mul3A_700 : i32
        %mul3A_702 = arith.constant 2 : i32
        %mul3A_703 = vector.broadcast %mul3A_702 : i32 to vector<16xi32>
        %mul3A_704 = arith.muli %mul3A_703, %iota3A_110 : vector<16xi32>
        %add3A_705 = vector.broadcast %mul3A_701 : i32 to vector<16xi32>
        %add3A_706 = arith.addi %add3A_705, %mul3A_704 : vector<16xi32>
        %gather3A_707 = tpu.vector_load_idx %arg9[%add3A_706] : memref<4096xf32, #tpu.memory_space<vmem>>[vector<16xi32>], vector<16xf32>,
        %add3A_708 = arith.constant 1 : i32
        %add3A_709 = vector.broadcast %add3A_708 : i32 to vector<16xi32>
        %add3A_710 = arith.addi %add3A_706, %add3A_709 : vector<16xi32>
        %gather3A_711 = tpu.vector_load_idx %arg9[%add3A_710] : memref<4096xf32, #tpu.memory_space<vmem>>[vector<16xi32>], vector<16xf32>,
        %div3A_712 = arith.divf %gather3A_711, %max3A_163 : vector<16xf32>
        %mul3A_713 = vector.broadcast %scan3A_492 : f32 to vector<16xf32>
        %mul3A_714 = arith.mulf %div3A_712, %mul3A_713 : vector<16xf32>
        %convert_element_type3A_715 = arith.fptosi %mul3A_714 : vector<16xf32> to vector<16xi32>
        %jit3A_716 = arith.constant 0 : i32
        %jit3A_717 = arith.constant 33 : i32
        %max3A_718 = vector.broadcast %jit3A_716 : i32 to vector<16xi32>
        %max3A_719 = arith.maxsi %max3A_718, %convert_element_type3A_715 : vector<16xi32>
        %min3A_720 = vector.broadcast %jit3A_717 : i32 to vector<16xi32>
        %min3A_721 = arith.minsi %min3A_720, %max3A_719 : vector<16xi32>
        %div3A_722 = arith.divf %gather3A_707, %max3A_163 : vector<16xf32>
        %mul3A_723 = vector.broadcast %scan3A_492 : f32 to vector<16xf32>
        %mul3A_724 = arith.mulf %div3A_722, %mul3A_723 : vector<16xf32>
        %convert_element_type3A_725 = arith.fptosi %mul3A_724 : vector<16xf32> to vector<16xi32>
        %jit3A_726 = arith.constant 0 : i32
        %jit3A_727 = arith.constant 33 : i32
        %max3A_728 = vector.broadcast %jit3A_726 : i32 to vector<16xi32>
        %max3A_729 = arith.maxsi %max3A_728, %convert_element_type3A_725 : vector<16xi32>
        %min3A_730 = vector.broadcast %jit3A_727 : i32 to vector<16xi32>
        %min3A_731 = arith.minsi %min3A_730, %max3A_729 : vector<16xi32>
        %mul3A_732 = arith.constant 40 : i32
        %mul3A_733 = vector.broadcast %mul3A_732 : i32 to vector<16xi32>
        %mul3A_734 = arith.muli %min3A_721, %mul3A_733 : vector<16xi32>
        %add3A_735 = arith.addi %mul3A_734, %min3A_731 : vector<16xi32>
        %mul3A_736 = arith.constant 16 : i32
        %mul3A_737 = arith.muli %add3A_699, %mul3A_736 : i32
        %swap3A_738 = arith.index_cast %mul3A_737 : i32 to index
        %swap3A_739 = tpu.vector_load %arg10[%swap3A_738] {strides = array<i32>} : memref<2048xi32, #tpu.memory_space<vmem>>, vector<16xi32>,
        tpu.vector_store %arg10[%swap3A_738], %add3A_735 {strides = array<i32>} : memref<2048xi32, #tpu.memory_space<vmem>>, vector<16xi32>,
      } else {
      }
      %mul3A_542 = arith.constant 32 : i32
      %mul3A_543 = arith.muli %add3A_536, %mul3A_542 : i32
      %dma_wait3A_544 = tpu.memref_slice %arg10[%mul3A_543] : memref<2048xi32, #tpu.memory_space<vmem>> -> memref<32xi32, #tpu.memory_space<vmem>>
      %dma_wait3A_545 = arith.constant 0 : i32
      %dma_wait3A_546 = arith.constant 0 : i32
      %dma_wait3A_547 = tpu.memref_slice %arg6[%dma_wait3A_545, %dma_wait3A_546] : memref<1360x768xf32, #tpu.memory_space<hbm>> -> memref<1360x768xf32, #tpu.memory_space<hbm>>
      tpu.wait_indirect_dma semaphore(%arg19 : memref<!tpu.dma_semaphore, #tpu.memory_space<semaphore_mem>>) src(%dma_wait3A_547 : memref<1360x768xf32, #tpu.memory_space<hbm>>) dst(%arg15 : memref<32x768xf32, #tpu.memory_space<vmem>>)
      %mul3A_548 = arith.constant 2048 : i32
      %mul3A_549 = arith.muli %add3A, %mul3A_548 : i32
      %mul3A_550 = arith.constant 32 : i32
      %mul3A_551 = arith.muli %add3A_536, %mul3A_550 : i32
      %add3A_552 = arith.addi %mul3A_549, %mul3A_551 : i32
      %dma_start3A_553 = arith.constant 0 : i32
      %dma_start3A_554 = tpu.memref_slice %arg5[%add3A_552, %dma_start3A_553] : memref<65536x768xf32, #tpu.memory_space<hbm>> -> memref<32x768xf32, #tpu.memory_space<hbm>>
      %dma_start3A_555 = arith.constant 0 : i32
      %dma_start3A_556 = tpu.memref_slice %arg5[%add3A_552, %dma_start3A_555] : memref<65536x768xf32, #tpu.memory_space<hbm>> -> memref<32x768xf32, #tpu.memory_space<hbm>>
      tpu.enqueue_dma source(%arg15 : memref<32x768xf32, #tpu.memory_space<vmem>>) target(%dma_start3A_556 : memref<32x768xf32, #tpu.memory_space<hbm>>) target_semaphore(%arg23 : memref<!tpu.dma_semaphore, #tpu.memory_space<semaphore_mem>>)
      %lt3A_557 = arith.constant 15 : i32
      %lt3A_558 = arith.cmpi slt, %scan3A_531, %lt3A_557 : i32
      %convert_element_type3A_559 = arith.extui %lt3A_558 : i1 to i32
      %cond3A_560 = arith.constant 0 : i32
      %cond3A_561 = arith.cmpi ne, %convert_element_type3A_559, %cond3A_560 : i32
      scf.if %cond3A_561 {
        %mul3A_650 = arith.constant 2048 : i32
        %mul3A_651 = arith.muli %add3A, %mul3A_650 : i32
        %mul3A_652 = arith.constant 32 : i32
        %mul3A_653 = arith.muli %add3A_536, %mul3A_652 : i32
        %add3A_654 = arith.addi %mul3A_651, %mul3A_653 : i32
        %dma_wait3A_655 = arith.constant 0 : i32
        %dma_wait3A_656 = tpu.memref_slice %arg5[%add3A_654, %dma_wait3A_655] : memref<65536x768xf32, #tpu.memory_space<hbm>> -> memref<32x768xf32, #tpu.memory_space<hbm>>
        %dma_wait3A_657 = arith.constant 0 : i32
        %dma_wait3A_658 = tpu.memref_slice %arg5[%add3A_654, %dma_wait3A_657] : memref<65536x768xf32, #tpu.memory_space<hbm>> -> memref<32x768xf32, #tpu.memory_space<hbm>>
        tpu.wait_dma2 semaphore(%arg23 : memref<!tpu.dma_semaphore, #tpu.memory_space<semaphore_mem>>) src(%arg15 : memref<32x768xf32, #tpu.memory_space<vmem>>) dst(%dma_wait3A_658 : memref<32x768xf32, #tpu.memory_space<hbm>>)
        %add3A_659 = arith.constant 4 : i32
        %add3A_660 = arith.addi %add3A_536, %add3A_659 : i32
        %mul3A_661 = arith.constant 32 : i32
        %mul3A_662 = arith.muli %add3A_660, %mul3A_661 : i32
        %dma_start3A_663 = tpu.memref_slice %arg10[%mul3A_662] : memref<2048xi32, #tpu.memory_space<vmem>> -> memref<32xi32, #tpu.memory_space<vmem>>
        %dma_start3A_664 = arith.constant 0 : i32
        %dma_start3A_665 = arith.constant 0 : i32
        %dma_start3A_666 = tpu.memref_slice %arg6[%dma_start3A_664, %dma_start3A_665] : memref<1360x768xf32, #tpu.memory_space<hbm>> -> memref<1360x768xf32, #tpu.memory_space<hbm>>
        tpu.enqueue_indirect_dma source(%dma_start3A_666 : memref<1360x768xf32, #tpu.memory_space<hbm>>) target(%arg15 : memref<32x768xf32, #tpu.memory_space<vmem>>) offsets(%dma_start3A_663 : memref<32xi32, #tpu.memory_space<vmem>>) semaphore(%arg19 : memref<!tpu.dma_semaphore, #tpu.memory_space<semaphore_mem>>)
      } else {
      }
      %mul3A_562 = arith.constant 4 : i32
      %mul3A_563 = arith.muli %scan3A_531, %mul3A_562 : i32
      %add3A_564 = arith.constant 1 : i32
      %add3A_565 = arith.addi %mul3A_563, %add3A_564 : i32
      %lt3A_566 = arith.constant 15 : i32
      %lt3A_567 = arith.cmpi slt, %scan3A_531, %lt3A_566 : i32
      %convert_element_type3A_568 = arith.extui %lt3A_567 : i1 to i32
      %cond3A_569 = arith.constant 0 : i32
      %cond3A_570 = arith.cmpi ne, %convert_element_type3A_568, %cond3A_569 : i32
      scf.if %cond3A_570 {
        %add3A_650 = arith.constant 4 : i32
        %add3A_651 = arith.addi %add3A_565, %add3A_650 : i32
        %mul3A_652 = arith.constant 2 : i32
        %mul3A_653 = arith.muli %add3A_651, %mul3A_652 : i32
        %add3A_654 = arith.constant 0 : i32
        %add3A_655 = arith.addi %mul3A_653, %add3A_654 : i32
        %mul3A_656 = arith.constant 32 : i32
        %mul3A_657 = arith.muli %add3A_655, %mul3A_656 : i32
        %mul3A_658 = arith.constant 2 : i32
        %mul3A_659 = vector.broadcast %mul3A_658 : i32 to vector<16xi32>
        %mul3A_660 = arith.muli %mul3A_659, %iota3A_110 : vector<16xi32>
        %add3A_661 = vector.broadcast %mul3A_657 : i32 to vector<16xi32>
        %add3A_662 = arith.addi %add3A_661, %mul3A_660 : vector<16xi32>
        %gather3A_663 = tpu.vector_load_idx %arg9[%add3A_662] : memref<4096xf32, #tpu.memory_space<vmem>>[vector<16xi32>], vector<16xf32>,
        %add3A_664 = arith.constant 1 : i32
        %add3A_665 = vector.broadcast %add3A_664 : i32 to vector<16xi32>
        %add3A_666 = arith.addi %add3A_662, %add3A_665 : vector<16xi32>
        %gather3A_667 = tpu.vector_load_idx %arg9[%add3A_666] : memref<4096xf32, #tpu.memory_space<vmem>>[vector<16xi32>], vector<16xf32>,
        %div3A_668 = arith.divf %gather3A_667, %max3A_163 : vector<16xf32>
        %mul3A_669 = vector.broadcast %scan3A_492 : f32 to vector<16xf32>
        %mul3A_670 = arith.mulf %div3A_668, %mul3A_669 : vector<16xf32>
        %convert_element_type3A_671 = arith.fptosi %mul3A_670 : vector<16xf32> to vector<16xi32>
        %jit3A_672 = arith.constant 0 : i32
        %jit3A_673 = arith.constant 33 : i32
        %max3A_674 = vector.broadcast %jit3A_672 : i32 to vector<16xi32>
        %max3A_675 = arith.maxsi %max3A_674, %convert_element_type3A_671 : vector<16xi32>
        %min3A_676 = vector.broadcast %jit3A_673 : i32 to vector<16xi32>
        %min3A_677 = arith.minsi %min3A_676, %max3A_675 : vector<16xi32>
        %div3A_678 = arith.divf %gather3A_663, %max3A_163 : vector<16xf32>
        %mul3A_679 = vector.broadcast %scan3A_492 : f32 to vector<16xf32>
        %mul3A_680 = arith.mulf %div3A_678, %mul3A_679 : vector<16xf32>
        %convert_element_type3A_681 = arith.fptosi %mul3A_680 : vector<16xf32> to vector<16xi32>
        %jit3A_682 = arith.constant 0 : i32
        %jit3A_683 = arith.constant 33 : i32
        %max3A_684 = vector.broadcast %jit3A_682 : i32 to vector<16xi32>
        %max3A_685 = arith.maxsi %max3A_684, %convert_element_type3A_681 : vector<16xi32>
        %min3A_686 = vector.broadcast %jit3A_683 : i32 to vector<16xi32>
        %min3A_687 = arith.minsi %min3A_686, %max3A_685 : vector<16xi32>
        %mul3A_688 = arith.constant 40 : i32
        %mul3A_689 = vector.broadcast %mul3A_688 : i32 to vector<16xi32>
        %mul3A_690 = arith.muli %min3A_677, %mul3A_689 : vector<16xi32>
        %add3A_691 = arith.addi %mul3A_690, %min3A_687 : vector<16xi32>
        %mul3A_692 = arith.constant 16 : i32
        %mul3A_693 = arith.muli %add3A_655, %mul3A_692 : i32
        %swap3A_694 = arith.index_cast %mul3A_693 : i32 to index
        %swap3A_695 = tpu.vector_load %arg10[%swap3A_694] {strides = array<i32>} : memref<2048xi32, #tpu.memory_space<vmem>>, vector<16xi32>,
        tpu.vector_store %arg10[%swap3A_694], %add3A_691 {strides = array<i32>} : memref<2048xi32, #tpu.memory_space<vmem>>, vector<16xi32>,
        %mul3A_696 = arith.constant 2 : i32
        %mul3A_697 = arith.muli %add3A_651, %mul3A_696 : i32
        %add3A_698 = arith.constant 1 : i32
        %add3A_699 = arith.addi %mul3A_697, %add3A_698 : i32
        %mul3A_700 = arith.constant 32 : i32
        %mul3A_701 = arith.muli %add3A_699, %mul3A_700 : i32
        %mul3A_702 = arith.constant 2 : i32
        %mul3A_703 = vector.broadcast %mul3A_702 : i32 to vector<16xi32>
        %mul3A_704 = arith.muli %mul3A_703, %iota3A_110 : vector<16xi32>
        %add3A_705 = vector.broadcast %mul3A_701 : i32 to vector<16xi32>
        %add3A_706 = arith.addi %add3A_705, %mul3A_704 : vector<16xi32>
        %gather3A_707 = tpu.vector_load_idx %arg9[%add3A_706] : memref<4096xf32, #tpu.memory_space<vmem>>[vector<16xi32>], vector<16xf32>,
        %add3A_708 = arith.constant 1 : i32
        %add3A_709 = vector.broadcast %add3A_708 : i32 to vector<16xi32>
        %add3A_710 = arith.addi %add3A_706, %add3A_709 : vector<16xi32>
        %gather3A_711 = tpu.vector_load_idx %arg9[%add3A_710] : memref<4096xf32, #tpu.memory_space<vmem>>[vector<16xi32>], vector<16xf32>,
        %div3A_712 = arith.divf %gather3A_711, %max3A_163 : vector<16xf32>
        %mul3A_713 = vector.broadcast %scan3A_492 : f32 to vector<16xf32>
        %mul3A_714 = arith.mulf %div3A_712, %mul3A_713 : vector<16xf32>
        %convert_element_type3A_715 = arith.fptosi %mul3A_714 : vector<16xf32> to vector<16xi32>
        %jit3A_716 = arith.constant 0 : i32
        %jit3A_717 = arith.constant 33 : i32
        %max3A_718 = vector.broadcast %jit3A_716 : i32 to vector<16xi32>
        %max3A_719 = arith.maxsi %max3A_718, %convert_element_type3A_715 : vector<16xi32>
        %min3A_720 = vector.broadcast %jit3A_717 : i32 to vector<16xi32>
        %min3A_721 = arith.minsi %min3A_720, %max3A_719 : vector<16xi32>
        %div3A_722 = arith.divf %gather3A_707, %max3A_163 : vector<16xf32>
        %mul3A_723 = vector.broadcast %scan3A_492 : f32 to vector<16xf32>
        %mul3A_724 = arith.mulf %div3A_722, %mul3A_723 : vector<16xf32>
        %convert_element_type3A_725 = arith.fptosi %mul3A_724 : vector<16xf32> to vector<16xi32>
        %jit3A_726 = arith.constant 0 : i32
        %jit3A_727 = arith.constant 33 : i32
        %max3A_728 = vector.broadcast %jit3A_726 : i32 to vector<16xi32>
        %max3A_729 = arith.maxsi %max3A_728, %convert_element_type3A_725 : vector<16xi32>
        %min3A_730 = vector.broadcast %jit3A_727 : i32 to vector<16xi32>
        %min3A_731 = arith.minsi %min3A_730, %max3A_729 : vector<16xi32>
        %mul3A_732 = arith.constant 40 : i32
        %mul3A_733 = vector.broadcast %mul3A_732 : i32 to vector<16xi32>
        %mul3A_734 = arith.muli %min3A_721, %mul3A_733 : vector<16xi32>
        %add3A_735 = arith.addi %mul3A_734, %min3A_731 : vector<16xi32>
        %mul3A_736 = arith.constant 16 : i32
        %mul3A_737 = arith.muli %add3A_699, %mul3A_736 : i32
        %swap3A_738 = arith.index_cast %mul3A_737 : i32 to index
        %swap3A_739 = tpu.vector_load %arg10[%swap3A_738] {strides = array<i32>} : memref<2048xi32, #tpu.memory_space<vmem>>, vector<16xi32>,
        tpu.vector_store %arg10[%swap3A_738], %add3A_735 {strides = array<i32>} : memref<2048xi32, #tpu.memory_space<vmem>>, vector<16xi32>,
      } else {
      }
      %mul3A_571 = arith.constant 32 : i32
      %mul3A_572 = arith.muli %add3A_565, %mul3A_571 : i32
      %dma_wait3A_573 = tpu.memref_slice %arg10[%mul3A_572] : memref<2048xi32, #tpu.memory_space<vmem>> -> memref<32xi32, #tpu.memory_space<vmem>>
      %dma_wait3A_574 = arith.constant 0 : i32
      %dma_wait3A_575 = arith.constant 0 : i32
      %dma_wait3A_576 = tpu.memref_slice %arg6[%dma_wait3A_574, %dma_wait3A_575] : memref<1360x768xf32, #tpu.memory_space<hbm>> -> memref<1360x768xf32, #tpu.memory_space<hbm>>
      tpu.wait_indirect_dma semaphore(%arg20 : memref<!tpu.dma_semaphore, #tpu.memory_space<semaphore_mem>>) src(%dma_wait3A_576 : memref<1360x768xf32, #tpu.memory_space<hbm>>) dst(%arg16 : memref<32x768xf32, #tpu.memory_space<vmem>>)
      %mul3A_577 = arith.constant 2048 : i32
      %mul3A_578 = arith.muli %add3A, %mul3A_577 : i32
      %mul3A_579 = arith.constant 32 : i32
      %mul3A_580 = arith.muli %add3A_565, %mul3A_579 : i32
      %add3A_581 = arith.addi %mul3A_578, %mul3A_580 : i32
      %dma_start3A_582 = arith.constant 0 : i32
      %dma_start3A_583 = tpu.memref_slice %arg5[%add3A_581, %dma_start3A_582] : memref<65536x768xf32, #tpu.memory_space<hbm>> -> memref<32x768xf32, #tpu.memory_space<hbm>>
      %dma_start3A_584 = arith.constant 0 : i32
      %dma_start3A_585 = tpu.memref_slice %arg5[%add3A_581, %dma_start3A_584] : memref<65536x768xf32, #tpu.memory_space<hbm>> -> memref<32x768xf32, #tpu.memory_space<hbm>>
      tpu.enqueue_dma source(%arg16 : memref<32x768xf32, #tpu.memory_space<vmem>>) target(%dma_start3A_585 : memref<32x768xf32, #tpu.memory_space<hbm>>) target_semaphore(%arg24 : memref<!tpu.dma_semaphore, #tpu.memory_space<semaphore_mem>>)
      %lt3A_586 = arith.constant 15 : i32
      %lt3A_587 = arith.cmpi slt, %scan3A_531, %lt3A_586 : i32
      %convert_element_type3A_588 = arith.extui %lt3A_587 : i1 to i32
      %cond3A_589 = arith.constant 0 : i32
      %cond3A_590 = arith.cmpi ne, %convert_element_type3A_588, %cond3A_589 : i32
      scf.if %cond3A_590 {
        %mul3A_650 = arith.constant 2048 : i32
        %mul3A_651 = arith.muli %add3A, %mul3A_650 : i32
        %mul3A_652 = arith.constant 32 : i32
        %mul3A_653 = arith.muli %add3A_565, %mul3A_652 : i32
        %add3A_654 = arith.addi %mul3A_651, %mul3A_653 : i32
        %dma_wait3A_655 = arith.constant 0 : i32
        %dma_wait3A_656 = tpu.memref_slice %arg5[%add3A_654, %dma_wait3A_655] : memref<65536x768xf32, #tpu.memory_space<hbm>> -> memref<32x768xf32, #tpu.memory_space<hbm>>
        %dma_wait3A_657 = arith.constant 0 : i32
        %dma_wait3A_658 = tpu.memref_slice %arg5[%add3A_654, %dma_wait3A_657] : memref<65536x768xf32, #tpu.memory_space<hbm>> -> memref<32x768xf32, #tpu.memory_space<hbm>>
        tpu.wait_dma2 semaphore(%arg24 : memref<!tpu.dma_semaphore, #tpu.memory_space<semaphore_mem>>) src(%arg16 : memref<32x768xf32, #tpu.memory_space<vmem>>) dst(%dma_wait3A_658 : memref<32x768xf32, #tpu.memory_space<hbm>>)
        %add3A_659 = arith.constant 4 : i32
        %add3A_660 = arith.addi %add3A_565, %add3A_659 : i32
        %mul3A_661 = arith.constant 32 : i32
        %mul3A_662 = arith.muli %add3A_660, %mul3A_661 : i32
        %dma_start3A_663 = tpu.memref_slice %arg10[%mul3A_662] : memref<2048xi32, #tpu.memory_space<vmem>> -> memref<32xi32, #tpu.memory_space<vmem>>
        %dma_start3A_664 = arith.constant 0 : i32
        %dma_start3A_665 = arith.constant 0 : i32
        %dma_start3A_666 = tpu.memref_slice %arg6[%dma_start3A_664, %dma_start3A_665] : memref<1360x768xf32, #tpu.memory_space<hbm>> -> memref<1360x768xf32, #tpu.memory_space<hbm>>
        tpu.enqueue_indirect_dma source(%dma_start3A_666 : memref<1360x768xf32, #tpu.memory_space<hbm>>) target(%arg16 : memref<32x768xf32, #tpu.memory_space<vmem>>) offsets(%dma_start3A_663 : memref<32xi32, #tpu.memory_space<vmem>>) semaphore(%arg20 : memref<!tpu.dma_semaphore, #tpu.memory_space<semaphore_mem>>)
      } else {
      }
      %mul3A_591 = arith.constant 4 : i32
      %mul3A_592 = arith.muli %scan3A_531, %mul3A_591 : i32
      %add3A_593 = arith.constant 2 : i32
      %add3A_594 = arith.addi %mul3A_592, %add3A_593 : i32
      %lt3A_595 = arith.constant 15 : i32
      %lt3A_596 = arith.cmpi slt, %scan3A_531, %lt3A_595 : i32
      %convert_element_type3A_597 = arith.extui %lt3A_596 : i1 to i32
      %cond3A_598 = arith.constant 0 : i32
      %cond3A_599 = arith.cmpi ne, %convert_element_type3A_597, %cond3A_598 : i32
      scf.if %cond3A_599 {
        %add3A_650 = arith.constant 4 : i32
        %add3A_651 = arith.addi %add3A_594, %add3A_650 : i32
        %mul3A_652 = arith.constant 2 : i32
        %mul3A_653 = arith.muli %add3A_651, %mul3A_652 : i32
        %add3A_654 = arith.constant 0 : i32
        %add3A_655 = arith.addi %mul3A_653, %add3A_654 : i32
        %mul3A_656 = arith.constant 32 : i32
        %mul3A_657 = arith.muli %add3A_655, %mul3A_656 : i32
        %mul3A_658 = arith.constant 2 : i32
        %mul3A_659 = vector.broadcast %mul3A_658 : i32 to vector<16xi32>
        %mul3A_660 = arith.muli %mul3A_659, %iota3A_110 : vector<16xi32>
        %add3A_661 = vector.broadcast %mul3A_657 : i32 to vector<16xi32>
        %add3A_662 = arith.addi %add3A_661, %mul3A_660 : vector<16xi32>
        %gather3A_663 = tpu.vector_load_idx %arg9[%add3A_662] : memref<4096xf32, #tpu.memory_space<vmem>>[vector<16xi32>], vector<16xf32>,
        %add3A_664 = arith.constant 1 : i32
        %add3A_665 = vector.broadcast %add3A_664 : i32 to vector<16xi32>
        %add3A_666 = arith.addi %add3A_662, %add3A_665 : vector<16xi32>
        %gather3A_667 = tpu.vector_load_idx %arg9[%add3A_666] : memref<4096xf32, #tpu.memory_space<vmem>>[vector<16xi32>], vector<16xf32>,
        %div3A_668 = arith.divf %gather3A_667, %max3A_163 : vector<16xf32>
        %mul3A_669 = vector.broadcast %scan3A_492 : f32 to vector<16xf32>
        %mul3A_670 = arith.mulf %div3A_668, %mul3A_669 : vector<16xf32>
        %convert_element_type3A_671 = arith.fptosi %mul3A_670 : vector<16xf32> to vector<16xi32>
        %jit3A_672 = arith.constant 0 : i32
        %jit3A_673 = arith.constant 33 : i32
        %max3A_674 = vector.broadcast %jit3A_672 : i32 to vector<16xi32>
        %max3A_675 = arith.maxsi %max3A_674, %convert_element_type3A_671 : vector<16xi32>
        %min3A_676 = vector.broadcast %jit3A_673 : i32 to vector<16xi32>
        %min3A_677 = arith.minsi %min3A_676, %max3A_675 : vector<16xi32>
        %div3A_678 = arith.divf %gather3A_663, %max3A_163 : vector<16xf32>
        %mul3A_679 = vector.broadcast %scan3A_492 : f32 to vector<16xf32>
        %mul3A_680 = arith.mulf %div3A_678, %mul3A_679 : vector<16xf32>
        %convert_element_type3A_681 = arith.fptosi %mul3A_680 : vector<16xf32> to vector<16xi32>
        %jit3A_682 = arith.constant 0 : i32
        %jit3A_683 = arith.constant 33 : i32
        %max3A_684 = vector.broadcast %jit3A_682 : i32 to vector<16xi32>
        %max3A_685 = arith.maxsi %max3A_684, %convert_element_type3A_681 : vector<16xi32>
        %min3A_686 = vector.broadcast %jit3A_683 : i32 to vector<16xi32>
        %min3A_687 = arith.minsi %min3A_686, %max3A_685 : vector<16xi32>
        %mul3A_688 = arith.constant 40 : i32
        %mul3A_689 = vector.broadcast %mul3A_688 : i32 to vector<16xi32>
        %mul3A_690 = arith.muli %min3A_677, %mul3A_689 : vector<16xi32>
        %add3A_691 = arith.addi %mul3A_690, %min3A_687 : vector<16xi32>
        %mul3A_692 = arith.constant 16 : i32
        %mul3A_693 = arith.muli %add3A_655, %mul3A_692 : i32
        %swap3A_694 = arith.index_cast %mul3A_693 : i32 to index
        %swap3A_695 = tpu.vector_load %arg10[%swap3A_694] {strides = array<i32>} : memref<2048xi32, #tpu.memory_space<vmem>>, vector<16xi32>,
        tpu.vector_store %arg10[%swap3A_694], %add3A_691 {strides = array<i32>} : memref<2048xi32, #tpu.memory_space<vmem>>, vector<16xi32>,
        %mul3A_696 = arith.constant 2 : i32
        %mul3A_697 = arith.muli %add3A_651, %mul3A_696 : i32
        %add3A_698 = arith.constant 1 : i32
        %add3A_699 = arith.addi %mul3A_697, %add3A_698 : i32
        %mul3A_700 = arith.constant 32 : i32
        %mul3A_701 = arith.muli %add3A_699, %mul3A_700 : i32
        %mul3A_702 = arith.constant 2 : i32
        %mul3A_703 = vector.broadcast %mul3A_702 : i32 to vector<16xi32>
        %mul3A_704 = arith.muli %mul3A_703, %iota3A_110 : vector<16xi32>
        %add3A_705 = vector.broadcast %mul3A_701 : i32 to vector<16xi32>
        %add3A_706 = arith.addi %add3A_705, %mul3A_704 : vector<16xi32>
        %gather3A_707 = tpu.vector_load_idx %arg9[%add3A_706] : memref<4096xf32, #tpu.memory_space<vmem>>[vector<16xi32>], vector<16xf32>,
        %add3A_708 = arith.constant 1 : i32
        %add3A_709 = vector.broadcast %add3A_708 : i32 to vector<16xi32>
        %add3A_710 = arith.addi %add3A_706, %add3A_709 : vector<16xi32>
        %gather3A_711 = tpu.vector_load_idx %arg9[%add3A_710] : memref<4096xf32, #tpu.memory_space<vmem>>[vector<16xi32>], vector<16xf32>,
        %div3A_712 = arith.divf %gather3A_711, %max3A_163 : vector<16xf32>
        %mul3A_713 = vector.broadcast %scan3A_492 : f32 to vector<16xf32>
        %mul3A_714 = arith.mulf %div3A_712, %mul3A_713 : vector<16xf32>
        %convert_element_type3A_715 = arith.fptosi %mul3A_714 : vector<16xf32> to vector<16xi32>
        %jit3A_716 = arith.constant 0 : i32
        %jit3A_717 = arith.constant 33 : i32
        %max3A_718 = vector.broadcast %jit3A_716 : i32 to vector<16xi32>
        %max3A_719 = arith.maxsi %max3A_718, %convert_element_type3A_715 : vector<16xi32>
        %min3A_720 = vector.broadcast %jit3A_717 : i32 to vector<16xi32>
        %min3A_721 = arith.minsi %min3A_720, %max3A_719 : vector<16xi32>
        %div3A_722 = arith.divf %gather3A_707, %max3A_163 : vector<16xf32>
        %mul3A_723 = vector.broadcast %scan3A_492 : f32 to vector<16xf32>
        %mul3A_724 = arith.mulf %div3A_722, %mul3A_723 : vector<16xf32>
        %convert_element_type3A_725 = arith.fptosi %mul3A_724 : vector<16xf32> to vector<16xi32>
        %jit3A_726 = arith.constant 0 : i32
        %jit3A_727 = arith.constant 33 : i32
        %max3A_728 = vector.broadcast %jit3A_726 : i32 to vector<16xi32>
        %max3A_729 = arith.maxsi %max3A_728, %convert_element_type3A_725 : vector<16xi32>
        %min3A_730 = vector.broadcast %jit3A_727 : i32 to vector<16xi32>
        %min3A_731 = arith.minsi %min3A_730, %max3A_729 : vector<16xi32>
        %mul3A_732 = arith.constant 40 : i32
        %mul3A_733 = vector.broadcast %mul3A_732 : i32 to vector<16xi32>
        %mul3A_734 = arith.muli %min3A_721, %mul3A_733 : vector<16xi32>
        %add3A_735 = arith.addi %mul3A_734, %min3A_731 : vector<16xi32>
        %mul3A_736 = arith.constant 16 : i32
        %mul3A_737 = arith.muli %add3A_699, %mul3A_736 : i32
        %swap3A_738 = arith.index_cast %mul3A_737 : i32 to index
        %swap3A_739 = tpu.vector_load %arg10[%swap3A_738] {strides = array<i32>} : memref<2048xi32, #tpu.memory_space<vmem>>, vector<16xi32>,
        tpu.vector_store %arg10[%swap3A_738], %add3A_735 {strides = array<i32>} : memref<2048xi32, #tpu.memory_space<vmem>>, vector<16xi32>,
      } else {
      }
      %mul3A_600 = arith.constant 32 : i32
      %mul3A_601 = arith.muli %add3A_594, %mul3A_600 : i32
      %dma_wait3A_602 = tpu.memref_slice %arg10[%mul3A_601] : memref<2048xi32, #tpu.memory_space<vmem>> -> memref<32xi32, #tpu.memory_space<vmem>>
      %dma_wait3A_603 = arith.constant 0 : i32
      %dma_wait3A_604 = arith.constant 0 : i32
      %dma_wait3A_605 = tpu.memref_slice %arg6[%dma_wait3A_603, %dma_wait3A_604] : memref<1360x768xf32, #tpu.memory_space<hbm>> -> memref<1360x768xf32, #tpu.memory_space<hbm>>
      tpu.wait_indirect_dma semaphore(%arg21 : memref<!tpu.dma_semaphore, #tpu.memory_space<semaphore_mem>>) src(%dma_wait3A_605 : memref<1360x768xf32, #tpu.memory_space<hbm>>) dst(%arg17 : memref<32x768xf32, #tpu.memory_space<vmem>>)
      %mul3A_606 = arith.constant 2048 : i32
      %mul3A_607 = arith.muli %add3A, %mul3A_606 : i32
      %mul3A_608 = arith.constant 32 : i32
      %mul3A_609 = arith.muli %add3A_594, %mul3A_608 : i32
      %add3A_610 = arith.addi %mul3A_607, %mul3A_609 : i32
      %dma_start3A_611 = arith.constant 0 : i32
      %dma_start3A_612 = tpu.memref_slice %arg5[%add3A_610, %dma_start3A_611] : memref<65536x768xf32, #tpu.memory_space<hbm>> -> memref<32x768xf32, #tpu.memory_space<hbm>>
      %dma_start3A_613 = arith.constant 0 : i32
      %dma_start3A_614 = tpu.memref_slice %arg5[%add3A_610, %dma_start3A_613] : memref<65536x768xf32, #tpu.memory_space<hbm>> -> memref<32x768xf32, #tpu.memory_space<hbm>>
      tpu.enqueue_dma source(%arg17 : memref<32x768xf32, #tpu.memory_space<vmem>>) target(%dma_start3A_614 : memref<32x768xf32, #tpu.memory_space<hbm>>) target_semaphore(%arg25 : memref<!tpu.dma_semaphore, #tpu.memory_space<semaphore_mem>>)
      %lt3A_615 = arith.constant 15 : i32
      %lt3A_616 = arith.cmpi slt, %scan3A_531, %lt3A_615 : i32
      %convert_element_type3A_617 = arith.extui %lt3A_616 : i1 to i32
      %cond3A_618 = arith.constant 0 : i32
      %cond3A_619 = arith.cmpi ne, %convert_element_type3A_617, %cond3A_618 : i32
      scf.if %cond3A_619 {
        %mul3A_650 = arith.constant 2048 : i32
        %mul3A_651 = arith.muli %add3A, %mul3A_650 : i32
        %mul3A_652 = arith.constant 32 : i32
        %mul3A_653 = arith.muli %add3A_594, %mul3A_652 : i32
        %add3A_654 = arith.addi %mul3A_651, %mul3A_653 : i32
        %dma_wait3A_655 = arith.constant 0 : i32
        %dma_wait3A_656 = tpu.memref_slice %arg5[%add3A_654, %dma_wait3A_655] : memref<65536x768xf32, #tpu.memory_space<hbm>> -> memref<32x768xf32, #tpu.memory_space<hbm>>
        %dma_wait3A_657 = arith.constant 0 : i32
        %dma_wait3A_658 = tpu.memref_slice %arg5[%add3A_654, %dma_wait3A_657] : memref<65536x768xf32, #tpu.memory_space<hbm>> -> memref<32x768xf32, #tpu.memory_space<hbm>>
        tpu.wait_dma2 semaphore(%arg25 : memref<!tpu.dma_semaphore, #tpu.memory_space<semaphore_mem>>) src(%arg17 : memref<32x768xf32, #tpu.memory_space<vmem>>) dst(%dma_wait3A_658 : memref<32x768xf32, #tpu.memory_space<hbm>>)
        %add3A_659 = arith.constant 4 : i32
        %add3A_660 = arith.addi %add3A_594, %add3A_659 : i32
        %mul3A_661 = arith.constant 32 : i32
        %mul3A_662 = arith.muli %add3A_660, %mul3A_661 : i32
        %dma_start3A_663 = tpu.memref_slice %arg10[%mul3A_662] : memref<2048xi32, #tpu.memory_space<vmem>> -> memref<32xi32, #tpu.memory_space<vmem>>
        %dma_start3A_664 = arith.constant 0 : i32
        %dma_start3A_665 = arith.constant 0 : i32
        %dma_start3A_666 = tpu.memref_slice %arg6[%dma_start3A_664, %dma_start3A_665] : memref<1360x768xf32, #tpu.memory_space<hbm>> -> memref<1360x768xf32, #tpu.memory_space<hbm>>
        tpu.enqueue_indirect_dma source(%dma_start3A_666 : memref<1360x768xf32, #tpu.memory_space<hbm>>) target(%arg17 : memref<32x768xf32, #tpu.memory_space<vmem>>) offsets(%dma_start3A_663 : memref<32xi32, #tpu.memory_space<vmem>>) semaphore(%arg21 : memref<!tpu.dma_semaphore, #tpu.memory_space<semaphore_mem>>)
      } else {
      }
      %mul3A_620 = arith.constant 4 : i32
      %mul3A_621 = arith.muli %scan3A_531, %mul3A_620 : i32
      %add3A_622 = arith.constant 3 : i32
      %add3A_623 = arith.addi %mul3A_621, %add3A_622 : i32
      %lt3A_624 = arith.constant 15 : i32
      %lt3A_625 = arith.cmpi slt, %scan3A_531, %lt3A_624 : i32
      %convert_element_type3A_626 = arith.extui %lt3A_625 : i1 to i32
      %cond3A_627 = arith.constant 0 : i32
      %cond3A_628 = arith.cmpi ne, %convert_element_type3A_626, %cond3A_627 : i32
      scf.if %cond3A_628 {
        %add3A_650 = arith.constant 4 : i32
        %add3A_651 = arith.addi %add3A_623, %add3A_650 : i32
        %mul3A_652 = arith.constant 2 : i32
        %mul3A_653 = arith.muli %add3A_651, %mul3A_652 : i32
        %add3A_654 = arith.constant 0 : i32
        %add3A_655 = arith.addi %mul3A_653, %add3A_654 : i32
        %mul3A_656 = arith.constant 32 : i32
        %mul3A_657 = arith.muli %add3A_655, %mul3A_656 : i32
        %mul3A_658 = arith.constant 2 : i32
        %mul3A_659 = vector.broadcast %mul3A_658 : i32 to vector<16xi32>
        %mul3A_660 = arith.muli %mul3A_659, %iota3A_110 : vector<16xi32>
        %add3A_661 = vector.broadcast %mul3A_657 : i32 to vector<16xi32>
        %add3A_662 = arith.addi %add3A_661, %mul3A_660 : vector<16xi32>
        %gather3A_663 = tpu.vector_load_idx %arg9[%add3A_662] : memref<4096xf32, #tpu.memory_space<vmem>>[vector<16xi32>], vector<16xf32>,
        %add3A_664 = arith.constant 1 : i32
        %add3A_665 = vector.broadcast %add3A_664 : i32 to vector<16xi32>
        %add3A_666 = arith.addi %add3A_662, %add3A_665 : vector<16xi32>
        %gather3A_667 = tpu.vector_load_idx %arg9[%add3A_666] : memref<4096xf32, #tpu.memory_space<vmem>>[vector<16xi32>], vector<16xf32>,
        %div3A_668 = arith.divf %gather3A_667, %max3A_163 : vector<16xf32>
        %mul3A_669 = vector.broadcast %scan3A_492 : f32 to vector<16xf32>
        %mul3A_670 = arith.mulf %div3A_668, %mul3A_669 : vector<16xf32>
        %convert_element_type3A_671 = arith.fptosi %mul3A_670 : vector<16xf32> to vector<16xi32>
        %jit3A_672 = arith.constant 0 : i32
        %jit3A_673 = arith.constant 33 : i32
        %max3A_674 = vector.broadcast %jit3A_672 : i32 to vector<16xi32>
        %max3A_675 = arith.maxsi %max3A_674, %convert_element_type3A_671 : vector<16xi32>
        %min3A_676 = vector.broadcast %jit3A_673 : i32 to vector<16xi32>
        %min3A_677 = arith.minsi %min3A_676, %max3A_675 : vector<16xi32>
        %div3A_678 = arith.divf %gather3A_663, %max3A_163 : vector<16xf32>
        %mul3A_679 = vector.broadcast %scan3A_492 : f32 to vector<16xf32>
        %mul3A_680 = arith.mulf %div3A_678, %mul3A_679 : vector<16xf32>
        %convert_element_type3A_681 = arith.fptosi %mul3A_680 : vector<16xf32> to vector<16xi32>
        %jit3A_682 = arith.constant 0 : i32
        %jit3A_683 = arith.constant 33 : i32
        %max3A_684 = vector.broadcast %jit3A_682 : i32 to vector<16xi32>
        %max3A_685 = arith.maxsi %max3A_684, %convert_element_type3A_681 : vector<16xi32>
        %min3A_686 = vector.broadcast %jit3A_683 : i32 to vector<16xi32>
        %min3A_687 = arith.minsi %min3A_686, %max3A_685 : vector<16xi32>
        %mul3A_688 = arith.constant 40 : i32
        %mul3A_689 = vector.broadcast %mul3A_688 : i32 to vector<16xi32>
        %mul3A_690 = arith.muli %min3A_677, %mul3A_689 : vector<16xi32>
        %add3A_691 = arith.addi %mul3A_690, %min3A_687 : vector<16xi32>
        %mul3A_692 = arith.constant 16 : i32
        %mul3A_693 = arith.muli %add3A_655, %mul3A_692 : i32
        %swap3A_694 = arith.index_cast %mul3A_693 : i32 to index
        %swap3A_695 = tpu.vector_load %arg10[%swap3A_694] {strides = array<i32>} : memref<2048xi32, #tpu.memory_space<vmem>>, vector<16xi32>,
        tpu.vector_store %arg10[%swap3A_694], %add3A_691 {strides = array<i32>} : memref<2048xi32, #tpu.memory_space<vmem>>, vector<16xi32>,
        %mul3A_696 = arith.constant 2 : i32
        %mul3A_697 = arith.muli %add3A_651, %mul3A_696 : i32
        %add3A_698 = arith.constant 1 : i32
        %add3A_699 = arith.addi %mul3A_697, %add3A_698 : i32
        %mul3A_700 = arith.constant 32 : i32
        %mul3A_701 = arith.muli %add3A_699, %mul3A_700 : i32
        %mul3A_702 = arith.constant 2 : i32
        %mul3A_703 = vector.broadcast %mul3A_702 : i32 to vector<16xi32>
        %mul3A_704 = arith.muli %mul3A_703, %iota3A_110 : vector<16xi32>
        %add3A_705 = vector.broadcast %mul3A_701 : i32 to vector<16xi32>
        %add3A_706 = arith.addi %add3A_705, %mul3A_704 : vector<16xi32>
        %gather3A_707 = tpu.vector_load_idx %arg9[%add3A_706] : memref<4096xf32, #tpu.memory_space<vmem>>[vector<16xi32>], vector<16xf32>,
        %add3A_708 = arith.constant 1 : i32
        %add3A_709 = vector.broadcast %add3A_708 : i32 to vector<16xi32>
        %add3A_710 = arith.addi %add3A_706, %add3A_709 : vector<16xi32>
        %gather3A_711 = tpu.vector_load_idx %arg9[%add3A_710] : memref<4096xf32, #tpu.memory_space<vmem>>[vector<16xi32>], vector<16xf32>,
        %div3A_712 = arith.divf %gather3A_711, %max3A_163 : vector<16xf32>
        %mul3A_713 = vector.broadcast %scan3A_492 : f32 to vector<16xf32>
        %mul3A_714 = arith.mulf %div3A_712, %mul3A_713 : vector<16xf32>
        %convert_element_type3A_715 = arith.fptosi %mul3A_714 : vector<16xf32> to vector<16xi32>
        %jit3A_716 = arith.constant 0 : i32
        %jit3A_717 = arith.constant 33 : i32
        %max3A_718 = vector.broadcast %jit3A_716 : i32 to vector<16xi32>
        %max3A_719 = arith.maxsi %max3A_718, %convert_element_type3A_715 : vector<16xi32>
        %min3A_720 = vector.broadcast %jit3A_717 : i32 to vector<16xi32>
        %min3A_721 = arith.minsi %min3A_720, %max3A_719 : vector<16xi32>
        %div3A_722 = arith.divf %gather3A_707, %max3A_163 : vector<16xf32>
        %mul3A_723 = vector.broadcast %scan3A_492 : f32 to vector<16xf32>
        %mul3A_724 = arith.mulf %div3A_722, %mul3A_723 : vector<16xf32>
        %convert_element_type3A_725 = arith.fptosi %mul3A_724 : vector<16xf32> to vector<16xi32>
        %jit3A_726 = arith.constant 0 : i32
        %jit3A_727 = arith.constant 33 : i32
        %max3A_728 = vector.broadcast %jit3A_726 : i32 to vector<16xi32>
        %max3A_729 = arith.maxsi %max3A_728, %convert_element_type3A_725 : vector<16xi32>
        %min3A_730 = vector.broadcast %jit3A_727 : i32 to vector<16xi32>
        %min3A_731 = arith.minsi %min3A_730, %max3A_729 : vector<16xi32>
        %mul3A_732 = arith.constant 40 : i32
        %mul3A_733 = vector.broadcast %mul3A_732 : i32 to vector<16xi32>
        %mul3A_734 = arith.muli %min3A_721, %mul3A_733 : vector<16xi32>
        %add3A_735 = arith.addi %mul3A_734, %min3A_731 : vector<16xi32>
        %mul3A_736 = arith.constant 16 : i32
        %mul3A_737 = arith.muli %add3A_699, %mul3A_736 : i32
        %swap3A_738 = arith.index_cast %mul3A_737 : i32 to index
        %swap3A_739 = tpu.vector_load %arg10[%swap3A_738] {strides = array<i32>} : memref<2048xi32, #tpu.memory_space<vmem>>, vector<16xi32>,
        tpu.vector_store %arg10[%swap3A_738], %add3A_735 {strides = array<i32>} : memref<2048xi32, #tpu.memory_space<vmem>>, vector<16xi32>,
      } else {
      }
      %mul3A_629 = arith.constant 32 : i32
      %mul3A_630 = arith.muli %add3A_623, %mul3A_629 : i32
      %dma_wait3A_631 = tpu.memref_slice %arg10[%mul3A_630] : memref<2048xi32, #tpu.memory_space<vmem>> -> memref<32xi32, #tpu.memory_space<vmem>>
      %dma_wait3A_632 = arith.constant 0 : i32
      %dma_wait3A_633 = arith.constant 0 : i32
      %dma_wait3A_634 = tpu.memref_slice %arg6[%dma_wait3A_632, %dma_wait3A_633] : memref<1360x768xf32, #tpu.memory_space<hbm>> -> memref<1360x768xf32, #tpu.memory_space<hbm>>
      tpu.wait_indirect_dma semaphore(%arg22 : memref<!tpu.dma_semaphore, #tpu.memory_space<semaphore_mem>>) src(%dma_wait3A_634 : memref<1360x768xf32, #tpu.memory_space<hbm>>) dst(%arg18 : memref<32x768xf32, #tpu.memory_space<vmem>>)
      %mul3A_635 = arith.constant 2048 : i32
      %mul3A_636 = arith.muli %add3A, %mul3A_635 : i32
      %mul3A_637 = arith.constant 32 : i32
      %mul3A_638 = arith.muli %add3A_623, %mul3A_637 : i32
      %add3A_639 = arith.addi %mul3A_636, %mul3A_638 : i32
      %dma_start3A_640 = arith.constant 0 : i32
      %dma_start3A_641 = tpu.memref_slice %arg5[%add3A_639, %dma_start3A_640] : memref<65536x768xf32, #tpu.memory_space<hbm>> -> memref<32x768xf32, #tpu.memory_space<hbm>>
      %dma_start3A_642 = arith.constant 0 : i32
      %dma_start3A_643 = tpu.memref_slice %arg5[%add3A_639, %dma_start3A_642] : memref<65536x768xf32, #tpu.memory_space<hbm>> -> memref<32x768xf32, #tpu.memory_space<hbm>>
      tpu.enqueue_dma source(%arg18 : memref<32x768xf32, #tpu.memory_space<vmem>>) target(%dma_start3A_643 : memref<32x768xf32, #tpu.memory_space<hbm>>) target_semaphore(%arg26 : memref<!tpu.dma_semaphore, #tpu.memory_space<semaphore_mem>>)
      %lt3A_644 = arith.constant 15 : i32
      %lt3A_645 = arith.cmpi slt, %scan3A_531, %lt3A_644 : i32
      %convert_element_type3A_646 = arith.extui %lt3A_645 : i1 to i32
      %cond3A_647 = arith.constant 0 : i32
      %cond3A_648 = arith.cmpi ne, %convert_element_type3A_646, %cond3A_647 : i32
      scf.if %cond3A_648 {
        %mul3A_650 = arith.constant 2048 : i32
        %mul3A_651 = arith.muli %add3A, %mul3A_650 : i32
        %mul3A_652 = arith.constant 32 : i32
        %mul3A_653 = arith.muli %add3A_623, %mul3A_652 : i32
        %add3A_654 = arith.addi %mul3A_651, %mul3A_653 : i32
        %dma_wait3A_655 = arith.constant 0 : i32
        %dma_wait3A_656 = tpu.memref_slice %arg5[%add3A_654, %dma_wait3A_655] : memref<65536x768xf32, #tpu.memory_space<hbm>> -> memref<32x768xf32, #tpu.memory_space<hbm>>
        %dma_wait3A_657 = arith.constant 0 : i32
        %dma_wait3A_658 = tpu.memref_slice %arg5[%add3A_654, %dma_wait3A_657] : memref<65536x768xf32, #tpu.memory_space<hbm>> -> memref<32x768xf32, #tpu.memory_space<hbm>>
        tpu.wait_dma2 semaphore(%arg26 : memref<!tpu.dma_semaphore, #tpu.memory_space<semaphore_mem>>) src(%arg18 : memref<32x768xf32, #tpu.memory_space<vmem>>) dst(%dma_wait3A_658 : memref<32x768xf32, #tpu.memory_space<hbm>>)
        %add3A_659 = arith.constant 4 : i32
        %add3A_660 = arith.addi %add3A_623, %add3A_659 : i32
        %mul3A_661 = arith.constant 32 : i32
        %mul3A_662 = arith.muli %add3A_660, %mul3A_661 : i32
        %dma_start3A_663 = tpu.memref_slice %arg10[%mul3A_662] : memref<2048xi32, #tpu.memory_space<vmem>> -> memref<32xi32, #tpu.memory_space<vmem>>
        %dma_start3A_664 = arith.constant 0 : i32
        %dma_start3A_665 = arith.constant 0 : i32
        %dma_start3A_666 = tpu.memref_slice %arg6[%dma_start3A_664, %dma_start3A_665] : memref<1360x768xf32, #tpu.memory_space<hbm>> -> memref<1360x768xf32, #tpu.memory_space<hbm>>
        tpu.enqueue_indirect_dma source(%dma_start3A_666 : memref<1360x768xf32, #tpu.memory_space<hbm>>) target(%arg18 : memref<32x768xf32, #tpu.memory_space<vmem>>) offsets(%dma_start3A_663 : memref<32xi32, #tpu.memory_space<vmem>>) semaphore(%arg22 : memref<!tpu.dma_semaphore, #tpu.memory_space<semaphore_mem>>)
      } else {
      }
      %scan3A_649 = arith.constant 0 : i32
      scf.yield %scan3A_649 : i32
    }
    %scan3A_499 = arith.constant 16 : i32
    %mul3A_500 = arith.constant 2048 : i32
    %mul3A_501 = arith.muli %add3A, %mul3A_500 : i32
    %add3A_502 = arith.constant 1920 : i32
    %add3A_503 = arith.addi %mul3A_501, %add3A_502 : i32
    %dma_wait3A = arith.constant 0 : i32
    %dma_wait3A_504 = tpu.memref_slice %arg5[%add3A_503, %dma_wait3A] : memref<65536x768xf32, #tpu.memory_space<hbm>> -> memref<32x768xf32, #tpu.memory_space<hbm>>
    %dma_wait3A_505 = arith.constant 0 : i32
    %dma_wait3A_506 = tpu.memref_slice %arg5[%add3A_503, %dma_wait3A_505] : memref<65536x768xf32, #tpu.memory_space<hbm>> -> memref<32x768xf32, #tpu.memory_space<hbm>>
    tpu.wait_dma2 semaphore(%arg23 : memref<!tpu.dma_semaphore, #tpu.memory_space<semaphore_mem>>) src(%arg15 : memref<32x768xf32, #tpu.memory_space<vmem>>) dst(%dma_wait3A_506 : memref<32x768xf32, #tpu.memory_space<hbm>>)
    %mul3A_507 = arith.constant 2048 : i32
    %mul3A_508 = arith.muli %add3A, %mul3A_507 : i32
    %add3A_509 = arith.constant 1952 : i32
    %add3A_510 = arith.addi %mul3A_508, %add3A_509 : i32
    %dma_wait3A_511 = arith.constant 0 : i32
    %dma_wait3A_512 = tpu.memref_slice %arg5[%add3A_510, %dma_wait3A_511] : memref<65536x768xf32, #tpu.memory_space<hbm>> -> memref<32x768xf32, #tpu.memory_space<hbm>>
    %dma_wait3A_513 = arith.constant 0 : i32
    %dma_wait3A_514 = tpu.memref_slice %arg5[%add3A_510, %dma_wait3A_513] : memref<65536x768xf32, #tpu.memory_space<hbm>> -> memref<32x768xf32, #tpu.memory_space<hbm>>
    tpu.wait_dma2 semaphore(%arg24 : memref<!tpu.dma_semaphore, #tpu.memory_space<semaphore_mem>>) src(%arg16 : memref<32x768xf32, #tpu.memory_space<vmem>>) dst(%dma_wait3A_514 : memref<32x768xf32, #tpu.memory_space<hbm>>)
    %mul3A_515 = arith.constant 2048 : i32
    %mul3A_516 = arith.muli %add3A, %mul3A_515 : i32
    %add3A_517 = arith.constant 1984 : i32
    %add3A_518 = arith.addi %mul3A_516, %add3A_517 : i32
    %dma_wait3A_519 = arith.constant 0 : i32
    %dma_wait3A_520 = tpu.memref_slice %arg5[%add3A_518, %dma_wait3A_519] : memref<65536x768xf32, #tpu.memory_space<hbm>> -> memref<32x768xf32, #tpu.memory_space<hbm>>
    %dma_wait3A_521 = arith.constant 0 : i32
    %dma_wait3A_522 = tpu.memref_slice %arg5[%add3A_518, %dma_wait3A_521] : memref<65536x768xf32, #tpu.memory_space<hbm>> -> memref<32x768xf32, #tpu.memory_space<hbm>>
    tpu.wait_dma2 semaphore(%arg25 : memref<!tpu.dma_semaphore, #tpu.memory_space<semaphore_mem>>) src(%arg17 : memref<32x768xf32, #tpu.memory_space<vmem>>) dst(%dma_wait3A_522 : memref<32x768xf32, #tpu.memory_space<hbm>>)
    %mul3A_523 = arith.constant 2048 : i32
    %mul3A_524 = arith.muli %add3A, %mul3A_523 : i32
    %add3A_525 = arith.constant 2016 : i32
    %add3A_526 = arith.addi %mul3A_524, %add3A_525 : i32
    %dma_wait3A_527 = arith.constant 0 : i32
    %dma_wait3A_528 = tpu.memref_slice %arg5[%add3A_526, %dma_wait3A_527] : memref<65536x768xf32, #tpu.memory_space<hbm>> -> memref<32x768xf32, #tpu.memory_space<hbm>>
    %dma_wait3A_529 = arith.constant 0 : i32
    %dma_wait3A_530 = tpu.memref_slice %arg5[%add3A_526, %dma_wait3A_529] : memref<65536x768xf32, #tpu.memory_space<hbm>> -> memref<32x768xf32, #tpu.memory_space<hbm>>
    tpu.wait_dma2 semaphore(%arg26 : memref<!tpu.dma_semaphore, #tpu.memory_space<semaphore_mem>>) src(%arg18 : memref<32x768xf32, #tpu.memory_space<vmem>>) dst(%dma_wait3A_530 : memref<32x768xf32, #tpu.memory_space<hbm>>)
    return
  }
}

</mosaic_0001>

<sc_bundles>
// kernel: kernel.3.cloned.1.call-start
scs
__scs_entry_jumppad:
0x0: {  	(pc) =	sbr.rel $0x88, $3  }
0x1: {  	(tag) =	ssettag $0x0;
	lr =	simm.s32 $0x1  }
0x2: {  	[smem:$0x3F9E] =	sst lr;
	_ =	strace $0xD0000000  }
0x3: {  	_ = 	snop  }
0x4: {  	_ = 	snop  }
0x5: {  	_ = 	snop  }
0x6: {  	_ = 	snop  }
0x7: {  	_ = 	snop  }
__scs_overlays_trampoline_lowered:
0x8: {  	[smem:$0x3FAD] =	sst s0  }
0x9: {  	[smem:$0x3FAE] =	sst s1  }
0xa: {  	[smem:$0x3FAF] =	sst s2  }
0xb: {  	[smem:$0x3FB0] =	sst s3  }
0xc: {  	[smem:$0x3FB1] =	sst s4  }
0xd: {  	[smem:$0x3FB2] =	sst s5  }
0xe: {  	[smem:$0x3FB3] =	sst s6  }
0xf: {  	[smem:$0x3FB4] =	sst s7  }
0x10: {  	[smem:$0x3FB5] =	sst s8  }
0x11: {  	[smem:$0x3FB6] =	sst s9;
	s0 =	simm.s32 @!p0 $0x0  }
0x12: {  	s1 =	sld [smem:$0x3F9C];
	s0 =	simm.s32 @p0 $0x1  }
0x13: {  	[smem:$0x3FB7] =	sst s0;
	s0 =	simm.s32 @!p1 $0x0  }
0x14: {  	s2 =	sld [smem:$0x3F9B];
	s0 =	simm.s32 @p1 $0x1  }
0x15: {  	[smem:$0x3FB8] =	sst s0;
	s0 =	simm.s32 @!p2 $0x0  }
0x16: {  	s3 =	sld [smem:$0x3FDB];
	s0 =	simm.s32 @p2 $0x1  }
0x17: {  	s4 =	simm.s32 $0x1BF5;
	[smem:$0x3FBA] =	sst s0  }
0x18: {  	s0 =	sld [smem:$0x3F9D];
	_ =	swait.ge [sflag:s4], $0x0  }
0x19: {  	s7 =	sld [smem:$0x3F9E]  }
0x1a: {  	s8 =	sadd.s32 $0xFFFFE003, lr  }
0x1b: {  	s9 =	sadd.s32 $0xFFFFFEF7, lr;
	s5 =	simm.s32 $0xFFFFFFFF;
	p2 =	slt.u32 s8, $0xFFFFF086  }
0x1c: {  	p1 =	slt.u32 s9, $0xF7A;
	s5 =	simm.s32 @!p2 $0x0  }
0x1d: {  	s5 =	simm.s32 @p1 $0x1;
	p0 =	seq.s32 s7, s2  }
0x1e: {  	s7 =	smul.u32 @!p0 $0xF7A, s2;
	p2 =	seq.s32 @!p0 s5, $0x0  }
0x1f: {  	s9 =	smul.u32 $0xF7A, s1;
	s8 =	simm.s32 @!p0 $0x1BF5;
	p2 =	por !p2, p0  }
0x20: {  	[sflag:s8] =	ssyncset.s32 @!p0 $0xFFFFF086;
	s6 =	sadd.s32 @!p0 s3, s7;
	s7 =	simm.s32 @!p0 $0x108  }
0x21: {  	s3 =	sadd.s32 s3, s9;
	s6 =	sadd.s32 @!p0 $0x88, s6;
	s7 =	simm.s32 @p2 $0x1082  }
0x22: {  	[simem:s7], [sflag:s8] =	dma.local @!p0 [hbm:s6], $0xF7A  }
0x23: {  	s9 =	sor.u32 $0xD0000000, s2;
	s6 =	simm.s32 $0x108;
	_ =	swait.ge @!p0 [sflag:s8], $0x0  }
0x24: {  	s3 =	sadd.s32 $0x88, s3;
	s6 =	simm.s32 @!p1 $0x1082;
	[sflag:s4] =	ssyncset.s32 $0xFFFFF086  }
0x25: {  	[simem:s6], [sflag:s4] =	dma.local [hbm:s3], $0xF7A  }
0x26: {  	[smem:$0x3F9E] =	sst s1;
	(tag) =	ssettag s2;
	_ =	strace s9  }
0x27: {  	s1 =	sld [smem:$0x3FAE]  }
0x28: {  	s2 =	sld [smem:$0x3FAF]  }
0x29: {  	s4 =	sld [smem:$0x3FB1]  }
0x2a: {  	p0 =	seq.s32 s5, $0x0;
	s5 =	sld [smem:$0x3FB2]  }
0x2b: {  	s6 =	sld [smem:$0x3FB3]  }
0x2c: {  	s7 =	sld [smem:$0x3FB4]  }
0x2d: {  	s3 =	simm.s32 $0x108;
	s8 =	sld [smem:$0x3FB5]  }
0x2e: {  	s3 =	simm.s32 @!p0 $0x1082;
	s9 =	sld [smem:$0x3FB6]  }
0x2f: {  	lr =	sadd.s32 s0, s3;
	s0 =	sld [smem:$0x3FAD]  }
0x30: {  	s3 =	sld [smem:$0x3FB0]  }
0x31: {  	[smem:$0x3FB9] =	sst s10  }
0x32: {  	s10 =	sld [smem:$0x3FB7];
	_ =	sdelay $0x3  }
0x33: {  	p0 =	seq.s32 s10, $0x1;
	s10 =	sld [smem:$0x3FB9];
	_ =	sdelay $0x3  }
0x34: {  	[smem:$0x3FB9] =	sst s10  }
0x35: {  	s10 =	sld [smem:$0x3FB8];
	_ =	sdelay $0x3  }
0x36: {  	p1 =	seq.s32 s10, $0x1;
	s10 =	sld [smem:$0x3FB9];
	_ =	sdelay $0x3  }
0x37: {  	[smem:$0x3FB9] =	sst s10  }
0x38: {  	s10 =	sld [smem:$0x3FBA]  }
0x39: {  	_ = 	snop;
	(pc) =	sbr.ind lr, $3  }
0x3a: {  	_ = 	snop  }
0x3b: {  	_ = 	snop  }
0x3c: {  	p2 =	seq.s32 s10, $0x1;
	s10 =	sld [smem:$0x3FB9]  }
0x3d: {  	_ =	shalt  }
0x3e: {  	_ =	shalt  }
0x3f: {  	_ =	shalt  }
0x40: {  	_ =	shalt  }
0x41: {  	_ =	shalt  }
0x42: {  	_ =	shalt  }
0x43: {  	_ =	shalt  }
0x44: {  	_ =	shalt  }
0x45: {  	_ =	shalt  }
0x46: {  	_ =	shalt  }
0x47: {  	_ =	shalt  }
0x48: {  	_ =	shalt  }
0x49: {  	_ =	shalt  }
0x4a: {  	_ =	shalt  }
0x4b: {  	_ =	shalt  }
0x4c: {  	_ =	shalt  }
0x4d: {  	_ =	shalt  }
0x4e: {  	_ =	shalt  }
0x4f: {  	_ =	shalt  }
0x50: {  	_ =	shalt  }
0x51: {  	_ =	shalt  }
0x52: {  	_ =	shalt  }
0x53: {  	_ =	shalt  }
0x54: {  	_ =	shalt  }
0x55: {  	_ =	shalt  }
0x56: {  	_ =	shalt  }
0x57: {  	_ =	shalt  }
0x58: {  	_ =	shalt  }
0x59: {  	_ =	shalt  }
0x5a: {  	_ =	shalt  }
0x5b: {  	_ =	shalt  }
0x5c: {  	_ =	shalt  }
0x5d: {  	_ =	shalt  }
0x5e: {  	_ =	shalt  }
0x5f: {  	_ =	shalt  }
0x60: {  	_ =	shalt  }
0x61: {  	_ =	shalt  }
0x62: {  	_ =	shalt  }
0x63: {  	_ =	shalt  }
0x64: {  	_ =	shalt  }
0x65: {  	_ =	shalt  }
0x66: {  	_ =	shalt  }
0x67: {  	_ =	shalt  }
0x68: {  	_ =	shalt  }
0x69: {  	_ =	shalt  }
0x6a: {  	_ =	shalt  }
0x6b: {  	_ =	shalt  }
0x6c: {  	_ =	shalt  }
0x6d: {  	_ =	shalt  }
0x6e: {  	_ =	shalt  }
0x6f: {  	_ =	shalt  }
0x70: {  	_ =	shalt  }
0x71: {  	_ =	shalt  }
0x72: {  	_ =	shalt  }
0x73: {  	_ =	shalt  }
0x74: {  	_ =	shalt  }
0x75: {  	_ =	shalt  }
0x76: {  	_ =	shalt  }
0x77: {  	_ =	shalt  }
0x78: {  	_ =	shalt  }
0x79: {  	_ =	shalt  }
0x7a: {  	_ =	shalt  }
0x7b: {  	_ =	shalt  }
0x7c: {  	_ =	shalt  }
0x7d: {  	_ =	shalt  }
0x7e: {  	_ =	shalt  }
0x7f: {  	_ =	shalt  }
0x80: {  	_ =	shalt  }
0x81: {  	_ =	shalt  }
0x82: {  	_ =	shalt  }
0x83: {  	_ =	shalt  }
0x84: {  	_ =	shalt  }
0x85: {  	_ =	shalt  }
0x86: {  	_ =	shalt  }
0x87: {  	_ =	shalt  }
.Lfunc_end0:
.L_simem_size_0:
called_computation_lowered:
.L_overlay_start_0:
0x88: {  	s2 =	sld [smem:$0x3FD9]  }
0x89: {  	s3 =	sld [smem:$0x3FFE];
	_ =	sdelay $0x1  }
0x8a: {  	s1 =	srdreg.scid  }
0x8b: {  	s0 =	sand.u32 $0x1, s1  }
0x8c: {  	s17 =	sshll.u32 s0, $0xA;
	s2 =	sadd.s32 s3, s2  }
0x8d: {  	s2 =	sadd.s32 s2, s17  }
0x8e: {  	[smem:$0x3FC5] =	sst s2  }
0x8f: {  	_ = 	snop  }
0x90: {  	s2 =	sld [smem:$0x3FC8]  }
0x91: {  	s18 =	sld [smem:$0x3FC7]  }
0x92: {  	s4 =	sld [smem:$0x3FD0];
	(tm) =	ssettm $0x1  }
0x93: {  	s5 =	sld [smem:$0x3FFB];
	_ =	sdelay $0x3  }
0x94: {  	_ =	strace s5  }
0x95: {  	s5 =	sld [smem:$0x3FFC];
	_ =	sdelay $0x3  }
0x96: {  	_ =	strace s5  }
0x97: {  	s5 =	sld [smem:$0x3FFD];
	_ =	sdelay $0x3  }
0x98: {  	_ =	strace s5  }
0x99: {  	_ =	strace $0x8FFFFFFF  }
0x9a: {  	s19 =	sld [smem:$0x3FDB];
	_ =	sdelay $0x1  }
0x9b: {  	s6 =	simm.s32 $_scs_section_size  }
0x9c: {  	s7 =	simm.s32 $_size__tile_overlayer_lowered;
	s8 =	simm.s32 $_tile_overlayer_lowered  }
0x9d: {  	s22 =	simm.s32 $0x1BFF;
	s21 =	sshll.u32 s8, $0x1;
	s5 =	sadd.s32 s6, s19  }
0x9e: {  	s9 =	simm.s32 $0x0;
	s20 =	sshll.u32 s7, $0x1;
	s7 =	sadd.s32 s21, s5  }
0x9f: {  	[timem:s9], [sflag:s22] =	dma.local [hbm:s7], s20  }
0xa0: {  	_ =	swait.ge [sflag:s22], s20  }
0xa1: {  	s6 =	ssub.s32 $0x0, s20;
	[sflag:s22] =	ssyncset.done $0x0  }
0xa2: {  	[sflag:s22] =	ssyncadd.s32 s6;
	_ =	sdelay $0x1  }
0xa3: {  	s23 =	simm.s32 $0x1B8B  }
0xa4: {  	_ =	swait.ge [sflag:s23], $0x1  }
0xa5: {  	[sflag:s23] =	ssyncset.done $0x0  }
0xa6: {  	s25 =	simm.s32 $0x1B8E;
	s24 =	sld [smem:$0x3FFE];
	[sflag:s23] =	ssyncadd.s32 $0xFFFFFFFF  }
0xa7: {  	s26 =	simm.s32 $execute0_lowered;
	[smem:$0x3FD2] =	sst s25  }
0xa8: {  	s7 =	sshll.u32 s26, $0x1;
	_ =	strace $0x80000046;
	[dreg:$0x1] =	wrdreg $0xFFFFFFFF  }
0xa9: {  	s28 =	simm.s32 $_size_execute0_lowered;
	s5 =	sadd.s32 s5, s7;
	[dreg:$0x0] =	wrdreg $0x0  }
0xaa: {  	s7 =	sshll.u32 s28, $0x1;
	[dreg:$0x2] =	wrdreg s5  }
0xab: {  	[dreg:$0x3] =	wrdreg s7  }
0xac: {  	[dreg:$0x4] =	wrdreg $0xC0  }
0xad: {  	_ =	task [dreg:s9], $0x5FFFF  }
0xae: {  	[dreg:$0x1] =	wrdreg $0xFFFFFFFF  }
0xaf: {  	[dreg:$0x0] =	wrdreg $0x60  }
0xb0: {  	[dreg:$0x2] =	wrdreg s24  }
0xb1: {  	[dreg:$0x3] =	wrdreg s2  }
0xb2: {  	[dreg:$0x4] =	wrdreg s18  }
0xb3: {  	[dreg:$0x5] =	wrdreg s4  }
0xb4: {  	[dreg:$0x6] =	wrdreg $0x9  }
0xb5: {  	_ =	task.clear_ibuf [dreg:s9], $0x7FFFF;
	_ =	strace $0x90000046  }
0xb6: {  	s29 =	simm.s32 $0x9;
	_ =	strace $0x80000048  }
0xb7: {  	_ =	swait.ge [sflag:s29], $0x1  }
0xb8: {  	[sflag:s29] =	ssyncadd.s32 $0xFFFFFFFF  }
0xb9: {  	_ =	strace $0x90000048  }
0xba: {  	_ =	sfence  }
0xbb: {  	s30 =	sld [smem:$0x0];
	_ =	sdelay $0x2  }
0xbc: {  	s31 =	sshll.u32 s1, $0xD;
	s1 =	sshrl.u32 s1, $0x2  }
0xbd: {  	s3 =	sand.u32 $0x4000, s31;
	s1 =	sadd.s32 s1, s30  }
0xbe: {  	s0 =	sor.u32 s3, s0;
	s1 =	sshll.u32 s1, $0x11  }
0xbf: {  	s0 =	sor.u32 s1, s0  }
0xc0: {  	s0 =	sadd.s32 $0x8F2B, s0  }
0xc1: {  	[sflag:s0] =	ssyncadd.remote.s32 $0x1  }
0xc2: {  	_ =	sfence.sel $0xFFFF  }
0xc3: {  	[dreg:$0x0] =	wrdreg $0xFFFFFFFF;
	(pc) =	sbr.abs _section_cstart, $3  }
0xc4: {  	[dreg:$0x1] =	wrdreg $0xFFFFFFFF  }
0xc5: {  	_ =	task.clear_ibuf [dreg:s9], $0x2FFFF;
	_ =	strace $0x9FFFFFFF  }
0xc6: {  	(tm) =	ssettm $0x7FFFFFFF  }
0xc7: {  	_ =	shalt  }
tec
execute0_lowered:
.L_overlay_start_1:
0x0: {  	(tag) =	ssettag $0x1  }
0x1: {  	s0 =	rddreg [dreg:$0x0]  }
0x2: {  	s14 =	rddreg [dreg:$0x1]  }
0x3: {  	s15 =	rddreg [dreg:$0x2];
	s4 =	simm.s32 $0x0;
	s1 =	srdreg.scid  }
0x4: {  	s16 =	stileid.u32;
	s29 =	simm.s32 $0x2000;
	s31 =	simm.s32 $0x3A80  }
0x5: {  	s28 =	simm.s32 $0xA280;
	s30 =	simm.s32 $0x8;
	[smem:$0x7FF] =	sst s4  }
0x6: {  	s1 =	sand.u32 $0x1, s1;
	s2 =	sadd.s32 $0x800, s0;
	s6 =	sadd.s32 $0x4800, s0  }
0x7: {  	s7 =	sadd.s32 $0x24600, s0;
	s25 =	sshll.u32 s16, $0x1;
	s10 =	smul.u32 $0x3, s16  }
0x8: {  	s9 =	sshll.u32 s16, $0xA;
	s12 =	smul.u32 $0x78, s16;
	s17 =	sadd.s32 $0x100, s14  }
0x9: {  	s19 =	sadd.s32 $0x100, s15;
	p0 =	sgt.u32 s16, $0xB;
	_ =	strace $0x80000047  }
0xa: {  	v9 =	vimm.s32 $0xEFCDAB89;
	v10 =	vimm.s32 $0x67452301;
	v11 =	vimm.s32 $0xDCFE98BA;
	s3 =	ssub.s32 $0x2, s1;
	s8 =	sor.u32 s1, s25;
	[dreg:$0x8] =	wrdreg s17  }
0xb: {  	v12 =	vimm.s32 $0x54761032;
	v13 =	vimm.s32 $0xBA98FEDC;
	v14 =	vimm.s32 $0x32107654;
	s11 =	sshll.u32 s1, $0x5;
	s9 =	sadd.s32 s2, s9;
	[dreg:$0x9] =	wrdreg s19  }
0xc: {  	v15 =	vimm.s32 $0xFEDCBA98;
	s1 =	sshll.u32 s1, $0xB;
	s17 =	sadd.s32 $0x4900, s0;
	s19 =	sadd.s32 $0x4A00, s0  }
0xd: {  	v16 =	vimm.s32 $0x76543210;
	vm2 =	vmmov $0xffff;
	v9 =	vunpack.c.l.s4.s8 v9;
	p1 =	seq.s32 @!p0 s16, $0xB;
	s5 =	sshrl.u32 s3, $0x1;
	[dreg:$0x5] =	wrdreg s9  }
0xe: {  	v10 =	vunpack.c.l.s4.s8 v10;
	v11 =	vunpack.c.l.s4.s8 v11;
	v12 =	vunpack.c.l.s4.s8 v12;
	s8 =	sshll.u32 s8, $0x9;
	s26 =	sshrl.u32 s12, $0x3;
	s21 =	sadd.s32 $0x50, s12  }
0xf: {  	v13 =	vunpack.c.l.s4.s8 v13;
	v14 =	vunpack.c.l.s4.s8 v14;
	v15 =	vunpack.c.l.s4.s8 v15;
	s9 =	sadd.s32 s7, s11;
	p1 =	por p0, p1;
	s3 =	ssub.s32 s3, s5  }
0x10: {  	v16 =	vunpack.c.l.s4.s8 v16;
	vm0 =	vmmov @!p0 $0xffff;
	vm1 =	vmmov @!p0 $0xff;
	s5 =	sadd.s32 s7, s25;
	s2 =	sadd.s32 s2, s8;
	s18 =	smul.u32 $0x300, s26  }
0x11: {  	v0 =	vmov s10;
	v9 =	vunpack.c.0.s8.s32 v9;
	v10 =	vunpack.c.0.s8.s32 v10;
	s24 =	sshrl.u32 s21, $0x3;
	s25 =	sshll.u32 s16, $0xC;
	[dreg:$0xe] =	wrdreg s9  }
0x12: {  	v11 =	vunpack.c.0.s8.s32 v11;
	v12 =	vunpack.c.0.s8.s32 v12;
	v13 =	vunpack.c.0.s8.s32 v13;
	s9 =	simm.s32 $0x9A80;
	s7 =	simm.s32 $0x4;
	s5 =	sadd.s32 s11, s5  }
0x13: {  	v14 =	vunpack.c.0.s8.s32 v14;
	v15 =	vunpack.c.0.s8.s32 v15;
	v3 =	vshrl.u32 v0, $0x3;
	[dreg:$0x7] =	wrdreg s2;
	s8 =	smul.u32 $0x300, s24;
	s1 =	sor.u32 s1, s25  }
0x14: {  	v16 =	vunpack.c.0.s8.s32 v16;
	v5 =	vand.u32 $0x7, v0;
	s25 =	sadd.s32 $0x2, s10;
	v3 =	vmul.u32 $0x18, v3;
	[dreg:$0x6] =	wrdreg s5;
	s5 =	sadd.s32 $0x1, s10  }
0x15: {  	v11 =	vcombine.low v12, v11;
	v12 =	vcombine.low v14, v13;
	v13 =	vand.u32 $0xF, v15;
	s22 =	sadd.s32 s6, s18;
	s11 =	sor.u32 $0x60, s1;
	s15 =	sor.u32 $0x20, s1  }
0x16: {  	v9 =	vcombine.low v10, v9;
	v2 =	vmov s25;
	v13 =	vcombine.low v13, v16;
	s25 =	simm.s32 $0x2;
	s10 =	simm.s32 $0x6;
	s13 =	smul.u32 $0x28, s5  }
0x17: {  	[dreg:$0xa] =	wrdreg s22;
	s12 =	sadd.s32 $0xC00, s22;
	s8 =	sadd.s32 s6, s8;
	v1 =	vmov s5;
	v7 =	vshrl.u32 v2, $0x3;
	v3 =	vor.u32 v5, v3  }
0x18: {  	s2 =	sshrl.u32 s11, $0x3;
	s21 =	sshrl.u32 s15, $0x3;
	s22 =	sshrl.u32 s1, $0x3;
	v5 =	vlaneseq.u32;
	v4 =	vshrl.u32 v1, $0x3;
	v6 =	vand.u32 $0x7, v1  }
0x19: {  	s5 =	simm.s32 $0x15A80;
	s15 =	simm.s32 $0x3;
	s18 =	smul.u32 $0x300, s2;
	v8 =	vor.u32 $0x20, v5;
	v10 =	vmul.u32 $0x2, v5;
	v18 =	vshrl.u32 v5, $0x3  }
0x1a: {  	[dreg:$0xb] =	wrdreg s12;
	s21 =	smul.u32 $0x300, s21;
	v17 =	vand.u32 $0x7, v5;
	v19 =	vor.u32 $0x8, v5;
	s20 =	sshrl.u32 s13, $0x3;
	v4 =	vmul.u32 $0x18, v4  }
0x1b: {  	s11 =	simm.s32 $0x7;
	[dreg:$0xd] =	wrdreg s8;
	v18 =	vmul.u32 $0x8, v18;
	s23 =	smul.u32 $0x300, s20;
	v14 =	vor.u32 $0x1, v10;
	v15 =	vor.u32 $0x20, v10  }
0x1c: {  	s2 =	simm.s32 $0x9;
	s13 =	sor.u32 $0x40, s1;
	s1 =	simm.s32 $0x0;
	v16 =	vor.u32 $0x21, v10;
	v20 =	vor.u32 $0x40, v10;
	v21 =	vor.u32 $0x41, v10  }
.Ltmp0:
0x1d: {  	v22 =	vor.u32 $0x60, v10;
	v23 =	vor.u32 $0x61, v10;
	v24 =	vor.u32 $0x80, v10;
	s26 =	sadd.s32 s6, s23;
	s23 =	smax.u32 s3, $0x1;
	(pc) =	sbr.rel .LBB2_1-.Ltmp0, $4  }
0x1e: {  	s14 =	sshrl.u32 s13, $0x3;
	s13 =	simm.s32 $0x5;
	v25 =	vor.u32 $0x81, v10;
	v26 =	vor.u32 $0xA0, v10;
	v27 =	vor.u32 $0xA1, v10;
	[dreg:$0xf] =	wrdreg s23  }
0x1f: {  	v28 =	vor.u32 $0xC0, v10;
	s20 =	smul.u32 $0x300, s14;
	v4 =	vor.u32 v6, v4;
	v6 =	vmul.u32 $0x18, v7;
	[dreg:$0xc] =	wrdreg s26;
	s24 =	sadd.s32 $0xC00, s26  }
0x20: {  	v29 =	vor.u32 $0xC1, v10;
	v30 =	vor.u32 $0xE0, v10;
	v7 =	vand.u32 $0x7, v2;
	s23 =	smul.u32 $0x300, s22;
	s26 =	sadd.s32 $0xC00, s8;
	[dreg:$0x10] =	wrdreg s24  }
0x21: {  	v31 =	vor.u32 $0xE1, v10;
	v6 =	vor.u32 v7, v6;
	v7 =	vor.u32 $0x10, v5;
	s22 =	simm.s32 $0xFA80;
	[dreg:$0x11] =	wrdreg s26;
	s24 =	simm.s32 $0x1  }
.LBB2_14:
0x22: {  	_ =	swait.ge [sflag:s13], $0x6000  }
0x23: {  	[sflag:s13] =	ssyncset.done $0x0  }
0x24: {  	[sflag:s13] =	ssyncadd.s32 $0xFFFFA000  }
0x25: {  	_ =	swait.ge [sflag:s10], $0x6000  }
0x26: {  	[sflag:s10] =	ssyncset.done $0x0  }
0x27: {  	[sflag:s10] =	ssyncadd.s32 $0xFFFFA000  }
0x28: {  	_ =	swait.ge [sflag:s11], $0x6000  }
0x29: {  	[sflag:s11] =	ssyncset.done $0x0  }
0x2a: {  	[sflag:s11] =	ssyncadd.s32 $0xFFFFA000  }
0x2b: {  	_ =	swait.ge [sflag:s30], $0x6000  }
0x2c: {  	s1 =	rddreg [dreg:$0x12]  }
0x2d: {  	s0 =	rddreg [dreg:$0xf];
	s1 =	sadd.s32 $0x1, s1  }
0x2e: {  	p2 =	sne.s32 s1, s0  }
.Ltmp1:
0x2f: {  	_ = 	snop;
	(pc) =	sbr.rel @!p2 .LBB2_15-.Ltmp1, $3  }
0x30: {  	_ =	sdelay $0x1  }
0x31: {  	[sflag:s30] =	ssyncset.done $0x0  }
0x32: {  	[sflag:s30] =	ssyncadd.s32 $0xFFFFA000  }
.LBB2_1:
0x33: {  	[dreg:$0x12] =	wrdreg s1  }
0x34: {  	s26 =	rddreg [dreg:$0x5]  }
0x35: {  	[tilespmem:s4], [sflag:$0x9] =	stream.linear.gather [hbm4b:s26+s4], $0x2000, $0x38;
	[tilespmem:$0x1BA80] =	vst v63  }
0x36: {  	_ =	swait.ge [sflag:s2], $0x2000  }
0x37: {  	[sflag:s2] =	ssyncset.done $0x0  }
0x38: {  	s14 =	simm.s32 $0x0;
	[sflag:s2] =	ssyncadd.s32 $0xFFFFE000  }
0x39: {  	v33 =	vld [tilespmem:s14+$0x30]  }
0x3a: {  	v34 =	vld [tilespmem:s14+$0x0]  }
0x3b: {  	v32 =	vimm.f32 $-Inf;
	v35 =	vld [tilespmem:s14+$0x10]  }
0x3c: {  	s8 =	simm.s32 $0x100;
	v37 =	vimm.f32 $-Inf;
	v38 =	vimm.f32 $-Inf;
	v39 =	vimm.f32 $-Inf;
	v36 =	vld [tilespmem:s14+$0x20]  }
.LBB2_2:
0x3d: {  	p2 =	sne.s32 s8, $0x7F00  }
.Ltmp2:
0x3e: {  	s14 =	sshra.s32 s8, $0x2;
	s8 =	sadd.s32 $0x100, s8;
	v32 =	vmax.f32 v32, v33;
	(pc) =	sbr.rel @p2 .LBB2_2-.Ltmp2, $4  }
0x3f: {  	v33 =	vld [tilespmem:s14+$0x30];
	v37 =	vmax.f32 v37, v34  }
0x40: {  	v34 =	vld [tilespmem:s14+$0x0];
	v38 =	vmax.f32 v38, v35  }
0x41: {  	v35 =	vld [tilespmem:s14+$0x10];
	v39 =	vmax.f32 v39, v36  }
0x42: {  	v36 =	vld [tilespmem:s14+$0x20]  }
0x43: {  	_ =	sdelay $0x2  }
0x44: {  	v32 =	vmax.f32 v32, v33  }
0x45: {  	v61 =	vmax.f32 v37, v34;
	v62 =	vmax.f32 v38, v35;
	v63 =	vmax.f32 v39, v36  }
0x46: {  	v33 =	vmax.f32 v61, v62;
	v32 =	vmax.f32 v63, v32  }
0x47: {  	v32 =	vmax.f32 v33, v32  }
0x48: {  	s1 =	rddreg [dreg:$0x6];
	s0 =	simm.s32 $0x3900;
	[tilespmem:$0x3900] =	vst v32  }
0x49: {  	[hbm4b:s1+s4] =	stream.linear.scatter [tilespmem:s0], [sflag:$0x9], $0x10, $0x38;
	[tilespmem:$0x1BA80] =	vst v63  }
0x4a: {  	_ =	swait.ge [sflag:s2], $0x10  }
0x4b: {  	[sflag:s2] =	ssyncset.done $0x0  }
0x4c: {  	s26 =	rddreg [dreg:$0x7];
	[sflag:s2] =	ssyncadd.s32 $0xFFFFFFF0  }
0x4d: {  	[tilespmem:s29], [sflag:$0x9] =	stream.linear.gather [hbm4b:s26+s4], $0x1000, $0x38;
	[tilespmem:$0x1BA80] =	vst v63  }
0x4e: {  	v32 =	vlaneseq.u32 @!p0;
	_ =	swait.ge [sflag:s2], $0x1000  }
0x4f: {  	v33 =	vand.u32 @!p0 $0x7, v32;
	v34 =	vshrl.u32 @!p0 v32, $0x3;
	[sflag:s2] =	ssyncset.done $0x0  }
0x50: {  	v35 =	vperm.xlane @!p0 v3, v33;
	v34 =	vmul.u32 @!p0 $0x8, v34;
	[sflag:s2] =	ssyncadd.s32 $0xFFFFF000  }
0x51: {  	[tilespmem:$0x3880] =	vst v5  }
0x52: {  	v35 =	vadd.s32 @!p0 v34, v35;
	[tilespmem:$0x3890] =	vst v7  }
0x53: {  	v32 =	vor.u32 @!p0 $0x8, v32;
	[tilespmem:$0x38A0] =	vst v8  }
0x54: {  	v36 =	vperm.xlane @!p0 v3, v32;
	[tilespmem:$0x3800] =	vst @!p0 v0  }
0x55: {  	[tilespmem:$0x3810] =	vst @!p0 v0  }
0x56: {  	s8 =	simm.s32 @!p0 $0x0;
	s14 =	simm.s32 @!p0 $0x3A80;
	v36 =	vadd.s32 @!p0 v34, v36;
	[tilespmem:$0x3820] =	vst @!p0 v0;
	s1 =	rddreg [dreg:$0x1]  }
0x57: {  	[tilespmem:s14], [sflag:$0x1] =	stream.indirect_vreg.gather @!p0 [hbm4b:s1+s8], $0x80, v35, vm0, $0xb8;
	[tilespmem:$0x1BA80] =	vst v63  }
0x58: {  	s16 =	simm.s32 @!p0 $0x4280;
	s0 =	rddreg [dreg:$0x8]  }
0x59: {  	[tilespmem:s16], [sflag:$0x1] =	stream.indirect_vreg.gather @!p0 [hbm4b:s0+s8], $0x80, v35, vm1, $0xb8;
	[tilespmem:$0x1BA80] =	vst v63  }
0x5a: {  	s16 =	simm.s32 @!p0 $0x5280  }
0x5b: {  	[tilespmem:s16], [sflag:$0x1] =	stream.indirect_vreg.gather @!p0 [hbm4b:s1+s8], $0x80, v36, vm0, $0xb8;
	[tilespmem:$0x1BA80] =	vst v63  }
0x5c: {  	s16 =	simm.s32 @!p0 $0x5A80  }
0x5d: {  	[tilespmem:s16], [sflag:$0x1] =	stream.indirect_vreg.gather @!p0 [hbm4b:s0+s8], $0x80, v36, vm1, $0xb8;
	[tilespmem:$0x1BA80] =	vst v63  }
0x5e: {  	v35 =	vld @!p0 [tilespmem:$0x3810];
	_ =	sdelay $0x4  }
0x5f: {  	v36 =	vshrl.u32 @!p0 v35, $0x3  }
0x60: {  	v36 =	vmul.u32 @!p0 $0x18, v36  }
0x61: {  	v35 =	vand.u32 @!p0 $0x7, v35  }
0x62: {  	v35 =	vor.u32 @!p0 v35, v36  }
0x63: {  	v36 =	vperm.xlane @!p0 v35, v33;
	_ =	sdelay $0x1  }
0x64: {  	v36 =	vadd.s32 @!p0 v34, v36;
	_ =	sdelay $0x1  }
0x65: {  	v35 =	vperm.xlane @!p0 v35, v32;
	_ =	sdelay $0x1  }
0x66: {  	s16 =	simm.s32 @!p0 $0x6A80;
	v35 =	vadd.s32 @!p0 v34, v35  }
0x67: {  	[tilespmem:s16], [sflag:$0x1] =	stream.indirect_vreg.gather @!p0 [hbm4b:s1+s8], $0x80, v36, vm0, $0xb8;
	[tilespmem:$0x1BA80] =	vst v63  }
0x68: {  	s16 =	simm.s32 @!p0 $0x7280  }
0x69: {  	[tilespmem:s16], [sflag:$0x1] =	stream.indirect_vreg.gather @!p0 [hbm4b:s0+s8], $0x80, v36, vm1, $0xb8;
	[tilespmem:$0x1BA80] =	vst v63  }
0x6a: {  	s16 =	simm.s32 @!p0 $0x8280  }
0x6b: {  	[tilespmem:s16], [sflag:$0x1] =	stream.indirect_vreg.gather @!p0 [hbm4b:s1+s8], $0x80, v35, vm0, $0xb8;
	[tilespmem:$0x1BA80] =	vst v63  }
0x6c: {  	s16 =	simm.s32 @!p0 $0x8A80  }
0x6d: {  	[tilespmem:s16], [sflag:$0x1] =	stream.indirect_vreg.gather @!p0 [hbm4b:s0+s8], $0x80, v35, vm1, $0xb8;
	[tilespmem:$0x1BA80] =	vst v63  }
0x6e: {  	v35 =	vld @!p0 [tilespmem:$0x3880];
	_ =	sdelay $0x4  }
0x6f: {  	v36 =	vshrl.u32 @!p0 v35, $0x3  }
0x70: {  	v36 =	vmul.u32 @!p0 $0x18, v36  }
0x71: {  	v35 =	vand.u32 @!p0 $0x7, v35  }
0x72: {  	v35 =	vor.u32 @!p0 v35, v36  }
0x73: {  	v36 =	vperm.xlane @!p0 v35, v33;
	_ =	sdelay $0x1  }
0x74: {  	v36 =	vadd.s32 @!p0 v34, v36;
	_ =	sdelay $0x1  }
0x75: {  	v35 =	vperm.xlane @!p0 v35, v32;
	_ =	sdelay $0x1  }
0x76: {  	s12 =	rddreg [dreg:$0x2];
	s16 =	simm.s32 @!p0 $0x4680;
	v35 =	vadd.s32 @!p0 v34, v35  }
0x77: {  	[tilespmem:s16], [sflag:$0x1] =	stream.indirect_vreg.gather @!p0 [hbm4b:s12+s8], $0x80, v36, vm0, $0xb8;
	[tilespmem:$0x1BA80] =	vst v63  }
0x78: {  	s2 =	rddreg [dreg:$0x9];
	s16 =	simm.s32 @!p0 $0x4E80  }
0x79: {  	[tilespmem:s16], [sflag:$0x1] =	stream.indirect_vreg.gather @!p0 [hbm4b:s2+s8], $0x80, v36, vm1, $0xb8;
	[tilespmem:$0x1BA80] =	vst v63  }
0x7a: {  	s16 =	simm.s32 @!p0 $0x5E80  }
0x7b: {  	[tilespmem:s16], [sflag:$0x1] =	stream.indirect_vreg.gather @!p0 [hbm4b:s12+s8], $0x80, v35, vm0, $0xb8;
	[tilespmem:$0x1BA80] =	vst v63  }
0x7c: {  	s16 =	simm.s32 @!p0 $0x6680  }
0x7d: {  	[tilespmem:s16], [sflag:$0x1] =	stream.indirect_vreg.gather @!p0 [hbm4b:s2+s8], $0x80, v35, vm1, $0xb8;
	[tilespmem:$0x1BA80] =	vst v63  }
0x7e: {  	v35 =	vld @!p0 [tilespmem:$0x3890];
	_ =	sdelay $0x4  }
0x7f: {  	v36 =	vshrl.u32 @!p0 v35, $0x3  }
0x80: {  	v36 =	vmul.u32 @!p0 $0x18, v36  }
0x81: {  	v35 =	vand.u32 @!p0 $0x7, v35  }
0x82: {  	v35 =	vor.u32 @!p0 v35, v36  }
0x83: {  	v36 =	vperm.xlane @!p0 v35, v33;
	_ =	sdelay $0x1  }
0x84: {  	v36 =	vadd.s32 @!p0 v34, v36;
	_ =	sdelay $0x1  }
0x85: {  	v32 =	vperm.xlane @!p0 v35, v32;
	_ =	sdelay $0x1  }
0x86: {  	s16 =	simm.s32 @!p0 $0x7680;
	v32 =	vadd.s32 @!p0 v34, v32  }
0x87: {  	[tilespmem:s16], [sflag:$0x1] =	stream.indirect_vreg.gather @!p0 [hbm4b:s12+s8], $0x80, v36, vm0, $0xb8;
	[tilespmem:$0x1BA80] =	vst v63  }
0x88: {  	s16 =	simm.s32 @!p0 $0x7E80  }
0x89: {  	[tilespmem:s16], [sflag:$0x1] =	stream.indirect_vreg.gather @!p0 [hbm4b:s2+s8], $0x80, v36, vm1, $0xb8;
	[tilespmem:$0x1BA80] =	vst v63  }
0x8a: {  	s16 =	simm.s32 @!p0 $0x8E80  }
0x8b: {  	[tilespmem:s16], [sflag:$0x1] =	stream.indirect_vreg.gather @!p0 [hbm4b:s12+s8], $0x80, v32, vm0, $0xb8;
	[tilespmem:$0x1BA80] =	vst v63  }
0x8c: {  	s16 =	simm.s32 @!p0 $0x9680  }
0x8d: {  	[tilespmem:s16], [sflag:$0x1] =	stream.indirect_vreg.gather @!p0 [hbm4b:s2+s8], $0x80, v32, vm1, $0xb8;
	[tilespmem:$0x1BA80] =	vst v63  }
0x8e: {  	v32 =	vld.msk @!p0 [tilespmem:$0x3820], $0xff;
	_ =	sdelay $0x4  }
0x8f: {  	v35 =	vshrl.u32 @!p0 v32, $0x3  }
0x90: {  	v35 =	vmul.u32 @!p0 $0x18, v35  }
0x91: {  	v32 =	vand.u32 @!p0 $0x7, v32  }
0x92: {  	v32 =	vor.u32 @!p0 v32, v35  }
0x93: {  	v32 =	vperm.xlane @!p0 v32, v33;
	_ =	sdelay $0x1  }
0x94: {  	v32 =	vadd.s32 @!p0 v34, v32;
	_ =	sdelay $0x3  }
0x95: {  	s16 =	simm.s32 @!p0 $0x9A80  }
0x96: {  	[tilespmem:s16], [sflag:$0x2] =	stream.indirect_vreg.gather @!p0 [hbm4b:s1+s8], $0x80, v32, vm0, $0xb8;
	[tilespmem:$0x1BA80] =	vst v63  }
0x97: {  	s26 =	simm.s32 @!p0 $0xA280  }
0x98: {  	[tilespmem:s26], [sflag:$0x2] =	stream.indirect_vreg.gather @!p0 [hbm4b:s0+s8], $0x80, v32, vm1, $0xb8;
	[tilespmem:$0x1BA80] =	vst v63  }
0x99: {  	v32 =	vld.msk @!p0 [tilespmem:$0x38A0], $0xff;
	_ =	sdelay $0x4  }
0x9a: {  	v35 =	vshrl.u32 @!p0 v32, $0x3  }
0x9b: {  	v35 =	vmul.u32 @!p0 $0x18, v35  }
0x9c: {  	v32 =	vand.u32 @!p0 $0x7, v32  }
0x9d: {  	v32 =	vor.u32 @!p0 v32, v35  }
0x9e: {  	v32 =	vperm.xlane @!p0 v32, v33;
	_ =	sdelay $0x1  }
0x9f: {  	v32 =	vadd.s32 @!p0 v34, v32;
	_ =	sdelay $0x3  }
0xa0: {  	s26 =	simm.s32 @!p0 $0xA680  }
0xa1: {  	[tilespmem:s26], [sflag:$0x2] =	stream.indirect_vreg.gather @!p0 [hbm4b:s12+s8], $0x80, v32, vm0, $0xb8;
	[tilespmem:$0x1BA80] =	vst v63  }
0xa2: {  	s26 =	simm.s32 @!p0 $0xAE80  }
0xa3: {  	[tilespmem:s26], [sflag:$0x2] =	stream.indirect_vreg.gather @!p0 [hbm4b:s2+s8], $0x80, v32, vm1, $0xb8;
	[tilespmem:$0x1BA80] =	vst v63  }
0xa4: {  	s26 =	simm.s32 @!p0 $0x1  }
0xa5: {  	_ =	swait.ge @!p0 [sflag:s26], $0x3000  }
0xa6: {  	[sflag:s26] =	ssyncset.done @!p0 $0x0  }
0xa7: {  	[sflag:s26] =	ssyncadd.s32 @!p0 $0xFFFFD000  }
0xa8: {  	_ =	swait.ge @!p0 [sflag:s26], $0x3000  }
0xa9: {  	[sflag:s26] =	ssyncset.done @!p0 $0x0  }
0xaa: {  	[sflag:s26] =	ssyncadd.s32 @!p0 $0xFFFFD000;
	s26 =	simm.s32 @!p0 $0x2  }
0xab: {  	_ =	swait.ge @!p0 [sflag:s26], $0xC00  }
0xac: {  	[sflag:s26] =	ssyncset.done @!p0 $0x0  }
0xad: {  	[sflag:s26] =	ssyncadd.s32 @!p0 $0xFFFFF400  }
0xae: {  	_ =	swait.ge @!p0 [sflag:s26], $0xC00  }
0xaf: {  	[sflag:s26] =	ssyncset.done @!p0 $0x0  }
0xb0: {  	s0 =	rddreg [dreg:$0xa];
	[sflag:s26] =	ssyncadd.s32 @!p0 $0xFFFFF400  }
0xb1: {  	[hbm4b:s0+s8] =	stream.linear.scatter @!p0 [tilespmem:s14], [sflag:$0x9], $0x6000, $0x38;
	[tilespmem:$0x1BA80] =	vst v63  }
0xb2: {  	s14 =	simm.s32 @!p0 $0x9  }
0xb3: {  	_ =	swait.ge @!p0 [sflag:s14], $0x6000  }
0xb4: {  	[sflag:s14] =	ssyncset.done @!p0 $0x0  }
.Ltmp3:
0xb5: {  	s0 =	rddreg [dreg:$0xb];
	[sflag:s14] =	ssyncadd.s32 @!p0 $0xFFFFA000;
	(pc) =	sbr.rel @p1 .LBB2_5-.Ltmp3, $4  }
0xb6: {  	[hbm4b:s0+s8] =	stream.linear.scatter @!p0 [tilespmem:s16], [sflag:$0x9], $0x1800, $0x38;
	[tilespmem:$0x1BA80] =	vst v63  }
0xb7: {  	_ =	swait.ge @!p0 [sflag:s14], $0x1800  }
0xb8: {  	[sflag:s14] =	ssyncset.done @!p0 $0x0  }
0xb9: {  	s3 =	simm.s32 $0x9;
	[sflag:s14] =	ssyncadd.s32 @!p0 $0xFFFFE800  }
0xba: {  	v32 =	vperm.xlane v4, v17;
	_ =	sdelay $0x1  }
0xbb: {  	v32 =	vadd.s32 v18, v32;
	_ =	sdelay $0x1  }
0xbc: {  	[tilespmem:$0x3800] =	vst v1;
	v33 =	vperm.xlane v4, v19  }
0xbd: {  	[tilespmem:$0x3810] =	vst v1  }
0xbe: {  	[tilespmem:$0x3820] =	vst v1;
	s1 =	rddreg [dreg:$0x1];
	v33 =	vadd.s32 v18, v33  }
0xbf: {  	[tilespmem:s31], [sflag:$0x1] =	stream.indirect_vreg.gather [hbm4b:s1+s4], $0x80, v32, vm2, $0xb8;
	[tilespmem:$0x1BA80] =	vst v63  }
0xc0: {  	vm3 =	vmmov $0xff;
	s12 =	rddreg [dreg:$0x8];
	s14 =	simm.s32 $0x4280  }
0xc1: {  	[tilespmem:s14], [sflag:$0x1] =	stream.indirect_vreg.gather [hbm4b:s12+s4], $0x80, v32, vm3, $0xb8;
	[tilespmem:$0x1BA80] =	vst v63  }
0xc2: {  	s0 =	simm.s32 $0x5280  }
0xc3: {  	[tilespmem:s0], [sflag:$0x1] =	stream.indirect_vreg.gather [hbm4b:s1+s4], $0x80, v33, vm2, $0xb8;
	[tilespmem:$0x1BA80] =	vst v63  }
0xc4: {  	s26 =	simm.s32 $0x5A80  }
0xc5: {  	[tilespmem:s26], [sflag:$0x1] =	stream.indirect_vreg.gather [hbm4b:s12+s4], $0x80, v33, vm3, $0xb8;
	[tilespmem:$0x1BA80] =	vst v63  }
0xc6: {  	v32 =	vld [tilespmem:$0x3810];
	_ =	sdelay $0x4  }
0xc7: {  	v52 =	vshrl.u32 v32, $0x3  }
0xc8: {  	v33 =	vmul.u32 $0x18, v52  }
0xc9: {  	v32 =	vand.u32 $0x7, v32  }
0xca: {  	v32 =	vor.u32 v32, v33  }
0xcb: {  	v33 =	vperm.xlane v32, v17;
	_ =	sdelay $0x1  }
0xcc: {  	v33 =	vadd.s32 v18, v33;
	_ =	sdelay $0x1  }
0xcd: {  	v32 =	vperm.xlane v32, v19;
	_ =	sdelay $0x1  }
0xce: {  	s8 =	simm.s32 $0x6A80;
	v32 =	vadd.s32 v18, v32  }
0xcf: {  	[tilespmem:s8], [sflag:$0x1] =	stream.indirect_vreg.gather [hbm4b:s1+s4], $0x80, v33, vm2, $0xb8;
	[tilespmem:$0x1BA80] =	vst v63  }
0xd0: {  	s16 =	simm.s32 $0x7280  }
0xd1: {  	[tilespmem:s16], [sflag:$0x1] =	stream.indirect_vreg.gather [hbm4b:s12+s4], $0x80, v33, vm3, $0xb8;
	[tilespmem:$0x1BA80] =	vst v63  }
0xd2: {  	s2 =	simm.s32 $0x8280  }
0xd3: {  	[tilespmem:s2], [sflag:$0x1] =	stream.indirect_vreg.gather [hbm4b:s1+s4], $0x80, v32, vm2, $0xb8;
	[tilespmem:$0x1BA80] =	vst v63  }
0xd4: {  	s8 =	simm.s32 $0x8A80  }
0xd5: {  	[tilespmem:s8], [sflag:$0x1] =	stream.indirect_vreg.gather [hbm4b:s12+s4], $0x80, v32, vm3, $0xb8;
	[tilespmem:$0x1BA80] =	vst v63  }
0xd6: {  	v32 =	vld [tilespmem:$0x3880];
	_ =	sdelay $0x4  }
0xd7: {  	v53 =	vshrl.u32 v32, $0x3  }
0xd8: {  	v33 =	vmul.u32 $0x18, v53  }
0xd9: {  	v32 =	vand.u32 $0x7, v32  }
0xda: {  	v32 =	vor.u32 v32, v33  }
0xdb: {  	v33 =	vperm.xlane v32, v17;
	_ =	sdelay $0x1  }
0xdc: {  	v33 =	vadd.s32 v18, v33;
	_ =	sdelay $0x1  }
0xdd: {  	v32 =	vperm.xlane v32, v19;
	_ =	sdelay $0x1  }
0xde: {  	s28 =	simm.s32 $0x4680;
	s8 =	rddreg [dreg:$0x2];
	v32 =	vadd.s32 v18, v32  }
0xdf: {  	[tilespmem:s28], [sflag:$0x1] =	stream.indirect_vreg.gather [hbm4b:s8+s4], $0x80, v33, vm2, $0xb8;
	[tilespmem:$0x1BA80] =	vst v63  }
0xe0: {  	s0 =	rddreg [dreg:$0x9];
	s16 =	simm.s32 $0x4E80  }
0xe1: {  	[tilespmem:s16], [sflag:$0x1] =	stream.indirect_vreg.gather [hbm4b:s0+s4], $0x80, v33, vm3, $0xb8;
	[tilespmem:$0x1BA80] =	vst v63  }
0xe2: {  	s2 =	simm.s32 $0x5E80  }
0xe3: {  	[tilespmem:s2], [sflag:$0x1] =	stream.indirect_vreg.gather [hbm4b:s8+s4], $0x80, v32, vm2, $0xb8;
	[tilespmem:$0x1BA80] =	vst v63  }
0xe4: {  	s2 =	simm.s32 $0x6680  }
0xe5: {  	[tilespmem:s2], [sflag:$0x1] =	stream.indirect_vreg.gather [hbm4b:s0+s4], $0x80, v32, vm3, $0xb8;
	[tilespmem:$0x1BA80] =	vst v63  }
0xe6: {  	v32 =	vld [tilespmem:$0x3890];
	_ =	sdelay $0x4  }
0xe7: {  	v54 =	vshrl.u32 v32, $0x3  }
0xe8: {  	v33 =	vmul.u32 $0x18, v54  }
0xe9: {  	v32 =	vand.u32 $0x7, v32  }
0xea: {  	v32 =	vor.u32 v32, v33  }
0xeb: {  	v33 =	vperm.xlane v32, v17;
	_ =	sdelay $0x1  }
0xec: {  	v33 =	vadd.s32 v18, v33;
	_ =	sdelay $0x1  }
0xed: {  	v32 =	vperm.xlane v32, v19;
	_ =	sdelay $0x1  }
0xee: {  	s2 =	simm.s32 $0x7680;
	v32 =	vadd.s32 v18, v32  }
0xef: {  	[tilespmem:s2], [sflag:$0x1] =	stream.indirect_vreg.gather [hbm4b:s8+s4], $0x80, v33, vm2, $0xb8;
	[tilespmem:$0x1BA80] =	vst v63  }
0xf0: {  	s2 =	simm.s32 $0x7E80  }
0xf1: {  	[tilespmem:s2], [sflag:$0x1] =	stream.indirect_vreg.gather [hbm4b:s0+s4], $0x80, v33, vm3, $0xb8;
	[tilespmem:$0x1BA80] =	vst v63  }
0xf2: {  	s2 =	simm.s32 $0x8E80  }
0xf3: {  	[tilespmem:s2], [sflag:$0x1] =	stream.indirect_vreg.gather [hbm4b:s8+s4], $0x80, v32, vm2, $0xb8;
	[tilespmem:$0x1BA80] =	vst v63  }
0xf4: {  	s2 =	simm.s32 $0x9680  }
0xf5: {  	[tilespmem:s2], [sflag:$0x1] =	stream.indirect_vreg.gather [hbm4b:s0+s4], $0x80, v32, vm3, $0xb8;
	[tilespmem:$0x1BA80] =	vst v63  }
0xf6: {  	v32 =	vld.msk [tilespmem:$0x3820], $0xff;
	_ =	sdelay $0x4  }
0xf7: {  	v55 =	vshrl.u32 v32, $0x3  }
0xf8: {  	v33 =	vmul.u32 $0x18, v55  }
0xf9: {  	v32 =	vand.u32 $0x7, v32  }
0xfa: {  	v32 =	vor.u32 v32, v33  }
0xfb: {  	v32 =	vperm.xlane v32, v17;
	_ =	sdelay $0x1  }
0xfc: {  	v32 =	vadd.s32 v18, v32;
	_ =	sdelay $0x4  }
0xfd: {  	[tilespmem:s9], [sflag:$0x2] =	stream.indirect_vreg.gather [hbm4b:s1+s4], $0x80, v32, vm2, $0xb8;
	[tilespmem:$0x1BA80] =	vst v63  }
0xfe: {  	s2 =	simm.s32 $0xA280  }
0xff: {  	[tilespmem:s2], [sflag:$0x2] =	stream.indirect_vreg.gather [hbm4b:s12+s4], $0x80, v32, vm3, $0xb8;
	[tilespmem:$0x1BA80] =	vst v63  }
0x100: {  	v32 =	vld.msk [tilespmem:$0x38A0], $0xff;
	_ =	sdelay $0x4  }
0x101: {  	v56 =	vshrl.u32 v32, $0x3  }
0x102: {  	v33 =	vmul.u32 $0x18, v56  }
0x103: {  	v32 =	vand.u32 $0x7, v32  }
0x104: {  	v32 =	vor.u32 v32, v33  }
0x105: {  	v32 =	vperm.xlane v32, v17;
	_ =	sdelay $0x1  }
0x106: {  	v32 =	vadd.s32 v18, v32;
	_ =	sdelay $0x3  }
0x107: {  	s2 =	simm.s32 $0xA680  }
0x108: {  	[tilespmem:s2], [sflag:$0x2] =	stream.indirect_vreg.gather [hbm4b:s8+s4], $0x80, v32, vm2, $0xb8;
	[tilespmem:$0x1BA80] =	vst v63  }
0x109: {  	s2 =	simm.s32 $0xAE80  }
0x10a: {  	[tilespmem:s2], [sflag:$0x2] =	stream.indirect_vreg.gather [hbm4b:s0+s4], $0x80, v32, vm3, $0xb8;
	[tilespmem:$0x1BA80] =	vst v63  }
0x10b: {  	_ =	swait.ge [sflag:s24], $0x3000  }
0x10c: {  	[sflag:s24] =	ssyncset.done $0x0  }
0x10d: {  	[sflag:s24] =	ssyncadd.s32 $0xFFFFD000  }
0x10e: {  	_ =	swait.ge [sflag:s24], $0x3000  }
0x10f: {  	[sflag:s24] =	ssyncset.done $0x0  }
0x110: {  	[sflag:s24] =	ssyncadd.s32 $0xFFFFD000  }
0x111: {  	_ =	swait.ge [sflag:s25], $0xC00  }
0x112: {  	[sflag:s25] =	ssyncset.done $0x0  }
0x113: {  	[sflag:s25] =	ssyncadd.s32 $0xFFFFF400  }
0x114: {  	_ =	swait.ge [sflag:s25], $0xC00  }
0x115: {  	[sflag:s25] =	ssyncset.done $0x0  }
0x116: {  	s2 =	rddreg [dreg:$0xc];
	[sflag:s25] =	ssyncadd.s32 $0xFFFFF400  }
0x117: {  	[hbm4b:s2+s4] =	stream.linear.scatter [tilespmem:s31], [sflag:$0x9], $0x6000, $0x38;
	[tilespmem:$0x1BA80] =	vst v63  }
0x118: {  	_ =	swait.ge [sflag:s3], $0x6000  }
0x119: {  	[sflag:s3] =	ssyncset.done $0x0  }
0x11a: {  	s2 =	rddreg [dreg:$0x10];
	[sflag:s3] =	ssyncadd.s32 $0xFFFFA000  }
0x11b: {  	v57 =	vperm.xlane v6, v17;
	[hbm4b:s2+s4] =	stream.linear.scatter [tilespmem:s9], [sflag:$0x9], $0x1800, $0x38;
	[tilespmem:$0x1BA80] =	vst v63  }
0x11c: {  	_ =	swait.ge [sflag:s3], $0x1800  }
0x11d: {  	v32 =	vadd.s32 v18, v57;
	[sflag:s3] =	ssyncset.done $0x0  }
0x11e: {  	[sflag:s3] =	ssyncadd.s32 $0xFFFFE800  }
0x11f: {  	v58 =	vperm.xlane v6, v19;
	[tilespmem:$0x3800] =	vst v2  }
0x120: {  	[tilespmem:$0x3810] =	vst v2  }
0x121: {  	v33 =	vadd.s32 v18, v58;
	[tilespmem:$0x3820] =	vst v2  }
0x122: {  	[tilespmem:s31], [sflag:$0x1] =	stream.indirect_vreg.gather [hbm4b:s1+s4], $0x80, v32, vm2, $0xb8;
	[tilespmem:$0x1BA80] =	vst v63  }
0x123: {  	_ = 	snop  }
0x124: {  	[tilespmem:s14], [sflag:$0x1] =	stream.indirect_vreg.gather [hbm4b:s12+s4], $0x80, v32, vm3, $0xb8;
	[tilespmem:$0x1BA80] =	vst v63  }
0x125: {  	s14 =	simm.s32 $0x5280  }
0x126: {  	[tilespmem:s14], [sflag:$0x1] =	stream.indirect_vreg.gather [hbm4b:s1+s4], $0x80, v33, vm2, $0xb8;
	[tilespmem:$0x1BA80] =	vst v63  }
0x127: {  	_ = 	snop  }
0x128: {  	[tilespmem:s26], [sflag:$0x1] =	stream.indirect_vreg.gather [hbm4b:s12+s4], $0x80, v33, vm3, $0xb8;
	[tilespmem:$0x1BA80] =	vst v63  }
0x129: {  	v32 =	vld [tilespmem:$0x3810];
	_ =	sdelay $0x4  }
0x12a: {  	v59 =	vshrl.u32 v32, $0x3  }
0x12b: {  	v33 =	vmul.u32 $0x18, v59  }
0x12c: {  	v32 =	vand.u32 $0x7, v32  }
0x12d: {  	v32 =	vor.u32 v32, v33  }
0x12e: {  	v33 =	vperm.xlane v32, v17;
	_ =	sdelay $0x1  }
0x12f: {  	v33 =	vadd.s32 v18, v33;
	_ =	sdelay $0x1  }
0x130: {  	v32 =	vperm.xlane v32, v19;
	_ =	sdelay $0x1  }
0x131: {  	s14 =	simm.s32 $0x6A80;
	v32 =	vadd.s32 v18, v32  }
0x132: {  	[tilespmem:s14], [sflag:$0x1] =	stream.indirect_vreg.gather [hbm4b:s1+s4], $0x80, v33, vm2, $0xb8;
	[tilespmem:$0x1BA80] =	vst v63  }
0x133: {  	s26 =	simm.s32 $0x7280  }
0x134: {  	[tilespmem:s26], [sflag:$0x1] =	stream.indirect_vreg.gather [hbm4b:s12+s4], $0x80, v33, vm3, $0xb8;
	[tilespmem:$0x1BA80] =	vst v63  }
0x135: {  	s14 =	simm.s32 $0x8280  }
0x136: {  	[tilespmem:s14], [sflag:$0x1] =	stream.indirect_vreg.gather [hbm4b:s1+s4], $0x80, v32, vm2, $0xb8;
	[tilespmem:$0x1BA80] =	vst v63  }
0x137: {  	s26 =	simm.s32 $0x8A80  }
0x138: {  	[tilespmem:s26], [sflag:$0x1] =	stream.indirect_vreg.gather [hbm4b:s12+s4], $0x80, v32, vm3, $0xb8;
	[tilespmem:$0x1BA80] =	vst v63  }
0x139: {  	v32 =	vld [tilespmem:$0x3880];
	_ =	sdelay $0x4  }
0x13a: {  	v60 =	vshrl.u32 v32, $0x3  }
0x13b: {  	v33 =	vmul.u32 $0x18, v60  }
0x13c: {  	v32 =	vand.u32 $0x7, v32  }
0x13d: {  	v32 =	vor.u32 v32, v33  }
0x13e: {  	v33 =	vperm.xlane v32, v17;
	_ =	sdelay $0x1  }
0x13f: {  	v33 =	vadd.s32 v18, v33;
	_ =	sdelay $0x1  }
0x140: {  	v32 =	vperm.xlane v32, v19;
	_ =	sdelay $0x1  }
0x141: {  	v32 =	vadd.s32 v18, v32  }
0x142: {  	[tilespmem:s28], [sflag:$0x1] =	stream.indirect_vreg.gather [hbm4b:s8+s4], $0x80, v33, vm2, $0xb8;
	[tilespmem:$0x1BA80] =	vst v63  }
0x143: {  	_ = 	snop  }
0x144: {  	[tilespmem:s16], [sflag:$0x1] =	stream.indirect_vreg.gather [hbm4b:s0+s4], $0x80, v33, vm3, $0xb8;
	[tilespmem:$0x1BA80] =	vst v63  }
0x145: {  	s14 =	simm.s32 $0x5E80  }
0x146: {  	[tilespmem:s14], [sflag:$0x1] =	stream.indirect_vreg.gather [hbm4b:s8+s4], $0x80, v32, vm2, $0xb8;
	[tilespmem:$0x1BA80] =	vst v63  }
0x147: {  	s16 =	simm.s32 $0x6680  }
0x148: {  	[tilespmem:s16], [sflag:$0x1] =	stream.indirect_vreg.gather [hbm4b:s0+s4], $0x80, v32, vm3, $0xb8;
	[tilespmem:$0x1BA80] =	vst v63  }
0x149: {  	v32 =	vld [tilespmem:$0x3890];
	_ =	sdelay $0x4  }
0x14a: {  	v61 =	vshrl.u32 v32, $0x3  }
0x14b: {  	v33 =	vmul.u32 $0x18, v61  }
0x14c: {  	v32 =	vand.u32 $0x7, v32  }
0x14d: {  	v32 =	vor.u32 v32, v33  }
0x14e: {  	v33 =	vperm.xlane v32, v17;
	_ =	sdelay $0x1  }
0x14f: {  	v33 =	vadd.s32 v18, v33;
	_ =	sdelay $0x1  }
0x150: {  	v32 =	vperm.xlane v32, v19;
	_ =	sdelay $0x1  }
0x151: {  	s26 =	simm.s32 $0x7680;
	v32 =	vadd.s32 v18, v32  }
0x152: {  	[tilespmem:s26], [sflag:$0x1] =	stream.indirect_vreg.gather [hbm4b:s8+s4], $0x80, v33, vm2, $0xb8;
	[tilespmem:$0x1BA80] =	vst v63  }
0x153: {  	s14 =	simm.s32 $0x7E80  }
0x154: {  	[tilespmem:s14], [sflag:$0x1] =	stream.indirect_vreg.gather [hbm4b:s0+s4], $0x80, v33, vm3, $0xb8;
	[tilespmem:$0x1BA80] =	vst v63  }
0x155: {  	s16 =	simm.s32 $0x8E80  }
0x156: {  	[tilespmem:s16], [sflag:$0x1] =	stream.indirect_vreg.gather [hbm4b:s8+s4], $0x80, v32, vm2, $0xb8;
	[tilespmem:$0x1BA80] =	vst v63  }
0x157: {  	s26 =	simm.s32 $0x9680  }
0x158: {  	[tilespmem:s26], [sflag:$0x1] =	stream.indirect_vreg.gather [hbm4b:s0+s4], $0x80, v32, vm3, $0xb8;
	[tilespmem:$0x1BA80] =	vst v63  }
0x159: {  	v32 =	vld.msk [tilespmem:$0x3820], $0xff;
	_ =	sdelay $0x4  }
0x15a: {  	v62 =	vshrl.u32 v32, $0x3  }
0x15b: {  	v33 =	vmul.u32 $0x18, v62  }
0x15c: {  	v32 =	vand.u32 $0x7, v32  }
0x15d: {  	v32 =	vor.u32 v32, v33  }
0x15e: {  	v32 =	vperm.xlane v32, v17;
	_ =	sdelay $0x1  }
0x15f: {  	v32 =	vadd.s32 v18, v32;
	_ =	sdelay $0x4  }
0x160: {  	[tilespmem:s9], [sflag:$0x2] =	stream.indirect_vreg.gather [hbm4b:s1+s4], $0x80, v32, vm2, $0xb8;
	[tilespmem:$0x1BA80] =	vst v63  }
0x161: {  	s2 =	simm.s32 $0xA280  }
0x162: {  	[tilespmem:s2], [sflag:$0x2] =	stream.indirect_vreg.gather [hbm4b:s12+s4], $0x80, v32, vm3, $0xb8;
	[tilespmem:$0x1BA80] =	vst v63  }
0x163: {  	v32 =	vld.msk [tilespmem:$0x38A0], $0xff;
	_ =	sdelay $0x4  }
0x164: {  	v63 =	vshrl.u32 v32, $0x3  }
0x165: {  	v33 =	vmul.u32 $0x18, v63  }
0x166: {  	v32 =	vand.u32 $0x7, v32  }
0x167: {  	v32 =	vor.u32 v32, v33  }
0x168: {  	v32 =	vperm.xlane v32, v17;
	_ =	sdelay $0x1  }
0x169: {  	v32 =	vadd.s32 v18, v32;
	_ =	sdelay $0x3  }
0x16a: {  	s12 =	simm.s32 $0xA680  }
0x16b: {  	[tilespmem:s12], [sflag:$0x2] =	stream.indirect_vreg.gather [hbm4b:s8+s4], $0x80, v32, vm2, $0xb8;
	[tilespmem:$0x1BA80] =	vst v63  }
0x16c: {  	s14 =	simm.s32 $0xAE80  }
0x16d: {  	[tilespmem:s14], [sflag:$0x2] =	stream.indirect_vreg.gather [hbm4b:s0+s4], $0x80, v32, vm3, $0xb8;
	[tilespmem:$0x1BA80] =	vst v63  }
0x16e: {  	_ =	swait.ge [sflag:s24], $0x3000  }
0x16f: {  	[sflag:s24] =	ssyncset.done $0x0  }
0x170: {  	[sflag:s24] =	ssyncadd.s32 $0xFFFFD000  }
0x171: {  	_ =	swait.ge [sflag:s24], $0x3000  }
0x172: {  	[sflag:s24] =	ssyncset.done $0x0  }
0x173: {  	[sflag:s24] =	ssyncadd.s32 $0xFFFFD000  }
0x174: {  	_ =	swait.ge [sflag:s25], $0xC00  }
0x175: {  	[sflag:s25] =	ssyncset.done $0x0  }
0x176: {  	[sflag:s25] =	ssyncadd.s32 $0xFFFFF400  }
0x177: {  	_ =	swait.ge [sflag:s25], $0xC00  }
0x178: {  	[sflag:s25] =	ssyncset.done $0x0  }
0x179: {  	s16 =	rddreg [dreg:$0xd];
	[sflag:s25] =	ssyncadd.s32 $0xFFFFF400  }
0x17a: {  	[hbm4b:s16+s4] =	stream.linear.scatter [tilespmem:s31], [sflag:$0x9], $0x6000, $0x38;
	[tilespmem:$0x1BA80] =	vst v63  }
0x17b: {  	_ =	swait.ge [sflag:s3], $0x6000  }
0x17c: {  	[sflag:s3] =	ssyncset.done $0x0  }
0x17d: {  	s26 =	rddreg [dreg:$0x11];
	[sflag:s3] =	ssyncadd.s32 $0xFFFFA000  }
0x17e: {  	[hbm4b:s26+s4] =	stream.linear.scatter [tilespmem:s9], [sflag:$0x9], $0x1800, $0x38;
	[tilespmem:$0x1BA80] =	vst v63  }
0x17f: {  	_ =	swait.ge [sflag:s3], $0x1800  }
0x180: {  	[sflag:s3] =	ssyncset.done $0x0  }
0x181: {  	s28 =	simm.s32 $0xA280;
	[sflag:s3] =	ssyncadd.s32 $0xFFFFE800  }
.LBB2_5:
0x182: {  	[bflag:$0x0] =	sbarrier.arrive $0xFFFF  }
0x183: {  	s1 =	simm.s32 $0x3980;
	s0 =	rddreg [dreg:$0xe]  }
0x184: {  	[tilespmem:s1], [sflag:$0x9] =	stream.linear.gather [hbm4b:s0+s4], $0x100, $0x38;
	[tilespmem:$0x1BA80] =	vst v63  }
0x185: {  	_ =	swait.ge [sflag:s3], $0x100  }
0x186: {  	[sflag:s3] =	ssyncset.done $0x0  }
0x187: {  	[sflag:s3] =	ssyncadd.s32 $0xFFFFFF00  }
0x188: {  	v32 =	vld [tilespmem:$0x3980]  }
0x189: {  	v33 =	vld [tilespmem:$0x3990]  }
0x18a: {  	v34 =	vld [tilespmem:$0x39A0]  }
0x18b: {  	v35 =	vld [tilespmem:$0x39B0]  }
0x18c: {  	v36 =	vld [tilespmem:$0x39C0]  }
0x18d: {  	v37 =	vld [tilespmem:$0x39D0]  }
0x18e: {  	v58 =	vld [tilespmem:$0x39E0];
	v32 =	vmax.f32 v32, v33  }
0x18f: {  	v59 =	vld [tilespmem:$0x39F0];
	v32 =	vmax.f32 v32, v34  }
0x190: {  	v60 =	vld [tilespmem:$0x3A00];
	v32 =	vmax.f32 v32, v35  }
0x191: {  	v61 =	vld [tilespmem:$0x3A10];
	v32 =	vmax.f32 v32, v36  }
0x192: {  	v62 =	vld [tilespmem:$0x3A20];
	v32 =	vmax.f32 v32, v37  }
0x193: {  	v63 =	vld [tilespmem:$0x3A30];
	v32 =	vmax.f32 v32, v58  }
0x194: {  	v40 =	vld [tilespmem:$0x3A40];
	v32 =	vmax.f32 v32, v59  }
0x195: {  	v41 =	vld [tilespmem:$0x3A50];
	v32 =	vmax.f32 v32, v60  }
0x196: {  	v42 =	vld [tilespmem:$0x3A60];
	v32 =	vmax.f32 v32, v61  }
0x197: {  	v43 =	vld [tilespmem:$0x3A70];
	v32 =	vmax.f32 v32, v62  }
0x198: {  	v32 =	vmax.f32 v32, v63  }
0x199: {  	v32 =	vmax.f32 v32, v40  }
0x19a: {  	v32 =	vmax.f32 v32, v41  }
0x19b: {  	v32 =	vmax.f32 v32, v42  }
0x19c: {  	v32 =	vmax.f32 v32, v43  }
0x19d: {  	v44 =	vperm.xlane v32, v9;
	_ =	sdelay $0x1  }
0x19e: {  	v32 =	vmax.f32 v32, v44  }
0x19f: {  	v33 =	vperm.xlane v32, v11;
	_ =	sdelay $0x1  }
0x1a0: {  	v32 =	vmax.f32 v32, v33  }
0x1a1: {  	v33 =	vperm.xlane v32, v12;
	_ =	sdelay $0x1  }
0x1a2: {  	v32 =	vmax.f32 v32, v33  }
0x1a3: {  	v33 =	vperm.xlane v32, v13;
	_ =	sdelay $0x1  }
0x1a4: {  	v32 =	vmax.f32 v32, v33  }
0x1a5: {  	(erf) = vrcp.f32 v32;
	_ =	sdelay $0x4  }
0x1a6: {  	v45 =	vld.idx.msk [tilespmem:v14+s29+$0x0], $0xffff;
	_ =	sdelay $0x1  }
0x1a7: {  	v46 =	vld.idx.msk [tilespmem:v10+s29+$0x0], $0xffff;
	_ =	sdelay $0x1  }
0x1a8: {  	v32 =	vpop (erf)  }
0x1a9: {  	v33 =	vmul.f32 v32, v45;
	_ =	sdelay $0x1  }
0x1aa: {  	v34 =	vmul.f32 v32, v46;
	v33 =	vmul.f32 $3.300000000e+01, v33;
	_ =	sdelay $0x1  }
0x1ab: {  	v34 =	vmul.f32 $3.300000000e+01, v34;
	v33 =	vtrunc.f32 v33  }
0x1ac: {  	v33 =	vcvt.f32.s32 v33  }
0x1ad: {  	v34 =	vtrunc.f32 v34  }
0x1ae: {  	v34 =	vcvt.f32.s32 v34;
	vm3 =	vgt.s32 v33, $0x0  }
0x1af: {  	v33 =	vnsel vm3, $0x0, v33  }
0x1b0: {  	vm3 =	vgt.s32 v34, $0x0;
	v33 =	vmin.u32 v33, $0x21  }
0x1b1: {  	v34 =	vnsel vm3, $0x0, v34;
	v33 =	vmul.u32 $0x28, v33  }
0x1b2: {  	v34 =	vmin.u32 v34, $0x21  }
0x1b3: {  	v33 =	vadd.s32 v34, v33  }
0x1b4: {  	[tilespmem:$0x3000] =	vst v33  }
0x1b5: {  	v47 =	vld.idx.msk [tilespmem:v16+s29+$0x0], $0xffff;
	_ =	sdelay $0x1  }
0x1b6: {  	v48 =	vld.idx.msk [tilespmem:v15+s29+$0x0], $0xffff;
	_ =	sdelay $0x2  }
0x1b7: {  	v35 =	vmul.f32 v47, v32;
	_ =	sdelay $0x1  }
0x1b8: {  	v36 =	vmul.f32 v48, v32;
	v35 =	vmul.f32 $3.300000000e+01, v35  }
0x1b9: {  	v33 =	vshrl.u32 v33, $0x3  }
0x1ba: {  	v33 =	vmul.u32 $0x30, v33;
	v36 =	vmul.f32 $3.300000000e+01, v36;
	v35 =	vtrunc.f32 v35  }
0x1bb: {  	v34 =	vand.u32 $0x7, v34;
	v35 =	vcvt.f32.s32 v35  }
0x1bc: {  	v33 =	vor.u32 v34, v33;
	v36 =	vtrunc.f32 v36  }
0x1bd: {  	v50 =	vperm.xlane v33, v17;
	v49 =	vcvt.f32.s32 v36;
	vm3 =	vgt.s32 v35, $0x0  }
0x1be: {  	v35 =	vnsel vm3, $0x0, v35  }
0x1bf: {  	v36 =	vadd.s32 v18, v50;
	vm3 =	vgt.s32 v49, $0x0;
	v35 =	vmin.u32 v35, $0x21  }
0x1c0: {  	v34 =	vnsel vm3, $0x0, v49;
	v35 =	vmul.u32 $0x28, v35  }
0x1c1: {  	v34 =	vmin.u32 v34, $0x21  }
0x1c2: {  	v34 =	vadd.s32 v34, v35  }
0x1c3: {  	v33 =	vperm.xlane v33, v19;
	[tilespmem:$0x3010] =	vst v34  }
0x1c4: {  	[tilespmem:s31], [sflag:$0x1] =	stream.indirect_vreg.gather [hbm4b:s6+s4], $0x80, v36, vm2, $0xb8;
	[tilespmem:$0x1BA80] =	vst v63  }
0x1c5: {  	s0 =	simm.s32 $0x4280;
	v33 =	vadd.s32 v18, v33  }
0x1c6: {  	[tilespmem:s0], [sflag:$0x1] =	stream.indirect_vreg.gather [hbm4b:s17+s4], $0x80, v36, vm2, $0xb8;
	[tilespmem:$0x1BA80] =	vst v63  }
0x1c7: {  	s3 =	simm.s32 $0x4A80  }
0x1c8: {  	[tilespmem:s3], [sflag:$0x1] =	stream.indirect_vreg.gather [hbm4b:s19+s4], $0x80, v36, vm2, $0xb8;
	[tilespmem:$0x1BA80] =	vst v63  }
0x1c9: {  	s8 =	simm.s32 $0x5280  }
0x1ca: {  	[tilespmem:s8], [sflag:$0x1] =	stream.indirect_vreg.gather [hbm4b:s6+s4], $0x80, v33, vm2, $0xb8;
	[tilespmem:$0x1BA80] =	vst v63  }
0x1cb: {  	s12 =	simm.s32 $0x5A80  }
0x1cc: {  	[tilespmem:s12], [sflag:$0x1] =	stream.indirect_vreg.gather [hbm4b:s17+s4], $0x80, v33, vm2, $0xb8;
	[tilespmem:$0x1BA80] =	vst v63  }
0x1cd: {  	s14 =	simm.s32 $0x6280  }
0x1ce: {  	[tilespmem:s14], [sflag:$0x1] =	stream.indirect_vreg.gather [hbm4b:s19+s4], $0x80, v33, vm2, $0xb8;
	[tilespmem:$0x1BA80] =	vst v63  }
0x1cf: {  	v33 =	vld [tilespmem:$0x3010];
	_ =	sdelay $0x4  }
0x1d0: {  	v51 =	vshrl.u32 v33, $0x3  }
0x1d1: {  	v34 =	vmul.u32 $0x30, v51  }
0x1d2: {  	v33 =	vand.u32 $0x7, v33  }
0x1d3: {  	v33 =	vor.u32 v33, v34  }
0x1d4: {  	v34 =	vperm.xlane v33, v17;
	_ =	sdelay $0x1  }
0x1d5: {  	v34 =	vadd.s32 v18, v34;
	_ =	sdelay $0x3  }
0x1d6: {  	s16 =	simm.s32 $0x6A80;
	v33 =	vperm.xlane v33, v19  }
0x1d7: {  	[tilespmem:s16], [sflag:$0x1] =	stream.indirect_vreg.gather [hbm4b:s6+s4], $0x80, v34, vm2, $0xb8;
	[tilespmem:$0x1BA80] =	vst v63  }
0x1d8: {  	s26 =	simm.s32 $0x7280;
	v33 =	vadd.s32 v18, v33  }
0x1d9: {  	[tilespmem:s26], [sflag:$0x1] =	stream.indirect_vreg.gather [hbm4b:s17+s4], $0x80, v34, vm2, $0xb8;
	[tilespmem:$0x1BA80] =	vst v63  }
0x1da: {  	s2 =	simm.s32 $0x7A80  }
0x1db: {  	[tilespmem:s2], [sflag:$0x1] =	stream.indirect_vreg.gather [hbm4b:s19+s4], $0x80, v34, vm2, $0xb8;
	[tilespmem:$0x1BA80] =	vst v63  }
0x1dc: {  	s8 =	simm.s32 $0x8280  }
0x1dd: {  	[tilespmem:s8], [sflag:$0x1] =	stream.indirect_vreg.gather [hbm4b:s6+s4], $0x80, v33, vm2, $0xb8;
	[tilespmem:$0x1BA80] =	vst v63  }
0x1de: {  	s12 =	simm.s32 $0x8A80  }
0x1df: {  	[tilespmem:s12], [sflag:$0x1] =	stream.indirect_vreg.gather [hbm4b:s17+s4], $0x80, v33, vm2, $0xb8;
	[tilespmem:$0x1BA80] =	vst v63  }
0x1e0: {  	s14 =	simm.s32 $0x9280  }
0x1e1: {  	[tilespmem:s14], [sflag:$0x1] =	stream.indirect_vreg.gather [hbm4b:s19+s4], $0x80, v33, vm2, $0xb8;
	[tilespmem:$0x1BA80] =	vst v63  }
0x1e2: {  	v33 =	vld.idx.msk [tilespmem:v21+s29+$0x0], $0xffff;
	_ =	sdelay $0x1  }
0x1e3: {  	v34 =	vld.idx.msk [tilespmem:v20+s29+$0x0], $0xffff;
	_ =	sdelay $0x2  }
0x1e4: {  	v33 =	vmul.f32 v33, v32;
	_ =	sdelay $0x1  }
0x1e5: {  	v34 =	vmul.f32 v34, v32;
	v33 =	vmul.f32 $3.300000000e+01, v33;
	_ =	sdelay $0x1  }
0x1e6: {  	v34 =	vmul.f32 $3.300000000e+01, v34;
	v33 =	vtrunc.f32 v33  }
0x1e7: {  	v33 =	vcvt.f32.s32 v33  }
0x1e8: {  	v34 =	vtrunc.f32 v34  }
0x1e9: {  	v34 =	vcvt.f32.s32 v34;
	vm3 =	vgt.s32 v33, $0x0  }
0x1ea: {  	v33 =	vnsel vm3, $0x0, v33  }
0x1eb: {  	vm3 =	vgt.s32 v34, $0x0;
	v33 =	vmin.u32 v33, $0x21  }
0x1ec: {  	v34 =	vnsel vm3, $0x0, v34;
	v33 =	vmul.u32 $0x28, v33  }
0x1ed: {  	v34 =	vmin.u32 v34, $0x21  }
0x1ee: {  	v33 =	vadd.s32 v34, v33  }
0x1ef: {  	[tilespmem:$0x3020] =	vst v33  }
0x1f0: {  	v52 =	vld.idx.msk [tilespmem:v23+s29+$0x0], $0xffff;
	_ =	sdelay $0x1  }
0x1f1: {  	v36 =	vld.idx.msk [tilespmem:v22+s29+$0x0], $0xffff;
	_ =	sdelay $0x2  }
0x1f2: {  	v35 =	vmul.f32 v52, v32;
	_ =	sdelay $0x1  }
0x1f3: {  	v36 =	vmul.f32 v36, v32;
	v35 =	vmul.f32 $3.300000000e+01, v35  }
0x1f4: {  	v33 =	vshrl.u32 v33, $0x3  }
0x1f5: {  	v33 =	vmul.u32 $0x30, v33;
	v36 =	vmul.f32 $3.300000000e+01, v36;
	v35 =	vtrunc.f32 v35  }
0x1f6: {  	v34 =	vand.u32 $0x7, v34;
	v35 =	vcvt.f32.s32 v35  }
0x1f7: {  	v33 =	vor.u32 v34, v33;
	v36 =	vtrunc.f32 v36  }
0x1f8: {  	v54 =	vperm.xlane v33, v17;
	v53 =	vcvt.f32.s32 v36;
	vm3 =	vgt.s32 v35, $0x0  }
0x1f9: {  	v35 =	vnsel vm3, $0x0, v35  }
0x1fa: {  	v36 =	vadd.s32 v18, v54;
	vm3 =	vgt.s32 v53, $0x0;
	v35 =	vmin.u32 v35, $0x21  }
0x1fb: {  	v34 =	vnsel vm3, $0x0, v53;
	v35 =	vmul.u32 $0x28, v35  }
0x1fc: {  	v34 =	vmin.u32 v34, $0x21  }
0x1fd: {  	v34 =	vadd.s32 v34, v35  }
0x1fe: {  	v33 =	vperm.xlane v33, v19;
	[tilespmem:$0x3030] =	vst v34  }
0x1ff: {  	[tilespmem:s9], [sflag:$0x2] =	stream.indirect_vreg.gather [hbm4b:s6+s4], $0x80, v36, vm2, $0xb8;
	[tilespmem:$0x1BA80] =	vst v63  }
0x200: {  	v33 =	vadd.s32 v18, v33  }
0x201: {  	[tilespmem:s28], [sflag:$0x2] =	stream.indirect_vreg.gather [hbm4b:s17+s4], $0x80, v36, vm2, $0xb8;
	[tilespmem:$0x1BA80] =	vst v63  }
0x202: {  	s16 =	simm.s32 $0xAA80  }
0x203: {  	[tilespmem:s16], [sflag:$0x2] =	stream.indirect_vreg.gather [hbm4b:s19+s4], $0x80, v36, vm2, $0xb8;
	[tilespmem:$0x1BA80] =	vst v63  }
0x204: {  	s26 =	simm.s32 $0xB280  }
0x205: {  	[tilespmem:s26], [sflag:$0x2] =	stream.indirect_vreg.gather [hbm4b:s6+s4], $0x80, v33, vm2, $0xb8;
	[tilespmem:$0x1BA80] =	vst v63  }
0x206: {  	s2 =	simm.s32 $0xBA80  }
0x207: {  	[tilespmem:s2], [sflag:$0x2] =	stream.indirect_vreg.gather [hbm4b:s17+s4], $0x80, v33, vm2, $0xb8;
	[tilespmem:$0x1BA80] =	vst v63  }
0x208: {  	s8 =	simm.s32 $0xC280  }
0x209: {  	[tilespmem:s8], [sflag:$0x2] =	stream.indirect_vreg.gather [hbm4b:s19+s4], $0x80, v33, vm2, $0xb8;
	[tilespmem:$0x1BA80] =	vst v63  }
0x20a: {  	v33 =	vld [tilespmem:$0x3030];
	_ =	sdelay $0x4  }
0x20b: {  	v55 =	vshrl.u32 v33, $0x3  }
0x20c: {  	v34 =	vmul.u32 $0x30, v55  }
0x20d: {  	v33 =	vand.u32 $0x7, v33  }
0x20e: {  	v33 =	vor.u32 v33, v34  }
0x20f: {  	v34 =	vperm.xlane v33, v17;
	_ =	sdelay $0x1  }
0x210: {  	v34 =	vadd.s32 v18, v34;
	_ =	sdelay $0x3  }
0x211: {  	s12 =	simm.s32 $0xCA80;
	v33 =	vperm.xlane v33, v19  }
0x212: {  	[tilespmem:s12], [sflag:$0x2] =	stream.indirect_vreg.gather [hbm4b:s6+s4], $0x80, v34, vm2, $0xb8;
	[tilespmem:$0x1BA80] =	vst v63  }
0x213: {  	s14 =	simm.s32 $0xD280;
	v33 =	vadd.s32 v18, v33  }
0x214: {  	[tilespmem:s14], [sflag:$0x2] =	stream.indirect_vreg.gather [hbm4b:s17+s4], $0x80, v34, vm2, $0xb8;
	[tilespmem:$0x1BA80] =	vst v63  }
0x215: {  	s16 =	simm.s32 $0xDA80  }
0x216: {  	[tilespmem:s16], [sflag:$0x2] =	stream.indirect_vreg.gather [hbm4b:s19+s4], $0x80, v34, vm2, $0xb8;
	[tilespmem:$0x1BA80] =	vst v63  }
0x217: {  	s26 =	simm.s32 $0xE280  }
0x218: {  	[tilespmem:s26], [sflag:$0x2] =	stream.indirect_vreg.gather [hbm4b:s6+s4], $0x80, v33, vm2, $0xb8;
	[tilespmem:$0x1BA80] =	vst v63  }
0x219: {  	s2 =	simm.s32 $0xEA80  }
0x21a: {  	[tilespmem:s2], [sflag:$0x2] =	stream.indirect_vreg.gather [hbm4b:s17+s4], $0x80, v33, vm2, $0xb8;
	[tilespmem:$0x1BA80] =	vst v63  }
0x21b: {  	s8 =	simm.s32 $0xF280  }
0x21c: {  	[tilespmem:s8], [sflag:$0x2] =	stream.indirect_vreg.gather [hbm4b:s19+s4], $0x80, v33, vm2, $0xb8;
	[tilespmem:$0x1BA80] =	vst v63  }
0x21d: {  	v33 =	vld.idx.msk [tilespmem:v25+s29+$0x0], $0xffff;
	_ =	sdelay $0x1  }
0x21e: {  	v34 =	vld.idx.msk [tilespmem:v24+s29+$0x0], $0xffff;
	_ =	sdelay $0x2  }
0x21f: {  	v33 =	vmul.f32 v33, v32;
	_ =	sdelay $0x1  }
0x220: {  	v34 =	vmul.f32 v34, v32;
	v33 =	vmul.f32 $3.300000000e+01, v33;
	_ =	sdelay $0x1  }
0x221: {  	v34 =	vmul.f32 $3.300000000e+01, v34;
	v33 =	vtrunc.f32 v33  }
0x222: {  	v33 =	vcvt.f32.s32 v33  }
0x223: {  	v34 =	vtrunc.f32 v34  }
0x224: {  	v34 =	vcvt.f32.s32 v34;
	vm3 =	vgt.s32 v33, $0x0  }
0x225: {  	v33 =	vnsel vm3, $0x0, v33  }
0x226: {  	vm3 =	vgt.s32 v34, $0x0;
	v33 =	vmin.u32 v33, $0x21  }
0x227: {  	v34 =	vnsel vm3, $0x0, v34;
	v33 =	vmul.u32 $0x28, v33  }
0x228: {  	v34 =	vmin.u32 v34, $0x21  }
0x229: {  	v33 =	vadd.s32 v34, v33  }
0x22a: {  	[tilespmem:$0x3040] =	vst v33  }
0x22b: {  	v56 =	vld.idx.msk [tilespmem:v27+s29+$0x0], $0xffff;
	_ =	sdelay $0x1  }
0x22c: {  	v36 =	vld.idx.msk [tilespmem:v26+s29+$0x0], $0xffff;
	_ =	sdelay $0x2  }
0x22d: {  	v35 =	vmul.f32 v56, v32;
	_ =	sdelay $0x1  }
0x22e: {  	v36 =	vmul.f32 v36, v32;
	v35 =	vmul.f32 $3.300000000e+01, v35  }
0x22f: {  	v33 =	vshrl.u32 v33, $0x3  }
0x230: {  	v33 =	vmul.u32 $0x30, v33;
	v36 =	vmul.f32 $3.300000000e+01, v36;
	v35 =	vtrunc.f32 v35  }
0x231: {  	v34 =	vand.u32 $0x7, v34;
	v35 =	vcvt.f32.s32 v35  }
0x232: {  	v33 =	vor.u32 v34, v33;
	v36 =	vtrunc.f32 v36  }
0x233: {  	v58 =	vperm.xlane v33, v17;
	v57 =	vcvt.f32.s32 v36;
	vm3 =	vgt.s32 v35, $0x0  }
0x234: {  	v35 =	vnsel vm3, $0x0, v35  }
0x235: {  	v36 =	vadd.s32 v18, v58;
	vm3 =	vgt.s32 v57, $0x0;
	v35 =	vmin.u32 v35, $0x21  }
0x236: {  	v34 =	vnsel vm3, $0x0, v57;
	v35 =	vmul.u32 $0x28, v35  }
0x237: {  	v34 =	vmin.u32 v34, $0x21  }
0x238: {  	v34 =	vadd.s32 v34, v35  }
0x239: {  	v33 =	vperm.xlane v33, v19;
	[tilespmem:$0x3050] =	vst v34  }
0x23a: {  	[tilespmem:s22], [sflag:$0x3] =	stream.indirect_vreg.gather [hbm4b:s6+s4], $0x80, v36, vm2, $0xb8;
	[tilespmem:$0x1BA80] =	vst v63  }
0x23b: {  	s12 =	simm.s32 $0x10280;
	v33 =	vadd.s32 v18, v33  }
0x23c: {  	[tilespmem:s12], [sflag:$0x3] =	stream.indirect_vreg.gather [hbm4b:s17+s4], $0x80, v36, vm2, $0xb8;
	[tilespmem:$0x1BA80] =	vst v63  }
0x23d: {  	s14 =	simm.s32 $0x10A80  }
0x23e: {  	[tilespmem:s14], [sflag:$0x3] =	stream.indirect_vreg.gather [hbm4b:s19+s4], $0x80, v36, vm2, $0xb8;
	[tilespmem:$0x1BA80] =	vst v63  }
0x23f: {  	s16 =	simm.s32 $0x11280  }
0x240: {  	[tilespmem:s16], [sflag:$0x3] =	stream.indirect_vreg.gather [hbm4b:s6+s4], $0x80, v33, vm2, $0xb8;
	[tilespmem:$0x1BA80] =	vst v63  }
0x241: {  	s26 =	simm.s32 $0x11A80  }
0x242: {  	[tilespmem:s26], [sflag:$0x3] =	stream.indirect_vreg.gather [hbm4b:s17+s4], $0x80, v33, vm2, $0xb8;
	[tilespmem:$0x1BA80] =	vst v63  }
0x243: {  	s2 =	simm.s32 $0x12280  }
0x244: {  	[tilespmem:s2], [sflag:$0x3] =	stream.indirect_vreg.gather [hbm4b:s19+s4], $0x80, v33, vm2, $0xb8;
	[tilespmem:$0x1BA80] =	vst v63  }
0x245: {  	v33 =	vld [tilespmem:$0x3050];
	_ =	sdelay $0x4  }
0x246: {  	v59 =	vshrl.u32 v33, $0x3  }
0x247: {  	v34 =	vmul.u32 $0x30, v59  }
0x248: {  	v33 =	vand.u32 $0x7, v33  }
0x249: {  	v33 =	vor.u32 v33, v34  }
0x24a: {  	v34 =	vperm.xlane v33, v17;
	_ =	sdelay $0x1  }
0x24b: {  	v34 =	vadd.s32 v18, v34;
	_ =	sdelay $0x3  }
0x24c: {  	s8 =	simm.s32 $0x12A80;
	v33 =	vperm.xlane v33, v19  }
0x24d: {  	[tilespmem:s8], [sflag:$0x3] =	stream.indirect_vreg.gather [hbm4b:s6+s4], $0x80, v34, vm2, $0xb8;
	[tilespmem:$0x1BA80] =	vst v63  }
0x24e: {  	s12 =	simm.s32 $0x13280;
	v33 =	vadd.s32 v18, v33  }
0x24f: {  	[tilespmem:s12], [sflag:$0x3] =	stream.indirect_vreg.gather [hbm4b:s17+s4], $0x80, v34, vm2, $0xb8;
	[tilespmem:$0x1BA80] =	vst v63  }
0x250: {  	s14 =	simm.s32 $0x13A80  }
0x251: {  	[tilespmem:s14], [sflag:$0x3] =	stream.indirect_vreg.gather [hbm4b:s19+s4], $0x80, v34, vm2, $0xb8;
	[tilespmem:$0x1BA80] =	vst v63  }
0x252: {  	s16 =	simm.s32 $0x14280  }
0x253: {  	[tilespmem:s16], [sflag:$0x3] =	stream.indirect_vreg.gather [hbm4b:s6+s4], $0x80, v33, vm2, $0xb8;
	[tilespmem:$0x1BA80] =	vst v63  }
0x254: {  	s26 =	simm.s32 $0x14A80  }
0x255: {  	[tilespmem:s26], [sflag:$0x3] =	stream.indirect_vreg.gather [hbm4b:s17+s4], $0x80, v33, vm2, $0xb8;
	[tilespmem:$0x1BA80] =	vst v63  }
0x256: {  	s2 =	simm.s32 $0x15280  }
0x257: {  	[tilespmem:s2], [sflag:$0x3] =	stream.indirect_vreg.gather [hbm4b:s19+s4], $0x80, v33, vm2, $0xb8;
	[tilespmem:$0x1BA80] =	vst v63  }
0x258: {  	v33 =	vld.idx.msk [tilespmem:v29+s29+$0x0], $0xffff;
	_ =	sdelay $0x1  }
0x259: {  	v34 =	vld.idx.msk [tilespmem:v28+s29+$0x0], $0xffff;
	_ =	sdelay $0x2  }
0x25a: {  	v33 =	vmul.f32 v33, v32;
	_ =	sdelay $0x1  }
0x25b: {  	v34 =	vmul.f32 v34, v32;
	v33 =	vmul.f32 $3.300000000e+01, v33;
	_ =	sdelay $0x1  }
0x25c: {  	v34 =	vmul.f32 $3.300000000e+01, v34;
	v33 =	vtrunc.f32 v33  }
0x25d: {  	v33 =	vcvt.f32.s32 v33  }
0x25e: {  	v34 =	vtrunc.f32 v34  }
0x25f: {  	v34 =	vcvt.f32.s32 v34;
	vm3 =	vgt.s32 v33, $0x0  }
0x260: {  	v33 =	vnsel vm3, $0x0, v33  }
0x261: {  	vm3 =	vgt.s32 v34, $0x0;
	v33 =	vmin.u32 v33, $0x21  }
0x262: {  	v34 =	vnsel vm3, $0x0, v34;
	v33 =	vmul.u32 $0x28, v33  }
0x263: {  	v34 =	vmin.u32 v34, $0x21  }
0x264: {  	v33 =	vadd.s32 v34, v33  }
0x265: {  	[tilespmem:$0x3060] =	vst v33  }
0x266: {  	v60 =	vld.idx.msk [tilespmem:v31+s29+$0x0], $0xffff;
	_ =	sdelay $0x1  }
0x267: {  	v36 =	vld.idx.msk [tilespmem:v30+s29+$0x0], $0xffff;
	_ =	sdelay $0x2  }
0x268: {  	v35 =	vmul.f32 v60, v32;
	_ =	sdelay $0x1  }
0x269: {  	v36 =	vmul.f32 v36, v32;
	v35 =	vmul.f32 $3.300000000e+01, v35  }
0x26a: {  	v33 =	vshrl.u32 v33, $0x3  }
0x26b: {  	v33 =	vmul.u32 $0x30, v33;
	v36 =	vmul.f32 $3.300000000e+01, v36;
	v35 =	vtrunc.f32 v35  }
0x26c: {  	v34 =	vand.u32 $0x7, v34;
	v35 =	vcvt.f32.s32 v35  }
0x26d: {  	v33 =	vor.u32 v34, v33;
	v36 =	vtrunc.f32 v36  }
0x26e: {  	v62 =	vperm.xlane v33, v17;
	v61 =	vcvt.f32.s32 v36;
	vm3 =	vgt.s32 v35, $0x0  }
0x26f: {  	v35 =	vnsel vm3, $0x0, v35  }
0x270: {  	v36 =	vadd.s32 v18, v62;
	vm3 =	vgt.s32 v61, $0x0;
	v35 =	vmin.u32 v35, $0x21  }
0x271: {  	v34 =	vnsel vm3, $0x0, v61;
	v35 =	vmul.u32 $0x28, v35  }
0x272: {  	v34 =	vmin.u32 v34, $0x21  }
0x273: {  	v34 =	vadd.s32 v34, v35  }
0x274: {  	v33 =	vperm.xlane v33, v19;
	[tilespmem:$0x3070] =	vst v34  }
0x275: {  	[tilespmem:s5], [sflag:$0x4] =	stream.indirect_vreg.gather [hbm4b:s6+s4], $0x80, v36, vm2, $0xb8;
	[tilespmem:$0x1BA80] =	vst v63  }
0x276: {  	s8 =	simm.s32 $0x16280;
	v33 =	vadd.s32 v18, v33  }
0x277: {  	[tilespmem:s8], [sflag:$0x4] =	stream.indirect_vreg.gather [hbm4b:s17+s4], $0x80, v36, vm2, $0xb8;
	[tilespmem:$0x1BA80] =	vst v63  }
0x278: {  	s12 =	simm.s32 $0x16A80  }
0x279: {  	[tilespmem:s12], [sflag:$0x4] =	stream.indirect_vreg.gather [hbm4b:s19+s4], $0x80, v36, vm2, $0xb8;
	[tilespmem:$0x1BA80] =	vst v63  }
0x27a: {  	s14 =	simm.s32 $0x17280  }
0x27b: {  	[tilespmem:s14], [sflag:$0x4] =	stream.indirect_vreg.gather [hbm4b:s6+s4], $0x80, v33, vm2, $0xb8;
	[tilespmem:$0x1BA80] =	vst v63  }
0x27c: {  	s16 =	simm.s32 $0x17A80  }
0x27d: {  	[tilespmem:s16], [sflag:$0x4] =	stream.indirect_vreg.gather [hbm4b:s17+s4], $0x80, v33, vm2, $0xb8;
	[tilespmem:$0x1BA80] =	vst v63  }
0x27e: {  	s26 =	simm.s32 $0x18280  }
0x27f: {  	[tilespmem:s26], [sflag:$0x4] =	stream.indirect_vreg.gather [hbm4b:s19+s4], $0x80, v33, vm2, $0xb8;
	[tilespmem:$0x1BA80] =	vst v63  }
0x280: {  	v33 =	vld [tilespmem:$0x3070];
	_ =	sdelay $0x4  }
0x281: {  	v63 =	vshrl.u32 v33, $0x3  }
0x282: {  	v34 =	vmul.u32 $0x30, v63  }
0x283: {  	v33 =	vand.u32 $0x7, v33  }
0x284: {  	v33 =	vor.u32 v33, v34  }
0x285: {  	v34 =	vperm.xlane v33, v17;
	_ =	sdelay $0x1  }
0x286: {  	v34 =	vadd.s32 v18, v34;
	_ =	sdelay $0x3  }
0x287: {  	s2 =	simm.s32 $0x18A80;
	v33 =	vperm.xlane v33, v19  }
0x288: {  	[tilespmem:s2], [sflag:$0x4] =	stream.indirect_vreg.gather [hbm4b:s6+s4], $0x80, v34, vm2, $0xb8;
	[tilespmem:$0x1BA80] =	vst v63  }
0x289: {  	s8 =	simm.s32 $0x19280;
	v33 =	vadd.s32 v18, v33  }
0x28a: {  	[tilespmem:s8], [sflag:$0x4] =	stream.indirect_vreg.gather [hbm4b:s17+s4], $0x80, v34, vm2, $0xb8;
	[tilespmem:$0x1BA80] =	vst v63  }
0x28b: {  	s12 =	simm.s32 $0x19A80  }
0x28c: {  	[tilespmem:s12], [sflag:$0x4] =	stream.indirect_vreg.gather [hbm4b:s19+s4], $0x80, v34, vm2, $0xb8;
	[tilespmem:$0x1BA80] =	vst v63  }
0x28d: {  	s14 =	simm.s32 $0x1A280  }
0x28e: {  	[tilespmem:s14], [sflag:$0x4] =	stream.indirect_vreg.gather [hbm4b:s6+s4], $0x80, v33, vm2, $0xb8;
	[tilespmem:$0x1BA80] =	vst v63  }
0x28f: {  	s16 =	simm.s32 $0x1AA80  }
0x290: {  	[tilespmem:s16], [sflag:$0x4] =	stream.indirect_vreg.gather [hbm4b:s17+s4], $0x80, v33, vm2, $0xb8;
	[tilespmem:$0x1BA80] =	vst v63  }
0x291: {  	s26 =	simm.s32 $0x1B280;
	s2 =	simm.s32 $0x9;
	s8 =	simm.s32 $0x3080  }
0x292: {  	[tilespmem:s26], [sflag:$0x4] =	stream.indirect_vreg.gather [hbm4b:s19+s4], $0x80, v33, vm2, $0xb8;
	[tilespmem:$0x1BA80] =	vst v63  }
0x293: {  	s14 =	simm.s32 $0x1E0;
	s16 =	rddreg [dreg:$0x3];
	s26 =	simm.s32 $0xE0  }
.LBB2_6:
0x294: {  	p2 =	seq.s32 s14, $0x10E0  }
0x295: {  	v33 =	vlaneseq.u32 @!p2  }
0x296: {  	v33 =	vmul.u32 @!p2 $0x2, v33;
	_ =	sdelay $0x1  }
0x297: {  	s12 =	sadd.s32 @!p2 $0xFFFFFF20, s14;
	v34 =	vor.u32 @!p2 $0x1, v33  }
0x298: {  	v35 =	vor.u32 @!p2 s12, v34;
	_ =	sdelay $0x1  }
0x299: {  	v36 =	vor.u32 @!p2 s12, v33;
	_ =	sdelay $0x1  }
0x29a: {  	s12 =	simm.s32 @!p2 $0x2000  }
0x29b: {  	v35 =	vld.idx.msk @!p2 [tilespmem:v35+s12+$0x0], $0xffff;
	_ =	sdelay $0x1  }
0x29c: {  	v36 =	vld.idx.msk @!p2 [tilespmem:v36+s12+$0x0], $0xffff;
	_ =	sdelay $0x2  }
0x29d: {  	v35 =	vmul.f32 @!p2 v35, v32;
	_ =	sdelay $0x1  }
0x29e: {  	v36 =	vmul.f32 @!p2 v36, v32;
	v35 =	vmul.f32 @!p2 $3.300000000e+01, v35;
	_ =	sdelay $0x1  }
0x29f: {  	v36 =	vmul.f32 @!p2 $3.300000000e+01, v36;
	v35 =	vtrunc.f32 @!p2 v35  }
0x2a0: {  	v35 =	vcvt.f32.s32 @!p2 v35  }
0x2a1: {  	v36 =	vtrunc.f32 @!p2 v36  }
0x2a2: {  	v36 =	vcvt.f32.s32 @!p2 v36;
	vm3 =	vgt.s32 @!p2 v35, $0x0  }
0x2a3: {  	s1 =	sadd.s32 @!p2 $0xFFFFFF40, s14;
	v35 =	vnsel @!p2 vm3, $0x0, v35  }
0x2a4: {  	v34 =	vor.u32 @!p2 s1, v34;
	vm3 =	vgt.s32 @!p2 v36, $0x0;
	v35 =	vmin.u32 @!p2 v35, $0x21  }
0x2a5: {  	v36 =	vnsel @!p2 vm3, $0x0, v36;
	v35 =	vmul.u32 @!p2 $0x28, v35  }
0x2a6: {  	v33 =	vor.u32 @!p2 s1, v33;
	v36 =	vmin.u32 @!p2 v36, $0x21  }
0x2a7: {  	v35 =	vadd.s32 @!p2 v36, v35  }
0x2a8: {  	[tilespmem:s8+$0x0] =	vst @!p2 v35  }
0x2a9: {  	v34 =	vld.idx.msk @!p2 [tilespmem:v34+s12+$0x0], $0xffff;
	_ =	sdelay $0x1  }
0x2aa: {  	v33 =	vld.idx.msk @!p2 [tilespmem:v33+s12+$0x0], $0xffff;
	_ =	sdelay $0x2  }
0x2ab: {  	v34 =	vmul.f32 @!p2 v34, v32;
	_ =	sdelay $0x1  }
0x2ac: {  	v33 =	vmul.f32 @!p2 v33, v32;
	v34 =	vmul.f32 @!p2 $3.300000000e+01, v34;
	_ =	sdelay $0x1  }
0x2ad: {  	v33 =	vmul.f32 @!p2 $3.300000000e+01, v33;
	v34 =	vtrunc.f32 @!p2 v34  }
0x2ae: {  	v34 =	vcvt.f32.s32 @!p2 v34  }
0x2af: {  	v33 =	vtrunc.f32 @!p2 v33  }
0x2b0: {  	v33 =	vcvt.f32.s32 @!p2 v33;
	vm3 =	vgt.s32 @!p2 v34, $0x0  }
0x2b1: {  	v34 =	vnsel @!p2 vm3, $0x0, v34  }
0x2b2: {  	vm3 =	vgt.s32 @!p2 v33, $0x0;
	v34 =	vmin.u32 @!p2 v34, $0x21  }
0x2b3: {  	v33 =	vnsel @!p2 vm3, $0x0, v33;
	v34 =	vmul.u32 @!p2 $0x28, v34  }
0x2b4: {  	v33 =	vmin.u32 @!p2 v33, $0x21  }
0x2b5: {  	v33 =	vadd.s32 @!p2 v33, v34  }
.Ltmp4:
0x2b6: {  	[tilespmem:s8+$0x10] =	vst @!p2 v33;
	(pc) =	sbr.rel @p2 .LBB2_8-.Ltmp4, $4  }
0x2b7: {  	_ =	swait.ge [sflag:s24], $0x6000  }
0x2b8: {  	[sflag:s24] =	ssyncset.done $0x0  }
0x2b9: {  	s12 =	sadd.s32 s16, s23;
	[sflag:s24] =	ssyncadd.s32 $0xFFFFA000  }
0x2ba: {  	[hbm4b:s12+s4] =	stream.linear.scatter [tilespmem:s31], [sflag:$0x5], $0x6000, $0x38;
	[tilespmem:$0x1BA80] =	vst v63  }
0x2bb: {  	_ =	swait.ge [sflag:s13], $0x6000  }
0x2bc: {  	[sflag:s13] =	ssyncset.done $0x0  }
0x2bd: {  	[sflag:s13] =	ssyncadd.s32 $0xFFFFA000  }
0x2be: {  	v33 =	vld [tilespmem:s8+$0x0];
	_ =	sdelay $0x4  }
0x2bf: {  	v34 =	vshrl.u32 v33, $0x3  }
0x2c0: {  	v34 =	vmul.u32 $0x30, v34  }
0x2c1: {  	v33 =	vand.u32 $0x7, v33  }
0x2c2: {  	v33 =	vor.u32 v33, v34  }
0x2c3: {  	v34 =	vperm.xlane v33, v17;
	_ =	sdelay $0x1  }
0x2c4: {  	v34 =	vadd.s32 v18, v34;
	_ =	sdelay $0x3  }
0x2c5: {  	v33 =	vperm.xlane v33, v19  }
0x2c6: {  	[tilespmem:s31], [sflag:$0x1] =	stream.indirect_vreg.gather [hbm4b:s6+s4], $0x80, v34, vm2, $0xb8;
	[tilespmem:$0x1BA80] =	vst v63  }
0x2c7: {  	v33 =	vadd.s32 v18, v33  }
0x2c8: {  	[tilespmem:s0], [sflag:$0x1] =	stream.indirect_vreg.gather [hbm4b:s17+s4], $0x80, v34, vm2, $0xb8;
	[tilespmem:$0x1BA80] =	vst v63  }
0x2c9: {  	_ = 	snop  }
0x2ca: {  	[tilespmem:s3], [sflag:$0x1] =	stream.indirect_vreg.gather [hbm4b:s19+s4], $0x80, v34, vm2, $0xb8;
	[tilespmem:$0x1BA80] =	vst v63  }
0x2cb: {  	s1 =	simm.s32 $0x5280  }
0x2cc: {  	[tilespmem:s1], [sflag:$0x1] =	stream.indirect_vreg.gather [hbm4b:s6+s4], $0x80, v33, vm2, $0xb8;
	[tilespmem:$0x1BA80] =	vst v63  }
0x2cd: {  	s12 =	simm.s32 $0x5A80  }
0x2ce: {  	[tilespmem:s12], [sflag:$0x1] =	stream.indirect_vreg.gather [hbm4b:s17+s4], $0x80, v33, vm2, $0xb8;
	[tilespmem:$0x1BA80] =	vst v63  }
0x2cf: {  	s12 =	simm.s32 $0x6280  }
0x2d0: {  	[tilespmem:s12], [sflag:$0x1] =	stream.indirect_vreg.gather [hbm4b:s19+s4], $0x80, v33, vm2, $0xb8;
	[tilespmem:$0x1BA80] =	vst v63  }
0x2d1: {  	v33 =	vld [tilespmem:s8+$0x10];
	_ =	sdelay $0x4  }
0x2d2: {  	v59 =	vshrl.u32 v33, $0x3  }
0x2d3: {  	v34 =	vmul.u32 $0x30, v59  }
0x2d4: {  	v33 =	vand.u32 $0x7, v33  }
0x2d5: {  	v33 =	vor.u32 v33, v34  }
0x2d6: {  	v34 =	vperm.xlane v33, v17;
	_ =	sdelay $0x1  }
0x2d7: {  	v34 =	vadd.s32 v18, v34;
	_ =	sdelay $0x3  }
0x2d8: {  	s12 =	simm.s32 $0x6A80;
	v33 =	vperm.xlane v33, v19  }
0x2d9: {  	[tilespmem:s12], [sflag:$0x1] =	stream.indirect_vreg.gather [hbm4b:s6+s4], $0x80, v34, vm2, $0xb8;
	[tilespmem:$0x1BA80] =	vst v63  }
0x2da: {  	v33 =	vadd.s32 v18, v33;
	s12 =	simm.s32 $0x7280  }
0x2db: {  	[tilespmem:s12], [sflag:$0x1] =	stream.indirect_vreg.gather [hbm4b:s17+s4], $0x80, v34, vm2, $0xb8;
	[tilespmem:$0x1BA80] =	vst v63  }
0x2dc: {  	s12 =	simm.s32 $0x7A80  }
0x2dd: {  	[tilespmem:s12], [sflag:$0x1] =	stream.indirect_vreg.gather [hbm4b:s19+s4], $0x80, v34, vm2, $0xb8;
	[tilespmem:$0x1BA80] =	vst v63  }
0x2de: {  	s1 =	sadd.s32 $0xFFFFFF60, s14;
	s12 =	simm.s32 $0x8280  }
0x2df: {  	v60 =	vor.u32 s1, v21;
	[tilespmem:s12], [sflag:$0x1] =	stream.indirect_vreg.gather [hbm4b:s6+s4], $0x80, v33, vm2, $0xb8;
	[tilespmem:$0x1BA80] =	vst v63  }
0x2e0: {  	s12 =	simm.s32 $0x8A80  }
0x2e1: {  	v35 =	vor.u32 s1, v10;
	[tilespmem:s12], [sflag:$0x1] =	stream.indirect_vreg.gather [hbm4b:s17+s4], $0x80, v33, vm2, $0xb8;
	[tilespmem:$0x1BA80] =	vst v63  }
0x2e2: {  	s12 =	simm.s32 $0x9280  }
0x2e3: {  	[tilespmem:s12], [sflag:$0x1] =	stream.indirect_vreg.gather [hbm4b:s19+s4], $0x80, v33, vm2, $0xb8;
	[tilespmem:$0x1BA80] =	vst v63  }
0x2e4: {  	v33 =	vld.idx.msk [tilespmem:v60+s29+$0x0], $0xffff;
	_ =	sdelay $0x1  }
0x2e5: {  	v61 =	vld.idx.msk [tilespmem:v35+s29+$0x0], $0xffff;
	_ =	sdelay $0x2  }
0x2e6: {  	v33 =	vmul.f32 v33, v32;
	_ =	sdelay $0x1  }
0x2e7: {  	v34 =	vmul.f32 v61, v32;
	v33 =	vmul.f32 $3.300000000e+01, v33;
	_ =	sdelay $0x1  }
0x2e8: {  	v34 =	vmul.f32 $3.300000000e+01, v34;
	v33 =	vtrunc.f32 v33  }
0x2e9: {  	v33 =	vcvt.f32.s32 v33  }
0x2ea: {  	v34 =	vtrunc.f32 v34  }
0x2eb: {  	v34 =	vcvt.f32.s32 v34;
	vm3 =	vgt.s32 v33, $0x0  }
0x2ec: {  	s12 =	sadd.s32 $0xFFFFFF80, s14;
	v33 =	vnsel vm3, $0x0, v33  }
0x2ed: {  	v62 =	vor.u32 s12, v14;
	vm3 =	vgt.s32 v34, $0x0;
	v33 =	vmin.u32 v33, $0x21  }
0x2ee: {  	v34 =	vnsel vm3, $0x0, v34;
	v33 =	vmul.u32 $0x28, v33  }
0x2ef: {  	v36 =	vor.u32 s12, v10;
	v34 =	vmin.u32 v34, $0x21  }
0x2f0: {  	v33 =	vadd.s32 v34, v33  }
0x2f1: {  	[tilespmem:s8+$0x20] =	vst v33  }
0x2f2: {  	v33 =	vld.idx.msk [tilespmem:v62+s29+$0x0], $0xffff;
	_ =	sdelay $0x1  }
0x2f3: {  	v63 =	vld.idx.msk [tilespmem:v36+s29+$0x0], $0xffff;
	_ =	sdelay $0x2  }
0x2f4: {  	v33 =	vmul.f32 v33, v32;
	_ =	sdelay $0x1  }
0x2f5: {  	v34 =	vmul.f32 v63, v32;
	v33 =	vmul.f32 $3.300000000e+01, v33;
	_ =	sdelay $0x1  }
0x2f6: {  	v34 =	vmul.f32 $3.300000000e+01, v34;
	v33 =	vtrunc.f32 v33  }
0x2f7: {  	v33 =	vcvt.f32.s32 v33  }
0x2f8: {  	v34 =	vtrunc.f32 v34  }
0x2f9: {  	v34 =	vcvt.f32.s32 v34;
	vm3 =	vgt.s32 v33, $0x0  }
0x2fa: {  	v33 =	vnsel vm3, $0x0, v33  }
0x2fb: {  	vm3 =	vgt.s32 v34, $0x0;
	v33 =	vmin.u32 v33, $0x21  }
0x2fc: {  	v34 =	vnsel vm3, $0x0, v34;
	v33 =	vmul.u32 $0x28, v33  }
0x2fd: {  	s12 =	sadd.s32 $0xFFFFFFC0, s26;
	v34 =	vmin.u32 v34, $0x21  }
0x2fe: {  	s1 =	sor.u32 $0x30, s12;
	v33 =	vadd.s32 v34, v33  }
0x2ff: {  	[tilespmem:s1+$0x3000] =	vst v33  }
.LBB2_8:
.Ltmp5:
0x300: {  	(pc) =	sbr.rel @p2 .LBB2_10-.Ltmp5, $4  }
0x301: {  	_ =	swait.ge [sflag:s25], $0x6000  }
0x302: {  	[sflag:s25] =	ssyncset.done $0x0  }
0x303: {  	s1 =	sadd.s32 s16, s21;
	[sflag:s25] =	ssyncadd.s32 $0xFFFFA000  }
0x304: {  	[hbm4b:s1+s4] =	stream.linear.scatter [tilespmem:s9], [sflag:$0x6], $0x6000, $0x38;
	[tilespmem:$0x1BA80] =	vst v63  }
0x305: {  	_ =	swait.ge [sflag:s10], $0x6000  }
0x306: {  	[sflag:s10] =	ssyncset.done $0x0  }
0x307: {  	[sflag:s10] =	ssyncadd.s32 $0xFFFFA000  }
0x308: {  	v33 =	vld [tilespmem:s8+$0x20];
	_ =	sdelay $0x4  }
0x309: {  	v34 =	vshrl.u32 v33, $0x3  }
0x30a: {  	v34 =	vmul.u32 $0x30, v34  }
0x30b: {  	v33 =	vand.u32 $0x7, v33  }
0x30c: {  	v33 =	vor.u32 v33, v34  }
0x30d: {  	v34 =	vperm.xlane v33, v17;
	_ =	sdelay $0x1  }
0x30e: {  	v34 =	vadd.s32 v18, v34;
	_ =	sdelay $0x3  }
0x30f: {  	v33 =	vperm.xlane v33, v19  }
0x310: {  	[tilespmem:s9], [sflag:$0x2] =	stream.indirect_vreg.gather [hbm4b:s6+s4], $0x80, v34, vm2, $0xb8;
	[tilespmem:$0x1BA80] =	vst v63  }
0x311: {  	v33 =	vadd.s32 v18, v33  }
0x312: {  	[tilespmem:s28], [sflag:$0x2] =	stream.indirect_vreg.gather [hbm4b:s17+s4], $0x80, v34, vm2, $0xb8;
	[tilespmem:$0x1BA80] =	vst v63  }
0x313: {  	s1 =	simm.s32 $0xAA80  }
0x314: {  	[tilespmem:s1], [sflag:$0x2] =	stream.indirect_vreg.gather [hbm4b:s19+s4], $0x80, v34, vm2, $0xb8;
	[tilespmem:$0x1BA80] =	vst v63  }
0x315: {  	s12 =	simm.s32 $0xB280  }
0x316: {  	[tilespmem:s12], [sflag:$0x2] =	stream.indirect_vreg.gather [hbm4b:s6+s4], $0x80, v33, vm2, $0xb8;
	[tilespmem:$0x1BA80] =	vst v63  }
0x317: {  	s12 =	simm.s32 $0xBA80  }
0x318: {  	[tilespmem:s12], [sflag:$0x2] =	stream.indirect_vreg.gather [hbm4b:s17+s4], $0x80, v33, vm2, $0xb8;
	[tilespmem:$0x1BA80] =	vst v63  }
0x319: {  	s12 =	simm.s32 $0xC280  }
0x31a: {  	[tilespmem:s12], [sflag:$0x2] =	stream.indirect_vreg.gather [hbm4b:s19+s4], $0x80, v33, vm2, $0xb8;
	[tilespmem:$0x1BA80] =	vst v63  }
0x31b: {  	v33 =	vld [tilespmem:s8+$0x30];
	_ =	sdelay $0x4  }
0x31c: {  	v59 =	vshrl.u32 v33, $0x3  }
0x31d: {  	v34 =	vmul.u32 $0x30, v59  }
0x31e: {  	v33 =	vand.u32 $0x7, v33  }
0x31f: {  	v33 =	vor.u32 v33, v34  }
0x320: {  	v34 =	vperm.xlane v33, v17;
	_ =	sdelay $0x1  }
0x321: {  	v34 =	vadd.s32 v18, v34;
	_ =	sdelay $0x3  }
0x322: {  	s12 =	simm.s32 $0xCA80;
	v33 =	vperm.xlane v33, v19  }
0x323: {  	[tilespmem:s12], [sflag:$0x2] =	stream.indirect_vreg.gather [hbm4b:s6+s4], $0x80, v34, vm2, $0xb8;
	[tilespmem:$0x1BA80] =	vst v63  }
0x324: {  	v33 =	vadd.s32 v18, v33;
	s12 =	simm.s32 $0xD280  }
0x325: {  	[tilespmem:s12], [sflag:$0x2] =	stream.indirect_vreg.gather [hbm4b:s17+s4], $0x80, v34, vm2, $0xb8;
	[tilespmem:$0x1BA80] =	vst v63  }
0x326: {  	s12 =	simm.s32 $0xDA80  }
0x327: {  	[tilespmem:s12], [sflag:$0x2] =	stream.indirect_vreg.gather [hbm4b:s19+s4], $0x80, v34, vm2, $0xb8;
	[tilespmem:$0x1BA80] =	vst v63  }
0x328: {  	s1 =	sadd.s32 $0xFFFFFFA0, s14;
	s12 =	simm.s32 $0xE280  }
0x329: {  	v60 =	vor.u32 s1, v14;
	[tilespmem:s12], [sflag:$0x2] =	stream.indirect_vreg.gather [hbm4b:s6+s4], $0x80, v33, vm2, $0xb8;
	[tilespmem:$0x1BA80] =	vst v63  }
0x32a: {  	s12 =	simm.s32 $0xEA80  }
0x32b: {  	v35 =	vor.u32 s1, v10;
	[tilespmem:s12], [sflag:$0x2] =	stream.indirect_vreg.gather [hbm4b:s17+s4], $0x80, v33, vm2, $0xb8;
	[tilespmem:$0x1BA80] =	vst v63  }
0x32c: {  	s12 =	simm.s32 $0xF280  }
0x32d: {  	[tilespmem:s12], [sflag:$0x2] =	stream.indirect_vreg.gather [hbm4b:s19+s4], $0x80, v33, vm2, $0xb8;
	[tilespmem:$0x1BA80] =	vst v63  }
0x32e: {  	v33 =	vld.idx.msk [tilespmem:v60+s29+$0x0], $0xffff;
	_ =	sdelay $0x1  }
0x32f: {  	v61 =	vld.idx.msk [tilespmem:v35+s29+$0x0], $0xffff;
	_ =	sdelay $0x2  }
0x330: {  	v33 =	vmul.f32 v33, v32;
	_ =	sdelay $0x1  }
0x331: {  	v34 =	vmul.f32 v61, v32;
	v33 =	vmul.f32 $3.300000000e+01, v33;
	_ =	sdelay $0x1  }
0x332: {  	v34 =	vmul.f32 $3.300000000e+01, v34;
	v33 =	vtrunc.f32 v33  }
0x333: {  	v33 =	vcvt.f32.s32 v33  }
0x334: {  	v34 =	vtrunc.f32 v34  }
0x335: {  	v34 =	vcvt.f32.s32 v34;
	vm3 =	vgt.s32 v33, $0x0  }
0x336: {  	s12 =	sadd.s32 $0xFFFFFFC0, s14;
	v33 =	vnsel vm3, $0x0, v33  }
0x337: {  	v62 =	vor.u32 s12, v14;
	vm3 =	vgt.s32 v34, $0x0;
	v33 =	vmin.u32 v33, $0x21  }
0x338: {  	v34 =	vnsel vm3, $0x0, v34;
	v33 =	vmul.u32 $0x28, v33  }
0x339: {  	v36 =	vor.u32 s12, v10;
	v34 =	vmin.u32 v34, $0x21  }
0x33a: {  	v33 =	vadd.s32 v34, v33  }
0x33b: {  	[tilespmem:s8+$0x40] =	vst v33  }
0x33c: {  	v33 =	vld.idx.msk [tilespmem:v62+s29+$0x0], $0xffff;
	_ =	sdelay $0x1  }
0x33d: {  	v63 =	vld.idx.msk [tilespmem:v36+s29+$0x0], $0xffff;
	_ =	sdelay $0x2  }
0x33e: {  	v33 =	vmul.f32 v33, v32;
	_ =	sdelay $0x1  }
0x33f: {  	v34 =	vmul.f32 v63, v32;
	v33 =	vmul.f32 $3.300000000e+01, v33;
	_ =	sdelay $0x1  }
0x340: {  	v34 =	vmul.f32 $3.300000000e+01, v34;
	v33 =	vtrunc.f32 v33  }
0x341: {  	v33 =	vcvt.f32.s32 v33  }
0x342: {  	v34 =	vtrunc.f32 v34  }
0x343: {  	v34 =	vcvt.f32.s32 v34;
	vm3 =	vgt.s32 v33, $0x0  }
0x344: {  	v33 =	vnsel vm3, $0x0, v33  }
0x345: {  	vm3 =	vgt.s32 v34, $0x0;
	v33 =	vmin.u32 v33, $0x21  }
0x346: {  	v34 =	vnsel vm3, $0x0, v34;
	v33 =	vmul.u32 $0x28, v33  }
0x347: {  	s12 =	sadd.s32 $0xFFFFFFE0, s26;
	v34 =	vmin.u32 v34, $0x21  }
0x348: {  	s1 =	sor.u32 $0x50, s12;
	v33 =	vadd.s32 v34, v33  }
0x349: {  	[tilespmem:s1+$0x3000] =	vst v33  }
.LBB2_10:
.Ltmp6:
0x34a: {  	(pc) =	sbr.rel @p2 .LBB2_12-.Ltmp6, $4  }
0x34b: {  	_ =	swait.ge [sflag:s15], $0x6000  }
0x34c: {  	[sflag:s15] =	ssyncset.done $0x0  }
0x34d: {  	s1 =	sadd.s32 s16, s20;
	[sflag:s15] =	ssyncadd.s32 $0xFFFFA000  }
0x34e: {  	[hbm4b:s1+s4] =	stream.linear.scatter [tilespmem:s22], [sflag:$0x7], $0x6000, $0x38;
	[tilespmem:$0x1BA80] =	vst v63  }
0x34f: {  	_ =	swait.ge [sflag:s11], $0x6000  }
0x350: {  	[sflag:s11] =	ssyncset.done $0x0  }
0x351: {  	[sflag:s11] =	ssyncadd.s32 $0xFFFFA000  }
0x352: {  	v33 =	vld [tilespmem:s8+$0x40];
	_ =	sdelay $0x4  }
0x353: {  	v34 =	vshrl.u32 v33, $0x3  }
0x354: {  	v34 =	vmul.u32 $0x30, v34  }
0x355: {  	v33 =	vand.u32 $0x7, v33  }
0x356: {  	v33 =	vor.u32 v33, v34  }
0x357: {  	v34 =	vperm.xlane v33, v17;
	_ =	sdelay $0x1  }
0x358: {  	v34 =	vadd.s32 v18, v34;
	_ =	sdelay $0x3  }
0x359: {  	v33 =	vperm.xlane v33, v19  }
0x35a: {  	[tilespmem:s22], [sflag:$0x3] =	stream.indirect_vreg.gather [hbm4b:s6+s4], $0x80, v34, vm2, $0xb8;
	[tilespmem:$0x1BA80] =	vst v63  }
0x35b: {  	s1 =	simm.s32 $0x10280;
	v33 =	vadd.s32 v18, v33  }
0x35c: {  	[tilespmem:s1], [sflag:$0x3] =	stream.indirect_vreg.gather [hbm4b:s17+s4], $0x80, v34, vm2, $0xb8;
	[tilespmem:$0x1BA80] =	vst v63  }
0x35d: {  	s12 =	simm.s32 $0x10A80  }
0x35e: {  	[tilespmem:s12], [sflag:$0x3] =	stream.indirect_vreg.gather [hbm4b:s19+s4], $0x80, v34, vm2, $0xb8;
	[tilespmem:$0x1BA80] =	vst v63  }
0x35f: {  	s12 =	simm.s32 $0x11280  }
0x360: {  	[tilespmem:s12], [sflag:$0x3] =	stream.indirect_vreg.gather [hbm4b:s6+s4], $0x80, v33, vm2, $0xb8;
	[tilespmem:$0x1BA80] =	vst v63  }
0x361: {  	s12 =	simm.s32 $0x11A80  }
0x362: {  	[tilespmem:s12], [sflag:$0x3] =	stream.indirect_vreg.gather [hbm4b:s17+s4], $0x80, v33, vm2, $0xb8;
	[tilespmem:$0x1BA80] =	vst v63  }
0x363: {  	s12 =	simm.s32 $0x12280  }
0x364: {  	[tilespmem:s12], [sflag:$0x3] =	stream.indirect_vreg.gather [hbm4b:s19+s4], $0x80, v33, vm2, $0xb8;
	[tilespmem:$0x1BA80] =	vst v63  }
0x365: {  	v33 =	vld [tilespmem:s8+$0x50];
	_ =	sdelay $0x4  }
0x366: {  	v59 =	vshrl.u32 v33, $0x3  }
0x367: {  	v34 =	vmul.u32 $0x30, v59  }
0x368: {  	v33 =	vand.u32 $0x7, v33  }
0x369: {  	v33 =	vor.u32 v33, v34  }
0x36a: {  	v34 =	vperm.xlane v33, v17;
	_ =	sdelay $0x1  }
0x36b: {  	v34 =	vadd.s32 v18, v34;
	_ =	sdelay $0x3  }
0x36c: {  	s12 =	simm.s32 $0x12A80;
	v33 =	vperm.xlane v33, v19  }
0x36d: {  	[tilespmem:s12], [sflag:$0x3] =	stream.indirect_vreg.gather [hbm4b:s6+s4], $0x80, v34, vm2, $0xb8;
	[tilespmem:$0x1BA80] =	vst v63  }
0x36e: {  	v33 =	vadd.s32 v18, v33;
	s12 =	simm.s32 $0x13280  }
0x36f: {  	[tilespmem:s12], [sflag:$0x3] =	stream.indirect_vreg.gather [hbm4b:s17+s4], $0x80, v34, vm2, $0xb8;
	[tilespmem:$0x1BA80] =	vst v63  }
0x370: {  	s12 =	simm.s32 $0x13A80  }
0x371: {  	[tilespmem:s12], [sflag:$0x3] =	stream.indirect_vreg.gather [hbm4b:s19+s4], $0x80, v34, vm2, $0xb8;
	[tilespmem:$0x1BA80] =	vst v63  }
0x372: {  	s1 =	sadd.s32 $0xFFFFFFE0, s14;
	s12 =	simm.s32 $0x14280  }
0x373: {  	v60 =	vor.u32 s1, v21;
	[tilespmem:s12], [sflag:$0x3] =	stream.indirect_vreg.gather [hbm4b:s6+s4], $0x80, v33, vm2, $0xb8;
	[tilespmem:$0x1BA80] =	vst v63  }
0x374: {  	s12 =	simm.s32 $0x14A80  }
0x375: {  	v35 =	vor.u32 s1, v10;
	[tilespmem:s12], [sflag:$0x3] =	stream.indirect_vreg.gather [hbm4b:s17+s4], $0x80, v33, vm2, $0xb8;
	[tilespmem:$0x1BA80] =	vst v63  }
0x376: {  	s12 =	simm.s32 $0x15280  }
0x377: {  	[tilespmem:s12], [sflag:$0x3] =	stream.indirect_vreg.gather [hbm4b:s19+s4], $0x80, v33, vm2, $0xb8;
	[tilespmem:$0x1BA80] =	vst v63  }
0x378: {  	v33 =	vld.idx.msk [tilespmem:v60+s29+$0x0], $0xffff;
	_ =	sdelay $0x1  }
0x379: {  	v61 =	vld.idx.msk [tilespmem:v35+s29+$0x0], $0xffff;
	_ =	sdelay $0x2  }
0x37a: {  	v33 =	vmul.f32 v33, v32;
	_ =	sdelay $0x1  }
0x37b: {  	v34 =	vmul.f32 v61, v32;
	v33 =	vmul.f32 $3.300000000e+01, v33;
	_ =	sdelay $0x1  }
0x37c: {  	v34 =	vmul.f32 $3.300000000e+01, v34;
	v33 =	vtrunc.f32 v33  }
0x37d: {  	v33 =	vcvt.f32.s32 v33  }
0x37e: {  	v34 =	vtrunc.f32 v34  }
0x37f: {  	v34 =	vcvt.f32.s32 v34;
	vm3 =	vgt.s32 v33, $0x0  }
0x380: {  	v33 =	vnsel vm3, $0x0, v33  }
0x381: {  	v62 =	vor.u32 s14, v14;
	vm3 =	vgt.s32 v34, $0x0;
	v33 =	vmin.u32 v33, $0x21  }
0x382: {  	v34 =	vnsel vm3, $0x0, v34;
	v33 =	vmul.u32 $0x28, v33  }
0x383: {  	v36 =	vor.u32 s14, v10;
	v34 =	vmin.u32 v34, $0x21  }
0x384: {  	v33 =	vadd.s32 v34, v33  }
0x385: {  	[tilespmem:s8+$0x60] =	vst v33  }
0x386: {  	v33 =	vld.idx.msk [tilespmem:v62+s29+$0x0], $0xffff;
	_ =	sdelay $0x1  }
0x387: {  	v63 =	vld.idx.msk [tilespmem:v36+s29+$0x0], $0xffff;
	_ =	sdelay $0x2  }
0x388: {  	v33 =	vmul.f32 v33, v32;
	_ =	sdelay $0x1  }
0x389: {  	v34 =	vmul.f32 v63, v32;
	v33 =	vmul.f32 $3.300000000e+01, v33;
	_ =	sdelay $0x1  }
0x38a: {  	v34 =	vmul.f32 $3.300000000e+01, v34;
	v33 =	vtrunc.f32 v33  }
0x38b: {  	v33 =	vcvt.f32.s32 v33  }
0x38c: {  	v34 =	vtrunc.f32 v34  }
0x38d: {  	v34 =	vcvt.f32.s32 v34;
	vm3 =	vgt.s32 v33, $0x0  }
0x38e: {  	v33 =	vnsel vm3, $0x0, v33  }
0x38f: {  	vm3 =	vgt.s32 v34, $0x0;
	v33 =	vmin.u32 v33, $0x21  }
0x390: {  	v34 =	vnsel vm3, $0x0, v34;
	v33 =	vmul.u32 $0x28, v33  }
0x391: {  	v34 =	vmin.u32 v34, $0x21  }
0x392: {  	s12 =	sor.u32 $0x70, s26;
	v33 =	vadd.s32 v34, v33  }
0x393: {  	[tilespmem:s12+$0x3000] =	vst v33  }
.LBB2_12:
.Ltmp7:
0x394: {  	(pc) =	sbr.rel @p2 .LBB2_14-.Ltmp7, $4  }
0x395: {  	_ =	swait.ge [sflag:s7], $0x6000  }
0x396: {  	[sflag:s7] =	ssyncset.done $0x0  }
0x397: {  	s1 =	sadd.s32 s16, s18;
	[sflag:s7] =	ssyncadd.s32 $0xFFFFA000  }
0x398: {  	[hbm4b:s1+s4] =	stream.linear.scatter [tilespmem:s5], [sflag:$0x8], $0x6000, $0x38;
	[tilespmem:$0x1BA80] =	vst v63  }
0x399: {  	_ =	swait.ge [sflag:s30], $0x6000  }
0x39a: {  	[sflag:s30] =	ssyncset.done $0x0  }
0x39b: {  	[sflag:s30] =	ssyncadd.s32 $0xFFFFA000  }
0x39c: {  	v33 =	vld [tilespmem:s8+$0x60];
	_ =	sdelay $0x4  }
0x39d: {  	v34 =	vshrl.u32 v33, $0x3  }
0x39e: {  	v34 =	vmul.u32 $0x30, v34  }
0x39f: {  	v33 =	vand.u32 $0x7, v33  }
0x3a0: {  	v33 =	vor.u32 v33, v34  }
0x3a1: {  	v34 =	vperm.xlane v33, v17;
	_ =	sdelay $0x1  }
0x3a2: {  	v34 =	vadd.s32 v18, v34;
	_ =	sdelay $0x3  }
0x3a3: {  	v33 =	vperm.xlane v33, v19  }
0x3a4: {  	[tilespmem:s5], [sflag:$0x4] =	stream.indirect_vreg.gather [hbm4b:s6+s4], $0x80, v34, vm2, $0xb8;
	[tilespmem:$0x1BA80] =	vst v63  }
0x3a5: {  	s1 =	simm.s32 $0x16280;
	v33 =	vadd.s32 v18, v33  }
0x3a6: {  	[tilespmem:s1], [sflag:$0x4] =	stream.indirect_vreg.gather [hbm4b:s17+s4], $0x80, v34, vm2, $0xb8;
	[tilespmem:$0x1BA80] =	vst v63  }
0x3a7: {  	s12 =	simm.s32 $0x16A80  }
0x3a8: {  	[tilespmem:s12], [sflag:$0x4] =	stream.indirect_vreg.gather [hbm4b:s19+s4], $0x80, v34, vm2, $0xb8;
	[tilespmem:$0x1BA80] =	vst v63  }
0x3a9: {  	s12 =	simm.s32 $0x17280  }
0x3aa: {  	[tilespmem:s12], [sflag:$0x4] =	stream.indirect_vreg.gather [hbm4b:s6+s4], $0x80, v33, vm2, $0xb8;
	[tilespmem:$0x1BA80] =	vst v63  }
0x3ab: {  	s12 =	simm.s32 $0x17A80  }
0x3ac: {  	[tilespmem:s12], [sflag:$0x4] =	stream.indirect_vreg.gather [hbm4b:s17+s4], $0x80, v33, vm2, $0xb8;
	[tilespmem:$0x1BA80] =	vst v63  }
0x3ad: {  	s12 =	simm.s32 $0x18280  }
0x3ae: {  	[tilespmem:s12], [sflag:$0x4] =	stream.indirect_vreg.gather [hbm4b:s19+s4], $0x80, v33, vm2, $0xb8;
	[tilespmem:$0x1BA80] =	vst v63  }
0x3af: {  	v33 =	vld [tilespmem:s8+$0x70];
	_ =	sdelay $0x4  }
0x3b0: {  	v63 =	vshrl.u32 v33, $0x3  }
0x3b1: {  	v34 =	vmul.u32 $0x30, v63  }
0x3b2: {  	v33 =	vand.u32 $0x7, v33  }
0x3b3: {  	v33 =	vor.u32 v33, v34  }
0x3b4: {  	v34 =	vperm.xlane v33, v17;
	_ =	sdelay $0x1  }
0x3b5: {  	v34 =	vadd.s32 v18, v34;
	_ =	sdelay $0x3  }
0x3b6: {  	s12 =	simm.s32 $0x18A80;
	v33 =	vperm.xlane v33, v19  }
0x3b7: {  	[tilespmem:s12], [sflag:$0x4] =	stream.indirect_vreg.gather [hbm4b:s6+s4], $0x80, v34, vm2, $0xb8;
	[tilespmem:$0x1BA80] =	vst v63  }
0x3b8: {  	v33 =	vadd.s32 v18, v33;
	s12 =	simm.s32 $0x19280  }
0x3b9: {  	[tilespmem:s12], [sflag:$0x4] =	stream.indirect_vreg.gather [hbm4b:s17+s4], $0x80, v34, vm2, $0xb8;
	[tilespmem:$0x1BA80] =	vst v63  }
0x3ba: {  	s12 =	simm.s32 $0x19A80  }
0x3bb: {  	[tilespmem:s12], [sflag:$0x4] =	stream.indirect_vreg.gather [hbm4b:s19+s4], $0x80, v34, vm2, $0xb8;
	[tilespmem:$0x1BA80] =	vst v63  }
0x3bc: {  	s12 =	simm.s32 $0x1A280  }
0x3bd: {  	[tilespmem:s12], [sflag:$0x4] =	stream.indirect_vreg.gather [hbm4b:s6+s4], $0x80, v33, vm2, $0xb8;
	[tilespmem:$0x1BA80] =	vst v63  }
.Ltmp8:
0x3be: {  	_ = 	snop;
	(pc) =	sbr.rel .LBB2_6-.Ltmp8, $4  }
0x3bf: {  	s14 =	sadd.s32 $0x100, s14;
	s26 =	sadd.s32 $0x80, s26;
	s12 =	simm.s32 $0x1AA80  }
0x3c0: {  	[tilespmem:s12], [sflag:$0x4] =	stream.indirect_vreg.gather [hbm4b:s17+s4], $0x80, v33, vm2, $0xb8;
	[tilespmem:$0x1BA80] =	vst v63  }
0x3c1: {  	s16 =	sadd.s32 $0x3000, s16;
	s8 =	sadd.s32 $0x80, s8;
	s12 =	simm.s32 $0x1B280  }
0x3c2: {  	[tilespmem:s12], [sflag:$0x4] =	stream.indirect_vreg.gather [hbm4b:s19+s4], $0x80, v33, vm2, $0xb8;
	[tilespmem:$0x1BA80] =	vst v63  }
.LBB2_15:
0x3c3: {  	_ =	sfence.sel $0x180000  }
0x3c4: {  	[bflag:$0x0] =	sbarrier.arrive $0xFFFF  }
0x3c5: {  	_ =	strace $0x90000047  }
0x3c6: {  	s0 =	stileid.u32;
	[bflag:$0x2] =	sbarrier.arrive $0xFFFF  }
0x3c7: {  	p0 =	sne.s32 s0, $0x0;
	s0 =	rddreg [dreg:$0x4]  }
0x3c8: {  	s0 =	sadd.s32 @!p0 $0x100000, s0  }
0x3c9: {  	[sflag:s0] =	ssyncadd.tile.s32 @!p0 $0x1;
	_ =	shalt  }
.Lfunc_end2:
_tile_overlayer_lowered:
.L_overlay_start_2:
0x3ca: {  	(tag) =	ssettag $0x2  }
0x3cb: {  	s0 =	rddreg [dreg:$0x0];
	s2 =	stileid.u32  }
0x3cc: {  	s1 =	rddreg [dreg:$0x1];
	p0 =	sne.s32 s2, $0x0  }
0x3cd: {  	s3 =	rddreg [dreg:$0x2];
	[bflag:$0x3] =	sbarrier.arrive $0xFFFF;
	s2 =	simm.s32 @!p0 $0x1C09  }
0x3ce: {  	[timem:s3], [sflag:s2] =	dma.local @!p0 [hbm:s0], s1  }
0x3cf: {  	s0 =	simm.s32 @!p0 $0x9  }
0x3d0: {  	_ =	swait.ge @!p0 [sflag:s0], s1  }
0x3d1: {  	s1 =	ssub.s32 @!p0 $0x0, s1;
	[sflag:s0] =	ssyncset.done @!p0 $0x0  }
0x3d2: {  	[sflag:s0] =	ssyncadd.s32 @!p0 s1  }
0x3d3: {  	[bflag:$0x3] =	sbarrier.arrive $0xFFFF  }
0x3d4: {  	_ =	shalt  }

</sc_bundles>
